<compile_context>
chip_gen: v7x
topology: tpu7x:2x2x1
jax: 0.10.2.dev20260603
libtpu: 0.0.44.dev20260713+nightly
codegen_flags: <defaults>
</compile_context>

<pallas_src>
import functools

import jax
import jax.numpy as jnp
import numpy as np
from jax import lax
from jax.experimental import pallas as pl
from jax.experimental.pallas import tpu as pltpu
from jax.experimental.pallas import tpu_sc as plsc

N = 2048
P = 16384
D = 1024
HID = 150
HP = 256
B = 512
NC, NS = 2, 16
NW = NC * NS
H = P // 2
NBH = H // B
PPW = H // NW
C = 32
NCH = PPW // C
BF16 = jnp.bfloat16
I32 = jnp.int32
DW = D // 2
HW = HP // 2
F32 = jnp.float32


def _rnd(x):
    b = lax.bitcast_convert_type(x, jnp.int32)
    return b + 0x7FFF + ((b >> 16) & 1)


def _pack(x, half):
    xl = x[:, :half]
    xh = x[:, half:]
    return (lax.shift_right_logical(_rnd(xl), 16)
            | (_rnd(xh) & jnp.int32(-65536)))


def _prep_kernel(g_ref, w1a_ref, w1b_ref, ms_ref, b1_ref, e48_ref, w1d_ref,
                 gb_ref, gm_ref, ga_ref, phi_ref):
    g = g_ref[...]
    col = lax.broadcasted_iota(jnp.int32, (1, HP), 1)
    ms = ms_ref[...]
    ms_hi = ms.astype(jnp.bfloat16).astype(F32)
    ms_lo = ms - ms_hi
    sel = lambda c: (col == c).astype(F32)
    gb_ref[...] = _pack(g, DW)
    gm = (jnp.dot(g, w1a_ref[...], preferred_element_type=F32)
          + b1_ref[...] + ms_hi * sel(150) + ms_lo * sel(151))
    ga = (jnp.dot(g, w1b_ref[...], preferred_element_type=F32)
          + ms_hi * sel(152) + ms_lo * sel(153))
    gm_ref[...] = _pack(gm, HW)
    ga_ref[...] = _pack(ga, HW)
    phi_ref[...] = jnp.dot(e48_ref[...], w1d_ref[...], preferred_element_type=F32)


def _sc_body(half, g_hbm, gm_hbm, ga_hbm, mid_hbm, aid_hbm,
             xi_hbm, xj_hbm, am_hbm, aa_hbm,
             midx, aidx, gi, gj, gm, ga,
             s_gi, s_gj, s_gm, s_ga, s_wi, s_wj, s_wm, s_wa):
    wid = lax.axis_index("s") * NC + lax.axis_index("c")
    base = wid * PPW
    src = half * H + base
    pltpu.sync_copy(mid_hbm.at[pl.ds(src, PPW)], midx)
    pltpu.sync_copy(aid_hbm.at[pl.ds(src, PPW)], aidx)

    def gather_descs(k):
        off = (k % 3) * C
        i_idx = midx.at[pl.ds(k * C, C)]
        j_idx = aidx.at[pl.ds(k * C, C)]
        return (
            (g_hbm.at[i_idx], gi.at[pl.ds(off, C)], s_gi),
            (g_hbm.at[j_idx], gj.at[pl.ds(off, C)], s_gj),
            (gm_hbm.at[i_idx], gm.at[pl.ds(off, C)], s_gm),
            (ga_hbm.at[j_idx], ga.at[pl.ds(off, C)], s_ga),
        )

    def write_descs(k):
        off = (k % 3) * C
        row = base + k * C
        return (
            (gi.at[pl.ds(off, C)], xi_hbm.at[pl.ds(row, C)], s_wi),
            (gj.at[pl.ds(off, C)], xj_hbm.at[pl.ds(row, C)], s_wj),
            (gm.at[pl.ds(off, C)], am_hbm.at[pl.ds(row, C)], s_wm),
            (ga.at[pl.ds(off, C)], aa_hbm.at[pl.ds(row, C)], s_wa),
        )

    def issue(descs):
        for s, d, sem in descs:
            pltpu.async_copy(s, d, sem)

    def wait(descs):
        for s, d, sem in descs:
            pltpu.make_async_copy(s, d, sem).wait()

    issue(gather_descs(0))

    def chunk(k, _):
        @pl.when(k + 1 < NCH)
        def _():
            @pl.when(k >= 2)
            def _():
                wait(write_descs(k - 2))
            issue(gather_descs(k + 1))

        wait(gather_descs(k))
        issue(write_descs(k))
        return 0

    lax.fori_loop(0, NCH, chunk, 0)
    wait(write_descs(NCH - 3))
    wait(write_descs(NCH - 2))
    wait(write_descs(NCH - 1))


def _unpk(w):
    lo = lax.bitcast_convert_type(w << 16, F32)
    hi = lax.bitcast_convert_type(w & jnp.int32(-65536), F32)
    return lo, hi


def _mlp_kernel(xi_ref, xj_ref, am_ref, aa_ref, mid_ref, did_ref, gid_ref,
                sid_ref, w1c_ref, phi_ref, w2_ref, b2_ref,
                w3_ref, b3_ref, mh1_ref, msv_ref, e_ref, den_ref):
    i = pl.program_id(0)
    xie, xio = _unpk(xi_ref[...])
    xje, xjo = _unpk(xj_ref[...])
    pe = (xie * xje).astype(BF16)
    po = (xio * xjo).astype(BF16)
    p = jnp.concatenate([pe, po], axis=1)
    ame, amo = _unpk(am_ref[...])
    aae, aao = _unpk(aa_ref[...])
    aff = jnp.concatenate([ame + aae, amo + aao], axis=1)

    d = did_ref[0, 0, :].reshape(1, B)
    gd = gid_ref[0, 0, :].reshape(1, B)
    sp = sid_ref[0, 0, :].reshape(1, B)
    i48 = lax.broadcasted_iota(jnp.int32, (48, B), 0)
    ohT = ((i48 == d) | (i48 == gd + 16) | (i48 == sp + 32)).astype(F32)

    h1 = jnp.dot(p, w1c_ref[...], preferred_element_type=F32)
    h1 = h1 + lax.dot_general(ohT, phi_ref[...], (((0,), (0,)), ((), ())),
                              preferred_element_type=F32)
    h1 = jnp.maximum(h1 + aff * mh1_ref[...], 0.0)
    h2 = jnp.maximum(jnp.dot(h1, w2_ref[...], preferred_element_type=F32)
                     + b2_ref[...], 0.0)
    sij = lax.dot_general(w3_ref[...], h2, (((1,), (1,)), ((), ())),
                          preferred_element_type=F32)
    sv = lax.dot_general(msv_ref[...], aff, (((1,), (1,)), ((), ())),
                         preferred_element_type=F32)
    e = jnp.exp(sij + sv + b3_ref[...])
    e_ref[...] = e.reshape(1, 1, B)

    mid = mid_ref[0, 0, :].reshape(1, B)
    iN = lax.broadcasted_iota(jnp.int32, (N, B), 0)
    maskT = (iN == mid).astype(F32)

    @pl.when(i == 0)
    def _():
        den_ref[...] = jnp.ones_like(den_ref)

    den_ref[...] += lax.dot_general(e, maskT, (((1,), (1,)), ((), ())),
                                    preferred_element_type=F32)


def _probs_kernel(e_ref, mid_ref, den0_ref, den1_ref, p_ref, eps_ref):
    i = pl.program_id(0)
    den = den0_ref[...] + den1_ref[...] - 1.0
    e = e_ref[0, 0, :].reshape(1, B)
    mid = mid_ref[0, 0, :].reshape(1, B)
    iN = lax.broadcasted_iota(jnp.int32, (N, B), 0)
    maskT = (iN == mid).astype(F32)
    dsel = lax.dot_general(den, maskT, (((1,), (0,)), ((), ())),
                           preferred_element_type=F32)
    p_ref[...] = (e / dsel).reshape(1, 1, B)

    @pl.when(i == 0)
    def _():
        eps_ref[...] = 1.0 / den


def kernel(g_i, mention_scores, mention_ids, antecedent_ids, distance_ids,
           genre_ids, speaker_ids, W_dist, W_genre, W_speaker,
           W1, b1, W2, b2, W3, b3):
    pad = HP - HID
    w1aT = jnp.pad(W1[:, :D].T, ((0, 0), (0, pad)))
    w1bT = jnp.pad(W1[:, D:2 * D].T, ((0, 0), (0, pad)))
    w1cT = jnp.pad(W1[:, 2 * D:3 * D].T, ((0, 0), (0, pad)))
    w1dT = jnp.pad(W1[:, 3 * D:].T, ((0, 0), (0, pad)))
    b1p = jnp.pad(b1, (0, pad)).reshape(1, HP)
    b2p = jnp.pad(b2, (0, pad)).reshape(1, HP)
    w3row = jnp.pad(W3[0], (0, pad)).reshape(1, HP)
    b3a = b3.reshape(1, 1)
    e48 = jnp.zeros((48, 60), F32)
    e48 = e48.at[0:9, 0:20].set(W_dist)
    e48 = e48.at[16:24, 20:40].set(W_genre)
    e48 = e48.at[32:35, 40:60].set(W_speaker)

    g3, gm3, ga3, phiT = pl.pallas_call(
        _prep_kernel,
        out_shape=[
            jax.ShapeDtypeStruct((N, DW), I32),
            jax.ShapeDtypeStruct((N, HW), I32),
            jax.ShapeDtypeStruct((N, HW), I32),
            jax.ShapeDtypeStruct((48, HP), F32),
        ],
    )(g_i, w1aT, w1bT, mention_scores, b1p, e48, w1dT)

    sc = [pl.kernel(
        functools.partial(_sc_body, h),
        out_type=[
            jax.ShapeDtypeStruct((H, DW), I32),
            jax.ShapeDtypeStruct((H, DW), I32),
            jax.ShapeDtypeStruct((H, HW), I32),
            jax.ShapeDtypeStruct((H, HW), I32),
        ],
        mesh=plsc.VectorSubcoreMesh(core_axis_name="c", subcore_axis_name="s",
                                    num_cores=NC, num_subcores=NS),
        scratch_types=[
            pltpu.VMEM((PPW,), jnp.int32),
            pltpu.VMEM((PPW,), jnp.int32),
            pltpu.VMEM((3 * C, DW), I32),
            pltpu.VMEM((3 * C, DW), I32),
            pltpu.VMEM((3 * C, HW), I32),
            pltpu.VMEM((3 * C, HW), I32),
        ] + [pltpu.SemaphoreType.DMA] * 8,
    ) for h in range(2)]
    NB2 = P // B
    mid3 = mention_ids.reshape(NB2, 1, B)
    did3 = distance_ids.reshape(NB2, 1, B)
    gid3 = genre_ids.reshape(NB2, 1, B)
    sid3 = speaker_ids.reshape(NB2, 1, B)
    w2T = jnp.pad(W2.T, ((0, pad), (0, pad)))

    row = lambda i: (i, 0)
    blk3 = lambda i: (i, 0, 0)
    full2 = lambda i: (0, 0)

    def make_mlp(h):
        hblk = lambda i: (i + h * NBH, 0, 0)
        return pl.pallas_call(
            _mlp_kernel,
            grid=(NBH,),
            in_specs=[
                pl.BlockSpec((B, DW), row),
                pl.BlockSpec((B, DW), row),
                pl.BlockSpec((B, HW), row),
                pl.BlockSpec((B, HW), row),
                pl.BlockSpec((1, 1, B), hblk),
                pl.BlockSpec((1, 1, B), hblk),
                pl.BlockSpec((1, 1, B), hblk),
                pl.BlockSpec((1, 1, B), hblk),
                pl.BlockSpec((D, HP), full2),
                pl.BlockSpec((48, HP), full2),
                pl.BlockSpec((HP, HP), full2),
                pl.BlockSpec((1, HP), full2),
                pl.BlockSpec((1, HP), full2),
                pl.BlockSpec((1, 1), full2),
                pl.BlockSpec((1, HP), full2),
                pl.BlockSpec((1, HP), full2),
            ],
            out_specs=[
                pl.BlockSpec((1, 1, B), blk3),
                pl.BlockSpec((1, N), full2),
            ],
            out_shape=[
                jax.ShapeDtypeStruct((NBH, 1, B), F32),
                jax.ShapeDtypeStruct((1, N), F32),
            ],
        )

    w1c_hi = w1cT.astype(BF16)
    col = np.arange(HP)
    mh1 = jnp.asarray((col < HID).astype(np.float32)).reshape(1, HP)
    msv = jnp.asarray(((col >= HID) & (col <= HID + 3))
                      .astype(np.float32)).reshape(1, HP)

    es, dens = [], []
    for h in range(2):
        xi, xj, am, aa = sc[h](g3, gm3, ga3, mention_ids, antecedent_ids)
        e3, den = make_mlp(h)(xi, xj, am, aa, mid3, did3, gid3, sid3,
                              w1c_hi, phiT, w2T, b2p, w3row, b3a, mh1, msv)
        es.append(e3)
        dens.append(den)

    ps = []
    for h in range(2):
        hblk = lambda i, h=h: (i + h * NBH, 0, 0)
        p3, eps = pl.pallas_call(
            _probs_kernel,
            grid=(NBH,),
            in_specs=[
                pl.BlockSpec((1, 1, B), blk3),
                pl.BlockSpec((1, 1, B), hblk),
                pl.BlockSpec((1, N), full2),
                pl.BlockSpec((1, N), full2),
            ],
            out_specs=[
                pl.BlockSpec((1, 1, B), blk3),
                pl.BlockSpec((1, N), full2),
            ],
            out_shape=[
                jax.ShapeDtypeStruct((NBH, 1, B), F32),
                jax.ShapeDtypeStruct((1, N), F32),
            ],
        )(es[h], mid3, dens[0], dens[1])
        ps.append(p3)

    return jnp.concatenate([ps[0].reshape(H), ps[1].reshape(H),
                            eps.reshape(N)])

# --- scband reference (transcript-rebuilt; emitter-appended) ---
"""Pipeline reference for scband-pairwise-score-49254684950905 (READ-ONLY COPY).

The authoritative reference and input builder live on the scoring server;
editing this copy changes nothing except your own understanding.
"""

import jax, jax.numpy as jnp
import numpy as np

N_MENTIONS = 2048
P_PAIRS = 16384
D_G = 1024
DIST_DIM = 20
GENRE_DIM = 20
SPK_DIM = 20
GIJ = 3 * D_G + DIST_DIM + GENRE_DIM + SPK_DIM  # 3132
HID = 150


def setup_inputs(seed: int = 0) -> dict:
    key = jax.random.key(seed)
    ks = jax.random.split(key, 16)
    g_i = jax.random.normal(ks[0], (N_MENTIONS, D_G), dtype=jnp.float32)
    mention_scores = jax.random.normal(ks[1], (N_MENTIONS, 1), dtype=jnp.float32)
    mention_ids = jnp.sort(jax.random.randint(ks[2], (P_PAIRS,), 0, N_MENTIONS))
    antecedent_ids = jax.random.randint(ks[3], (P_PAIRS,), 0, N_MENTIONS)
    distance_ids = jax.random.randint(ks[4], (P_PAIRS,), 0, 9)   # len(bins)+1 = 9 bins
    genre_ids = jax.random.randint(ks[5], (P_PAIRS,), 0, 8)      # 7 genres + unk
    speaker_ids = jax.random.randint(ks[6], (P_PAIRS,), 0, 3)    # binary speaker + unk
    W_dist = jax.random.normal(ks[7], (9, DIST_DIM), dtype=jnp.float32) * 0.02
    W_genre = (jax.random.normal(ks[8], (8, GENRE_DIM), dtype=jnp.float32) * 0.02).at[0].set(0.0)  # padding_idx=0
    W_speaker = (jax.random.normal(ks[9], (3, SPK_DIM), dtype=jnp.float32) * 0.02).at[0].set(0.0)  # padding_idx=0
    W1 = jax.random.normal(ks[10], (HID, GIJ), dtype=jnp.float32) * (1.0 / np.sqrt(GIJ))
    b1 = jnp.zeros((HID,), dtype=jnp.float32)
    W2 = jax.random.normal(ks[11], (HID, HID), dtype=jnp.float32) * (1.0 / np.sqrt(HID))
    b2 = jnp.zeros((HID,), dtype=jnp.float32)
    W3 = jax.random.normal(ks[12], (1, HID), dtype=jnp.float32) * (1.0 / np.sqrt(HID))
    b3 = jnp.zeros((1,), dtype=jnp.float32)
    return {
        'g_i': g_i, 'mention_scores': mention_scores,
        'mention_ids': mention_ids, 'antecedent_ids': antecedent_ids,
        'distance_ids': distance_ids, 'genre_ids': genre_ids, 'speaker_ids': speaker_ids,
        'W_dist': W_dist, 'W_genre': W_genre, 'W_speaker': W_speaker,
        'W1': W1, 'b1': b1, 'W2': W2, 'b2': b2, 'W3': W3, 'b3': b3,
    }


def reference(g_i, mention_scores, mention_ids, antecedent_ids, distance_ids,
              genre_ids, speaker_ids, W_dist, W_genre, W_speaker,
              W1, b1, W2, b2, W3, b3):
    # phi = [distance_embed ; genre_embed ; speaker_embed]  (dropout is identity in eval)
    phi = jnp.concatenate([
        jnp.take(W_dist, distance_ids, axis=0),
        jnp.take(W_genre, genre_ids, axis=0),
        jnp.take(W_speaker, speaker_ids, axis=0),
    ], axis=1)
    i_g = jnp.take(g_i, mention_ids, axis=0)          # index_select
    j_g = jnp.take(g_i, antecedent_ids, axis=0)       # index_select
    pairs = jnp.concatenate([i_g, j_g, i_g * j_g, phi], axis=1)  # [P, GIJ]
    # Score MLP: Linear->ReLU->Linear->ReLU->Linear
    h = jax.nn.relu(pairs @ W1.T + b1)
    h = jax.nn.relu(h @ W2.T + b2)
    s_ij = h @ W3.T + b3                              # [P, 1]
    s_i = jnp.take(mention_scores, mention_ids, axis=0)
    s_j = jnp.take(mention_scores, antecedent_ids, axis=0)
    coref = (s_i + s_j + s_ij)[:, 0]                  # [P]
    # Ragged per-span softmax over each span's antecedent scores plus epsilon=0.0
    seg = mention_ids
    m = jnp.maximum(jax.ops.segment_max(coref, seg, num_segments=N_MENTIONS), 0.0)
    m = jax.lax.stop_gradient(m)
    exp_pair = jnp.exp(coref - m[seg])
    eps_exp = jnp.exp(-m)
    denom = jax.ops.segment_sum(exp_pair, seg, num_segments=N_MENTIONS) + eps_exp
    pair_probs = exp_pair / denom[seg]                # [P] ragged softmax probs
    eps_probs = eps_exp / denom                       # [N] epsilon (no-antecedent) probs
    return jnp.concatenate([pair_probs, eps_probs])   # flat layout of ragged probs

if __name__ == "__main__":
    import jax
    _d = setup_inputs()
    print(jax.jit(kernel)(*tuple(_d.values())))

</pallas_src>

<mosaic_0001>
#map = affine_map<(d0, d1) -> (0, 0)>
#map1 = affine_map<(d0, d1) -> (0)>
module attributes {stable_mosaic.version = 14 : i64} {
  func.func @_sc_body(%arg0: i32, %arg1: i32, %arg2: memref<2048x512xi32, #tpu.memory_space<hbm>>, %arg3: memref<2048x128xi32, #tpu.memory_space<hbm>>, %arg4: memref<2048x128xi32, #tpu.memory_space<hbm>>, %arg5: memref<16384xi32, #tpu.memory_space<hbm>>, %arg6: memref<16384xi32, #tpu.memory_space<hbm>>, %arg7: memref<8192x512xi32, #tpu.memory_space<hbm>>, %arg8: memref<8192x512xi32, #tpu.memory_space<hbm>>, %arg9: memref<8192x128xi32, #tpu.memory_space<hbm>>, %arg10: memref<8192x128xi32, #tpu.memory_space<hbm>>, %arg11: memref<256xi32, #tpu.memory_space<vmem>>, %arg12: memref<256xi32, #tpu.memory_space<vmem>>, %arg13: memref<96x512xi32, #tpu.memory_space<vmem>>, %arg14: memref<96x512xi32, #tpu.memory_space<vmem>>, %arg15: memref<96x128xi32, #tpu.memory_space<vmem>>, %arg16: memref<96x128xi32, #tpu.memory_space<vmem>>, %arg17: memref<!tpu.dma_semaphore, #tpu.memory_space<semaphore_mem>>, %arg18: memref<!tpu.dma_semaphore, #tpu.memory_space<semaphore_mem>>, %arg19: memref<!tpu.dma_semaphore, #tpu.memory_space<semaphore_mem>>, %arg20: memref<!tpu.dma_semaphore, #tpu.memory_space<semaphore_mem>>, %arg21: memref<!tpu.dma_semaphore, #tpu.memory_space<semaphore_mem>>, %arg22: memref<!tpu.dma_semaphore, #tpu.memory_space<semaphore_mem>>, %arg23: memref<!tpu.dma_semaphore, #tpu.memory_space<semaphore_mem>>, %arg24: memref<!tpu.dma_semaphore, #tpu.memory_space<semaphore_mem>>) attributes {dimension_semantics = [#tpu.dimension_semantics<core_parallel>, #tpu.dimension_semantics<subcore_parallel>], iteration_bounds = array<i64: 2, 16>, scalar_prefetch = 0 : i64, scratch_operands = 14 : i64, tpu.core_type = #tpu.core_type<sc_vector_subcore>, window_params = [{transform_indices = #map}, {transform_indices = #map}, {transform_indices = #map}, {transform_indices = #map1}, {transform_indices = #map1}, {transform_indices = #map}, {transform_indices = #map}, {transform_indices = #map}, {transform_indices = #map}]} {
    %mul3A = arith.constant 2 : i32
    %mul3A_0 = arith.muli %arg1, %mul3A : i32
    %add3A = arith.addi %mul3A_0, %arg0 : i32
    %mul3A_1 = arith.constant 256 : i32
    %mul3A_2 = arith.muli %add3A, %mul3A_1 : i32
    %add3A_3 = arith.constant 0 : i32
    %add3A_4 = arith.addi %add3A_3, %mul3A_2 : i32
    "tpu.region"() ({
      %run_scoped3A = tpu.sem_alloc : memref<!tpu.dma_semaphore, #tpu.memory_space<semaphore_mem>>
      %dma_start3A_167 = tpu.memref_slice %arg5[%add3A_4] : memref<16384xi32, #tpu.memory_space<hbm>> -> memref<256xi32, #tpu.memory_space<hbm>>
      %dma_start3A_168 = tpu.memref_slice %arg5[%add3A_4] : memref<16384xi32, #tpu.memory_space<hbm>> -> memref<256xi32, #tpu.memory_space<hbm>>
      tpu.enqueue_dma source(%dma_start3A_168 : memref<256xi32, #tpu.memory_space<hbm>>) target(%arg11 : memref<256xi32, #tpu.memory_space<vmem>>) target_semaphore(%run_scoped3A : memref<!tpu.dma_semaphore, #tpu.memory_space<semaphore_mem>>)
      %dma_wait3A_169 = tpu.memref_slice %arg5[%add3A_4] : memref<16384xi32, #tpu.memory_space<hbm>> -> memref<256xi32, #tpu.memory_space<hbm>>
      %dma_wait3A_170 = tpu.memref_slice %arg5[%add3A_4] : memref<16384xi32, #tpu.memory_space<hbm>> -> memref<256xi32, #tpu.memory_space<hbm>>
      tpu.wait_dma2 semaphore(%run_scoped3A : memref<!tpu.dma_semaphore, #tpu.memory_space<semaphore_mem>>) src(%dma_wait3A_170 : memref<256xi32, #tpu.memory_space<hbm>>) dst(%arg11 : memref<256xi32, #tpu.memory_space<vmem>>)
      tpu.yield
    }) : () -> ()
    "tpu.region"() ({
      %run_scoped3A = tpu.sem_alloc : memref<!tpu.dma_semaphore, #tpu.memory_space<semaphore_mem>>
      %dma_start3A_167 = tpu.memref_slice %arg6[%add3A_4] : memref<16384xi32, #tpu.memory_space<hbm>> -> memref<256xi32, #tpu.memory_space<hbm>>
      %dma_start3A_168 = tpu.memref_slice %arg6[%add3A_4] : memref<16384xi32, #tpu.memory_space<hbm>> -> memref<256xi32, #tpu.memory_space<hbm>>
      tpu.enqueue_dma source(%dma_start3A_168 : memref<256xi32, #tpu.memory_space<hbm>>) target(%arg12 : memref<256xi32, #tpu.memory_space<vmem>>) target_semaphore(%run_scoped3A : memref<!tpu.dma_semaphore, #tpu.memory_space<semaphore_mem>>)
      %dma_wait3A_169 = tpu.memref_slice %arg6[%add3A_4] : memref<16384xi32, #tpu.memory_space<hbm>> -> memref<256xi32, #tpu.memory_space<hbm>>
      %dma_wait3A_170 = tpu.memref_slice %arg6[%add3A_4] : memref<16384xi32, #tpu.memory_space<hbm>> -> memref<256xi32, #tpu.memory_space<hbm>>
      tpu.wait_dma2 semaphore(%run_scoped3A : memref<!tpu.dma_semaphore, #tpu.memory_space<semaphore_mem>>) src(%dma_wait3A_170 : memref<256xi32, #tpu.memory_space<hbm>>) dst(%arg12 : memref<256xi32, #tpu.memory_space<vmem>>)
      tpu.yield
    }) : () -> ()
    %dma_start3A = arith.constant 0 : i32
    %dma_start3A_5 = arith.constant 0 : i32
    %dma_start3A_6 = tpu.memref_slice %arg13[%dma_start3A, %dma_start3A_5] : memref<96x512xi32, #tpu.memory_space<vmem>> -> memref<32x512xi32, #tpu.memory_space<vmem>>
    %dma_start3A_7 = arith.constant 0 : i32
    %dma_start3A_8 = tpu.memref_slice %arg11[%dma_start3A_7] : memref<256xi32, #tpu.memory_space<vmem>> -> memref<32xi32, #tpu.memory_space<vmem>>
    %dma_start3A_9 = arith.constant 0 : i32
    %dma_start3A_10 = arith.constant 0 : i32
    %dma_start3A_11 = tpu.memref_slice %arg2[%dma_start3A_9, %dma_start3A_10] : memref<2048x512xi32, #tpu.memory_space<hbm>> -> memref<2048x512xi32, #tpu.memory_space<hbm>>
    tpu.enqueue_indirect_dma source(%dma_start3A_11 : memref<2048x512xi32, #tpu.memory_space<hbm>>) target(%dma_start3A_6 : memref<32x512xi32, #tpu.memory_space<vmem>>) offsets(%dma_start3A_8 : memref<32xi32, #tpu.memory_space<vmem>>) semaphore(%arg17 : memref<!tpu.dma_semaphore, #tpu.memory_space<semaphore_mem>>)
    %dma_start3A_12 = arith.constant 0 : i32
    %dma_start3A_13 = arith.constant 0 : i32
    %dma_start3A_14 = tpu.memref_slice %arg14[%dma_start3A_12, %dma_start3A_13] : memref<96x512xi32, #tpu.memory_space<vmem>> -> memref<32x512xi32, #tpu.memory_space<vmem>>
    %dma_start3A_15 = arith.constant 0 : i32
    %dma_start3A_16 = tpu.memref_slice %arg12[%dma_start3A_15] : memref<256xi32, #tpu.memory_space<vmem>> -> memref<32xi32, #tpu.memory_space<vmem>>
    %dma_start3A_17 = arith.constant 0 : i32
    %dma_start3A_18 = arith.constant 0 : i32
    %dma_start3A_19 = tpu.memref_slice %arg2[%dma_start3A_17, %dma_start3A_18] : memref<2048x512xi32, #tpu.memory_space<hbm>> -> memref<2048x512xi32, #tpu.memory_space<hbm>>
    tpu.enqueue_indirect_dma source(%dma_start3A_19 : memref<2048x512xi32, #tpu.memory_space<hbm>>) target(%dma_start3A_14 : memref<32x512xi32, #tpu.memory_space<vmem>>) offsets(%dma_start3A_16 : memref<32xi32, #tpu.memory_space<vmem>>) semaphore(%arg18 : memref<!tpu.dma_semaphore, #tpu.memory_space<semaphore_mem>>)
    %dma_start3A_20 = arith.constant 0 : i32
    %dma_start3A_21 = arith.constant 0 : i32
    %dma_start3A_22 = tpu.memref_slice %arg15[%dma_start3A_20, %dma_start3A_21] : memref<96x128xi32, #tpu.memory_space<vmem>> -> memref<32x128xi32, #tpu.memory_space<vmem>>
    %dma_start3A_23 = arith.constant 0 : i32
    %dma_start3A_24 = tpu.memref_slice %arg11[%dma_start3A_23] : memref<256xi32, #tpu.memory_space<vmem>> -> memref<32xi32, #tpu.memory_space<vmem>>
    %dma_start3A_25 = arith.constant 0 : i32
    %dma_start3A_26 = arith.constant 0 : i32
    %dma_start3A_27 = tpu.memref_slice %arg3[%dma_start3A_25, %dma_start3A_26] : memref<2048x128xi32, #tpu.memory_space<hbm>> -> memref<2048x128xi32, #tpu.memory_space<hbm>>
    tpu.enqueue_indirect_dma source(%dma_start3A_27 : memref<2048x128xi32, #tpu.memory_space<hbm>>) target(%dma_start3A_22 : memref<32x128xi32, #tpu.memory_space<vmem>>) offsets(%dma_start3A_24 : memref<32xi32, #tpu.memory_space<vmem>>) semaphore(%arg19 : memref<!tpu.dma_semaphore, #tpu.memory_space<semaphore_mem>>)
    %dma_start3A_28 = arith.constant 0 : i32
    %dma_start3A_29 = arith.constant 0 : i32
    %dma_start3A_30 = tpu.memref_slice %arg16[%dma_start3A_28, %dma_start3A_29] : memref<96x128xi32, #tpu.memory_space<vmem>> -> memref<32x128xi32, #tpu.memory_space<vmem>>
    %dma_start3A_31 = arith.constant 0 : i32
    %dma_start3A_32 = tpu.memref_slice %arg12[%dma_start3A_31] : memref<256xi32, #tpu.memory_space<vmem>> -> memref<32xi32, #tpu.memory_space<vmem>>
    %dma_start3A_33 = arith.constant 0 : i32
    %dma_start3A_34 = arith.constant 0 : i32
    %dma_start3A_35 = tpu.memref_slice %arg4[%dma_start3A_33, %dma_start3A_34] : memref<2048x128xi32, #tpu.memory_space<hbm>> -> memref<2048x128xi32, #tpu.memory_space<hbm>>
    tpu.enqueue_indirect_dma source(%dma_start3A_35 : memref<2048x128xi32, #tpu.memory_space<hbm>>) target(%dma_start3A_30 : memref<32x128xi32, #tpu.memory_space<vmem>>) offsets(%dma_start3A_32 : memref<32xi32, #tpu.memory_space<vmem>>) semaphore(%arg20 : memref<!tpu.dma_semaphore, #tpu.memory_space<semaphore_mem>>)
    %scan3A = arith.constant 0 : i32
    %scan3A_36 = arith.constant 0 : i32
    %scan3A_37 = arith.constant 8 : i32
    %scan3A_38 = arith.addi %scan3A_36, %scan3A_37 : i32
    %scan3A_39 = arith.constant 1 : i32
    %scan3A_40 = scf.for %scan3A_167 = %scan3A_36 to %scan3A_38 step %scan3A_39 iter_args(%scan3A_168 = %scan3A) -> (i32)  : i32 {
      %add3A_169 = arith.constant 1 : i32
      %add3A_170 = arith.addi %scan3A_167, %add3A_169 : i32
      %lt3A = arith.constant 8 : i32
      %lt3A_171 = arith.cmpi slt, %add3A_170, %lt3A : i32
      %convert_element_type3A = arith.extui %lt3A_171 : i1 to i32
      %cond3A = arith.constant 0 : i32
      %cond3A_172 = arith.cmpi ne, %convert_element_type3A, %cond3A : i32
      scf.if %cond3A_172 {
        %ge3A = arith.constant 2 : i32
        %ge3A_267 = arith.cmpi sge, %scan3A_167, %ge3A : i32
        %convert_element_type3A_268 = arith.extui %ge3A_267 : i1 to i32
        %cond3A_269 = arith.constant 0 : i32
        %cond3A_270 = arith.cmpi ne, %convert_element_type3A_268, %cond3A_269 : i32
        scf.if %cond3A_270 {
          %sub3A = arith.constant 2 : i32
          %sub3A_319 = arith.subi %scan3A_167, %sub3A : i32
          %jit3A_320 = arith.constant 3 : i32
          %eq3A_321 = arith.constant 0 : i32
          %eq3A_322 = arith.cmpi eq, %jit3A_320, %eq3A_321 : i32
          %jit3A_323 = arith.constant 1 : i32
          %select_n3A_324 = arith.select %eq3A_322, %jit3A_323, %jit3A_320 : i32
          %rem3A_325 = arith.remsi %sub3A_319, %select_n3A_324 : i32
          %ne3A_326 = arith.constant 0 : i32
          %ne3A_327 = arith.cmpi ne, %rem3A_325, %ne3A_326 : i32
          %lt3A_328 = arith.constant 0 : i32
          %lt3A_329 = arith.cmpi slt, %rem3A_325, %lt3A_328 : i32
          %lt3A_330 = arith.constant 0 : i32
          %lt3A_331 = arith.cmpi slt, %select_n3A_324, %lt3A_330 : i32
          %ne3A_332 = arith.xori %lt3A_329, %lt3A_331 : i1
          %and3A_333 = arith.andi %ne3A_332, %ne3A_327 : i1
          %add3A_334 = arith.addi %rem3A_325, %select_n3A_324 : i32
          %select_n3A_335 = arith.select %and3A_333, %add3A_334, %rem3A_325 : i32
          %mul3A_336 = arith.constant 32 : i32
          %mul3A_337 = arith.muli %select_n3A_335, %mul3A_336 : i32
          %mul3A_338 = arith.constant 32 : i32
          %mul3A_339 = arith.muli %sub3A_319, %mul3A_338 : i32
          %add3A_340 = arith.addi %mul3A_2, %mul3A_339 : i32
          %dma_wait3A_341 = arith.constant 0 : i32
          %dma_wait3A_342 = tpu.memref_slice %arg13[%mul3A_337, %dma_wait3A_341] : memref<96x512xi32, #tpu.memory_space<vmem>> -> memref<32x512xi32, #tpu.memory_space<vmem>>
          %dma_wait3A_343 = arith.constant 0 : i32
          %dma_wait3A_344 = tpu.memref_slice %arg7[%add3A_340, %dma_wait3A_343] : memref<8192x512xi32, #tpu.memory_space<hbm>> -> memref<32x512xi32, #tpu.memory_space<hbm>>
          %dma_wait3A_345 = arith.constant 0 : i32
          %dma_wait3A_346 = tpu.memref_slice %arg7[%add3A_340, %dma_wait3A_345] : memref<8192x512xi32, #tpu.memory_space<hbm>> -> memref<32x512xi32, #tpu.memory_space<hbm>>
          %dma_wait3A_347 = arith.constant 0 : i32
          %dma_wait3A_348 = tpu.memref_slice %arg13[%mul3A_337, %dma_wait3A_347] : memref<96x512xi32, #tpu.memory_space<vmem>> -> memref<32x512xi32, #tpu.memory_space<vmem>>
          tpu.wait_dma2 semaphore(%arg21 : memref<!tpu.dma_semaphore, #tpu.memory_space<semaphore_mem>>) src(%dma_wait3A_348 : memref<32x512xi32, #tpu.memory_space<vmem>>) dst(%dma_wait3A_346 : memref<32x512xi32, #tpu.memory_space<hbm>>)
          %dma_wait3A_349 = arith.constant 0 : i32
          %dma_wait3A_350 = tpu.memref_slice %arg14[%mul3A_337, %dma_wait3A_349] : memref<96x512xi32, #tpu.memory_space<vmem>> -> memref<32x512xi32, #tpu.memory_space<vmem>>
          %dma_wait3A_351 = arith.constant 0 : i32
          %dma_wait3A_352 = tpu.memref_slice %arg8[%add3A_340, %dma_wait3A_351] : memref<8192x512xi32, #tpu.memory_space<hbm>> -> memref<32x512xi32, #tpu.memory_space<hbm>>
          %dma_wait3A_353 = arith.constant 0 : i32
          %dma_wait3A_354 = tpu.memref_slice %arg8[%add3A_340, %dma_wait3A_353] : memref<8192x512xi32, #tpu.memory_space<hbm>> -> memref<32x512xi32, #tpu.memory_space<hbm>>
          %dma_wait3A_355 = arith.constant 0 : i32
          %dma_wait3A_356 = tpu.memref_slice %arg14[%mul3A_337, %dma_wait3A_355] : memref<96x512xi32, #tpu.memory_space<vmem>> -> memref<32x512xi32, #tpu.memory_space<vmem>>
          tpu.wait_dma2 semaphore(%arg22 : memref<!tpu.dma_semaphore, #tpu.memory_space<semaphore_mem>>) src(%dma_wait3A_356 : memref<32x512xi32, #tpu.memory_space<vmem>>) dst(%dma_wait3A_354 : memref<32x512xi32, #tpu.memory_space<hbm>>)
          %dma_wait3A_357 = arith.constant 0 : i32
          %dma_wait3A_358 = tpu.memref_slice %arg15[%mul3A_337, %dma_wait3A_357] : memref<96x128xi32, #tpu.memory_space<vmem>> -> memref<32x128xi32, #tpu.memory_space<vmem>>
          %dma_wait3A_359 = arith.constant 0 : i32
          %dma_wait3A_360 = tpu.memref_slice %arg9[%add3A_340, %dma_wait3A_359] : memref<8192x128xi32, #tpu.memory_space<hbm>> -> memref<32x128xi32, #tpu.memory_space<hbm>>
          %dma_wait3A_361 = arith.constant 0 : i32
          %dma_wait3A_362 = tpu.memref_slice %arg9[%add3A_340, %dma_wait3A_361] : memref<8192x128xi32, #tpu.memory_space<hbm>> -> memref<32x128xi32, #tpu.memory_space<hbm>>
          %dma_wait3A_363 = arith.constant 0 : i32
          %dma_wait3A_364 = tpu.memref_slice %arg15[%mul3A_337, %dma_wait3A_363] : memref<96x128xi32, #tpu.memory_space<vmem>> -> memref<32x128xi32, #tpu.memory_space<vmem>>
          tpu.wait_dma2 semaphore(%arg23 : memref<!tpu.dma_semaphore, #tpu.memory_space<semaphore_mem>>) src(%dma_wait3A_364 : memref<32x128xi32, #tpu.memory_space<vmem>>) dst(%dma_wait3A_362 : memref<32x128xi32, #tpu.memory_space<hbm>>)
          %dma_wait3A_365 = arith.constant 0 : i32
          %dma_wait3A_366 = tpu.memref_slice %arg16[%mul3A_337, %dma_wait3A_365] : memref<96x128xi32, #tpu.memory_space<vmem>> -> memref<32x128xi32, #tpu.memory_space<vmem>>
          %dma_wait3A_367 = arith.constant 0 : i32
          %dma_wait3A_368 = tpu.memref_slice %arg10[%add3A_340, %dma_wait3A_367] : memref<8192x128xi32, #tpu.memory_space<hbm>> -> memref<32x128xi32, #tpu.memory_space<hbm>>
          %dma_wait3A_369 = arith.constant 0 : i32
          %dma_wait3A_370 = tpu.memref_slice %arg10[%add3A_340, %dma_wait3A_369] : memref<8192x128xi32, #tpu.memory_space<hbm>> -> memref<32x128xi32, #tpu.memory_space<hbm>>
          %dma_wait3A_371 = arith.constant 0 : i32
          %dma_wait3A_372 = tpu.memref_slice %arg16[%mul3A_337, %dma_wait3A_371] : memref<96x128xi32, #tpu.memory_space<vmem>> -> memref<32x128xi32, #tpu.memory_space<vmem>>
          tpu.wait_dma2 semaphore(%arg24 : memref<!tpu.dma_semaphore, #tpu.memory_space<semaphore_mem>>) src(%dma_wait3A_372 : memref<32x128xi32, #tpu.memory_space<vmem>>) dst(%dma_wait3A_370 : memref<32x128xi32, #tpu.memory_space<hbm>>)
        } else {
        }
        %add3A_271 = arith.constant 1 : i32
        %add3A_272 = arith.addi %scan3A_167, %add3A_271 : i32
        %jit3A_273 = arith.constant 3 : i32
        %eq3A_274 = arith.constant 0 : i32
        %eq3A_275 = arith.cmpi eq, %jit3A_273, %eq3A_274 : i32
        %jit3A_276 = arith.constant 1 : i32
        %select_n3A_277 = arith.select %eq3A_275, %jit3A_276, %jit3A_273 : i32
        %rem3A_278 = arith.remsi %add3A_272, %select_n3A_277 : i32
        %ne3A_279 = arith.constant 0 : i32
        %ne3A_280 = arith.cmpi ne, %rem3A_278, %ne3A_279 : i32
        %lt3A_281 = arith.constant 0 : i32
        %lt3A_282 = arith.cmpi slt, %rem3A_278, %lt3A_281 : i32
        %lt3A_283 = arith.constant 0 : i32
        %lt3A_284 = arith.cmpi slt, %select_n3A_277, %lt3A_283 : i32
        %ne3A_285 = arith.xori %lt3A_282, %lt3A_284 : i1
        %and3A_286 = arith.andi %ne3A_285, %ne3A_280 : i1
        %add3A_287 = arith.addi %rem3A_278, %select_n3A_277 : i32
        %select_n3A_288 = arith.select %and3A_286, %add3A_287, %rem3A_278 : i32
        %mul3A_289 = arith.constant 32 : i32
        %mul3A_290 = arith.muli %select_n3A_288, %mul3A_289 : i32
        %mul3A_291 = arith.constant 32 : i32
        %mul3A_292 = arith.muli %add3A_272, %mul3A_291 : i32
        %mul3A_293 = arith.constant 32 : i32
        %mul3A_294 = arith.muli %add3A_272, %mul3A_293 : i32
        %dma_start3A_295 = arith.constant 0 : i32
        %dma_start3A_296 = tpu.memref_slice %arg13[%mul3A_290, %dma_start3A_295] : memref<96x512xi32, #tpu.memory_space<vmem>> -> memref<32x512xi32, #tpu.memory_space<vmem>>
        %dma_start3A_297 = tpu.memref_slice %arg11[%mul3A_292] : memref<256xi32, #tpu.memory_space<vmem>> -> memref<32xi32, #tpu.memory_space<vmem>>
        %dma_start3A_298 = arith.constant 0 : i32
        %dma_start3A_299 = arith.constant 0 : i32
        %dma_start3A_300 = tpu.memref_slice %arg2[%dma_start3A_298, %dma_start3A_299] : memref<2048x512xi32, #tpu.memory_space<hbm>> -> memref<2048x512xi32, #tpu.memory_space<hbm>>
        tpu.enqueue_indirect_dma source(%dma_start3A_300 : memref<2048x512xi32, #tpu.memory_space<hbm>>) target(%dma_start3A_296 : memref<32x512xi32, #tpu.memory_space<vmem>>) offsets(%dma_start3A_297 : memref<32xi32, #tpu.memory_space<vmem>>) semaphore(%arg17 : memref<!tpu.dma_semaphore, #tpu.memory_space<semaphore_mem>>)
        %dma_start3A_301 = arith.constant 0 : i32
        %dma_start3A_302 = tpu.memref_slice %arg14[%mul3A_290, %dma_start3A_301] : memref<96x512xi32, #tpu.memory_space<vmem>> -> memref<32x512xi32, #tpu.memory_space<vmem>>
        %dma_start3A_303 = tpu.memref_slice %arg12[%mul3A_294] : memref<256xi32, #tpu.memory_space<vmem>> -> memref<32xi32, #tpu.memory_space<vmem>>
        %dma_start3A_304 = arith.constant 0 : i32
        %dma_start3A_305 = arith.constant 0 : i32
        %dma_start3A_306 = tpu.memref_slice %arg2[%dma_start3A_304, %dma_start3A_305] : memref<2048x512xi32, #tpu.memory_space<hbm>> -> memref<2048x512xi32, #tpu.memory_space<hbm>>
        tpu.enqueue_indirect_dma source(%dma_start3A_306 : memref<2048x512xi32, #tpu.memory_space<hbm>>) target(%dma_start3A_302 : memref<32x512xi32, #tpu.memory_space<vmem>>) offsets(%dma_start3A_303 : memref<32xi32, #tpu.memory_space<vmem>>) semaphore(%arg18 : memref<!tpu.dma_semaphore, #tpu.memory_space<semaphore_mem>>)
        %dma_start3A_307 = arith.constant 0 : i32
        %dma_start3A_308 = tpu.memref_slice %arg15[%mul3A_290, %dma_start3A_307] : memref<96x128xi32, #tpu.memory_space<vmem>> -> memref<32x128xi32, #tpu.memory_space<vmem>>
        %dma_start3A_309 = tpu.memref_slice %arg11[%mul3A_292] : memref<256xi32, #tpu.memory_space<vmem>> -> memref<32xi32, #tpu.memory_space<vmem>>
        %dma_start3A_310 = arith.constant 0 : i32
        %dma_start3A_311 = arith.constant 0 : i32
        %dma_start3A_312 = tpu.memref_slice %arg3[%dma_start3A_310, %dma_start3A_311] : memref<2048x128xi32, #tpu.memory_space<hbm>> -> memref<2048x128xi32, #tpu.memory_space<hbm>>
        tpu.enqueue_indirect_dma source(%dma_start3A_312 : memref<2048x128xi32, #tpu.memory_space<hbm>>) target(%dma_start3A_308 : memref<32x128xi32, #tpu.memory_space<vmem>>) offsets(%dma_start3A_309 : memref<32xi32, #tpu.memory_space<vmem>>) semaphore(%arg19 : memref<!tpu.dma_semaphore, #tpu.memory_space<semaphore_mem>>)
        %dma_start3A_313 = arith.constant 0 : i32
        %dma_start3A_314 = tpu.memref_slice %arg16[%mul3A_290, %dma_start3A_313] : memref<96x128xi32, #tpu.memory_space<vmem>> -> memref<32x128xi32, #tpu.memory_space<vmem>>
        %dma_start3A_315 = tpu.memref_slice %arg12[%mul3A_294] : memref<256xi32, #tpu.memory_space<vmem>> -> memref<32xi32, #tpu.memory_space<vmem>>
        %dma_start3A_316 = arith.constant 0 : i32
        %dma_start3A_317 = arith.constant 0 : i32
        %dma_start3A_318 = tpu.memref_slice %arg4[%dma_start3A_316, %dma_start3A_317] : memref<2048x128xi32, #tpu.memory_space<hbm>> -> memref<2048x128xi32, #tpu.memory_space<hbm>>
        tpu.enqueue_indirect_dma source(%dma_start3A_318 : memref<2048x128xi32, #tpu.memory_space<hbm>>) target(%dma_start3A_314 : memref<32x128xi32, #tpu.memory_space<vmem>>) offsets(%dma_start3A_315 : memref<32xi32, #tpu.memory_space<vmem>>) semaphore(%arg20 : memref<!tpu.dma_semaphore, #tpu.memory_space<semaphore_mem>>)
      } else {
      }
      %jit3A = arith.constant 3 : i32
      %eq3A = arith.constant 0 : i32
      %eq3A_173 = arith.cmpi eq, %jit3A, %eq3A : i32
      %jit3A_174 = arith.constant 1 : i32
      %select_n3A = arith.select %eq3A_173, %jit3A_174, %jit3A : i32
      %rem3A = arith.remsi %scan3A_167, %select_n3A : i32
      %ne3A = arith.constant 0 : i32
      %ne3A_175 = arith.cmpi ne, %rem3A, %ne3A : i32
      %lt3A_176 = arith.constant 0 : i32
      %lt3A_177 = arith.cmpi slt, %rem3A, %lt3A_176 : i32
      %lt3A_178 = arith.constant 0 : i32
      %lt3A_179 = arith.cmpi slt, %select_n3A, %lt3A_178 : i32
      %ne3A_180 = arith.xori %lt3A_177, %lt3A_179 : i1
      %and3A = arith.andi %ne3A_180, %ne3A_175 : i1
      %add3A_181 = arith.addi %rem3A, %select_n3A : i32
      %select_n3A_182 = arith.select %and3A, %add3A_181, %rem3A : i32
      %mul3A_183 = arith.constant 32 : i32
      %mul3A_184 = arith.muli %select_n3A_182, %mul3A_183 : i32
      %mul3A_185 = arith.constant 32 : i32
      %mul3A_186 = arith.muli %scan3A_167, %mul3A_185 : i32
      %mul3A_187 = arith.constant 32 : i32
      %mul3A_188 = arith.muli %scan3A_167, %mul3A_187 : i32
      %dma_wait3A_189 = arith.constant 0 : i32
      %dma_wait3A_190 = tpu.memref_slice %arg13[%mul3A_184, %dma_wait3A_189] : memref<96x512xi32, #tpu.memory_space<vmem>> -> memref<32x512xi32, #tpu.memory_space<vmem>>
      %dma_wait3A_191 = tpu.memref_slice %arg11[%mul3A_186] : memref<256xi32, #tpu.memory_space<vmem>> -> memref<32xi32, #tpu.memory_space<vmem>>
      %dma_wait3A_192 = arith.constant 0 : i32
      %dma_wait3A_193 = arith.constant 0 : i32
      %dma_wait3A_194 = tpu.memref_slice %arg2[%dma_wait3A_192, %dma_wait3A_193] : memref<2048x512xi32, #tpu.memory_space<hbm>> -> memref<2048x512xi32, #tpu.memory_space<hbm>>
      tpu.wait_indirect_dma semaphore(%arg17 : memref<!tpu.dma_semaphore, #tpu.memory_space<semaphore_mem>>) src(%dma_wait3A_194 : memref<2048x512xi32, #tpu.memory_space<hbm>>) dst(%dma_wait3A_190 : memref<32x512xi32, #tpu.memory_space<vmem>>)
      %dma_wait3A_195 = arith.constant 0 : i32
      %dma_wait3A_196 = tpu.memref_slice %arg14[%mul3A_184, %dma_wait3A_195] : memref<96x512xi32, #tpu.memory_space<vmem>> -> memref<32x512xi32, #tpu.memory_space<vmem>>
      %dma_wait3A_197 = tpu.memref_slice %arg12[%mul3A_188] : memref<256xi32, #tpu.memory_space<vmem>> -> memref<32xi32, #tpu.memory_space<vmem>>
      %dma_wait3A_198 = arith.constant 0 : i32
      %dma_wait3A_199 = arith.constant 0 : i32
      %dma_wait3A_200 = tpu.memref_slice %arg2[%dma_wait3A_198, %dma_wait3A_199] : memref<2048x512xi32, #tpu.memory_space<hbm>> -> memref<2048x512xi32, #tpu.memory_space<hbm>>
      tpu.wait_indirect_dma semaphore(%arg18 : memref<!tpu.dma_semaphore, #tpu.memory_space<semaphore_mem>>) src(%dma_wait3A_200 : memref<2048x512xi32, #tpu.memory_space<hbm>>) dst(%dma_wait3A_196 : memref<32x512xi32, #tpu.memory_space<vmem>>)
      %dma_wait3A_201 = arith.constant 0 : i32
      %dma_wait3A_202 = tpu.memref_slice %arg15[%mul3A_184, %dma_wait3A_201] : memref<96x128xi32, #tpu.memory_space<vmem>> -> memref<32x128xi32, #tpu.memory_space<vmem>>
      %dma_wait3A_203 = tpu.memref_slice %arg11[%mul3A_186] : memref<256xi32, #tpu.memory_space<vmem>> -> memref<32xi32, #tpu.memory_space<vmem>>
      %dma_wait3A_204 = arith.constant 0 : i32
      %dma_wait3A_205 = arith.constant 0 : i32
      %dma_wait3A_206 = tpu.memref_slice %arg3[%dma_wait3A_204, %dma_wait3A_205] : memref<2048x128xi32, #tpu.memory_space<hbm>> -> memref<2048x128xi32, #tpu.memory_space<hbm>>
      tpu.wait_indirect_dma semaphore(%arg19 : memref<!tpu.dma_semaphore, #tpu.memory_space<semaphore_mem>>) src(%dma_wait3A_206 : memref<2048x128xi32, #tpu.memory_space<hbm>>) dst(%dma_wait3A_202 : memref<32x128xi32, #tpu.memory_space<vmem>>)
      %dma_wait3A_207 = arith.constant 0 : i32
      %dma_wait3A_208 = tpu.memref_slice %arg16[%mul3A_184, %dma_wait3A_207] : memref<96x128xi32, #tpu.memory_space<vmem>> -> memref<32x128xi32, #tpu.memory_space<vmem>>
      %dma_wait3A_209 = tpu.memref_slice %arg12[%mul3A_188] : memref<256xi32, #tpu.memory_space<vmem>> -> memref<32xi32, #tpu.memory_space<vmem>>
      %dma_wait3A_210 = arith.constant 0 : i32
      %dma_wait3A_211 = arith.constant 0 : i32
      %dma_wait3A_212 = tpu.memref_slice %arg4[%dma_wait3A_210, %dma_wait3A_211] : memref<2048x128xi32, #tpu.memory_space<hbm>> -> memref<2048x128xi32, #tpu.memory_space<hbm>>
      tpu.wait_indirect_dma semaphore(%arg20 : memref<!tpu.dma_semaphore, #tpu.memory_space<semaphore_mem>>) src(%dma_wait3A_212 : memref<2048x128xi32, #tpu.memory_space<hbm>>) dst(%dma_wait3A_208 : memref<32x128xi32, #tpu.memory_space<vmem>>)
      %jit3A_213 = arith.constant 3 : i32
      %eq3A_214 = arith.constant 0 : i32
      %eq3A_215 = arith.cmpi eq, %jit3A_213, %eq3A_214 : i32
      %jit3A_216 = arith.constant 1 : i32
      %select_n3A_217 = arith.select %eq3A_215, %jit3A_216, %jit3A_213 : i32
      %rem3A_218 = arith.remsi %scan3A_167, %select_n3A_217 : i32
      %ne3A_219 = arith.constant 0 : i32
      %ne3A_220 = arith.cmpi ne, %rem3A_218, %ne3A_219 : i32
      %lt3A_221 = arith.constant 0 : i32
      %lt3A_222 = arith.cmpi slt, %rem3A_218, %lt3A_221 : i32
      %lt3A_223 = arith.constant 0 : i32
      %lt3A_224 = arith.cmpi slt, %select_n3A_217, %lt3A_223 : i32
      %ne3A_225 = arith.xori %lt3A_222, %lt3A_224 : i1
      %and3A_226 = arith.andi %ne3A_225, %ne3A_220 : i1
      %add3A_227 = arith.addi %rem3A_218, %select_n3A_217 : i32
      %select_n3A_228 = arith.select %and3A_226, %add3A_227, %rem3A_218 : i32
      %mul3A_229 = arith.constant 32 : i32
      %mul3A_230 = arith.muli %select_n3A_228, %mul3A_229 : i32
      %mul3A_231 = arith.constant 32 : i32
      %mul3A_232 = arith.muli %scan3A_167, %mul3A_231 : i32
      %add3A_233 = arith.addi %mul3A_2, %mul3A_232 : i32
      %dma_start3A_234 = arith.constant 0 : i32
      %dma_start3A_235 = tpu.memref_slice %arg13[%mul3A_230, %dma_start3A_234] : memref<96x512xi32, #tpu.memory_space<vmem>> -> memref<32x512xi32, #tpu.memory_space<vmem>>
      %dma_start3A_236 = arith.constant 0 : i32
      %dma_start3A_237 = tpu.memref_slice %arg7[%add3A_233, %dma_start3A_236] : memref<8192x512xi32, #tpu.memory_space<hbm>> -> memref<32x512xi32, #tpu.memory_space<hbm>>
      %dma_start3A_238 = arith.constant 0 : i32
      %dma_start3A_239 = tpu.memref_slice %arg7[%add3A_233, %dma_start3A_238] : memref<8192x512xi32, #tpu.memory_space<hbm>> -> memref<32x512xi32, #tpu.memory_space<hbm>>
      %dma_start3A_240 = arith.constant 0 : i32
      %dma_start3A_241 = tpu.memref_slice %arg13[%mul3A_230, %dma_start3A_240] : memref<96x512xi32, #tpu.memory_space<vmem>> -> memref<32x512xi32, #tpu.memory_space<vmem>>
      tpu.enqueue_dma source(%dma_start3A_241 : memref<32x512xi32, #tpu.memory_space<vmem>>) target(%dma_start3A_239 : memref<32x512xi32, #tpu.memory_space<hbm>>) target_semaphore(%arg21 : memref<!tpu.dma_semaphore, #tpu.memory_space<semaphore_mem>>)
      %dma_start3A_242 = arith.constant 0 : i32
      %dma_start3A_243 = tpu.memref_slice %arg14[%mul3A_230, %dma_start3A_242] : memref<96x512xi32, #tpu.memory_space<vmem>> -> memref<32x512xi32, #tpu.memory_space<vmem>>
      %dma_start3A_244 = arith.constant 0 : i32
      %dma_start3A_245 = tpu.memref_slice %arg8[%add3A_233, %dma_start3A_244] : memref<8192x512xi32, #tpu.memory_space<hbm>> -> memref<32x512xi32, #tpu.memory_space<hbm>>
      %dma_start3A_246 = arith.constant 0 : i32
      %dma_start3A_247 = tpu.memref_slice %arg8[%add3A_233, %dma_start3A_246] : memref<8192x512xi32, #tpu.memory_space<hbm>> -> memref<32x512xi32, #tpu.memory_space<hbm>>
      %dma_start3A_248 = arith.constant 0 : i32
      %dma_start3A_249 = tpu.memref_slice %arg14[%mul3A_230, %dma_start3A_248] : memref<96x512xi32, #tpu.memory_space<vmem>> -> memref<32x512xi32, #tpu.memory_space<vmem>>
      tpu.enqueue_dma source(%dma_start3A_249 : memref<32x512xi32, #tpu.memory_space<vmem>>) target(%dma_start3A_247 : memref<32x512xi32, #tpu.memory_space<hbm>>) target_semaphore(%arg22 : memref<!tpu.dma_semaphore, #tpu.memory_space<semaphore_mem>>)
      %dma_start3A_250 = arith.constant 0 : i32
      %dma_start3A_251 = tpu.memref_slice %arg15[%mul3A_230, %dma_start3A_250] : memref<96x128xi32, #tpu.memory_space<vmem>> -> memref<32x128xi32, #tpu.memory_space<vmem>>
      %dma_start3A_252 = arith.constant 0 : i32
      %dma_start3A_253 = tpu.memref_slice %arg9[%add3A_233, %dma_start3A_252] : memref<8192x128xi32, #tpu.memory_space<hbm>> -> memref<32x128xi32, #tpu.memory_space<hbm>>
      %dma_start3A_254 = arith.constant 0 : i32
      %dma_start3A_255 = tpu.memref_slice %arg9[%add3A_233, %dma_start3A_254] : memref<8192x128xi32, #tpu.memory_space<hbm>> -> memref<32x128xi32, #tpu.memory_space<hbm>>
      %dma_start3A_256 = arith.constant 0 : i32
      %dma_start3A_257 = tpu.memref_slice %arg15[%mul3A_230, %dma_start3A_256] : memref<96x128xi32, #tpu.memory_space<vmem>> -> memref<32x128xi32, #tpu.memory_space<vmem>>
      tpu.enqueue_dma source(%dma_start3A_257 : memref<32x128xi32, #tpu.memory_space<vmem>>) target(%dma_start3A_255 : memref<32x128xi32, #tpu.memory_space<hbm>>) target_semaphore(%arg23 : memref<!tpu.dma_semaphore, #tpu.memory_space<semaphore_mem>>)
      %dma_start3A_258 = arith.constant 0 : i32
      %dma_start3A_259 = tpu.memref_slice %arg16[%mul3A_230, %dma_start3A_258] : memref<96x128xi32, #tpu.memory_space<vmem>> -> memref<32x128xi32, #tpu.memory_space<vmem>>
      %dma_start3A_260 = arith.constant 0 : i32
      %dma_start3A_261 = tpu.memref_slice %arg10[%add3A_233, %dma_start3A_260] : memref<8192x128xi32, #tpu.memory_space<hbm>> -> memref<32x128xi32, #tpu.memory_space<hbm>>
      %dma_start3A_262 = arith.constant 0 : i32
      %dma_start3A_263 = tpu.memref_slice %arg10[%add3A_233, %dma_start3A_262] : memref<8192x128xi32, #tpu.memory_space<hbm>> -> memref<32x128xi32, #tpu.memory_space<hbm>>
      %dma_start3A_264 = arith.constant 0 : i32
      %dma_start3A_265 = tpu.memref_slice %arg16[%mul3A_230, %dma_start3A_264] : memref<96x128xi32, #tpu.memory_space<vmem>> -> memref<32x128xi32, #tpu.memory_space<vmem>>
      tpu.enqueue_dma source(%dma_start3A_265 : memref<32x128xi32, #tpu.memory_space<vmem>>) target(%dma_start3A_263 : memref<32x128xi32, #tpu.memory_space<hbm>>) target_semaphore(%arg24 : memref<!tpu.dma_semaphore, #tpu.memory_space<semaphore_mem>>)
      %scan3A_266 = arith.constant 0 : i32
      scf.yield %scan3A_266 : i32
    }
    %scan3A_41 = arith.constant 8 : i32
    %add3A_42 = arith.constant 160 : i32
    %add3A_43 = arith.addi %mul3A_2, %add3A_42 : i32
    %dma_wait3A = arith.constant 64 : i32
    %dma_wait3A_44 = arith.constant 0 : i32
    %dma_wait3A_45 = tpu.memref_slice %arg13[%dma_wait3A, %dma_wait3A_44] : memref<96x512xi32, #tpu.memory_space<vmem>> -> memref<32x512xi32, #tpu.memory_space<vmem>>
    %dma_wait3A_46 = arith.constant 0 : i32
    %dma_wait3A_47 = tpu.memref_slice %arg7[%add3A_43, %dma_wait3A_46] : memref<8192x512xi32, #tpu.memory_space<hbm>> -> memref<32x512xi32, #tpu.memory_space<hbm>>
    %dma_wait3A_48 = arith.constant 0 : i32
    %dma_wait3A_49 = tpu.memref_slice %arg7[%add3A_43, %dma_wait3A_48] : memref<8192x512xi32, #tpu.memory_space<hbm>> -> memref<32x512xi32, #tpu.memory_space<hbm>>
    %dma_wait3A_50 = arith.constant 64 : i32
    %dma_wait3A_51 = arith.constant 0 : i32
    %dma_wait3A_52 = tpu.memref_slice %arg13[%dma_wait3A_50, %dma_wait3A_51] : memref<96x512xi32, #tpu.memory_space<vmem>> -> memref<32x512xi32, #tpu.memory_space<vmem>>
    tpu.wait_dma2 semaphore(%arg21 : memref<!tpu.dma_semaphore, #tpu.memory_space<semaphore_mem>>) src(%dma_wait3A_52 : memref<32x512xi32, #tpu.memory_space<vmem>>) dst(%dma_wait3A_49 : memref<32x512xi32, #tpu.memory_space<hbm>>)
    %dma_wait3A_53 = arith.constant 64 : i32
    %dma_wait3A_54 = arith.constant 0 : i32
    %dma_wait3A_55 = tpu.memref_slice %arg14[%dma_wait3A_53, %dma_wait3A_54] : memref<96x512xi32, #tpu.memory_space<vmem>> -> memref<32x512xi32, #tpu.memory_space<vmem>>
    %dma_wait3A_56 = arith.constant 0 : i32
    %dma_wait3A_57 = tpu.memref_slice %arg8[%add3A_43, %dma_wait3A_56] : memref<8192x512xi32, #tpu.memory_space<hbm>> -> memref<32x512xi32, #tpu.memory_space<hbm>>
    %dma_wait3A_58 = arith.constant 0 : i32
    %dma_wait3A_59 = tpu.memref_slice %arg8[%add3A_43, %dma_wait3A_58] : memref<8192x512xi32, #tpu.memory_space<hbm>> -> memref<32x512xi32, #tpu.memory_space<hbm>>
    %dma_wait3A_60 = arith.constant 64 : i32
    %dma_wait3A_61 = arith.constant 0 : i32
    %dma_wait3A_62 = tpu.memref_slice %arg14[%dma_wait3A_60, %dma_wait3A_61] : memref<96x512xi32, #tpu.memory_space<vmem>> -> memref<32x512xi32, #tpu.memory_space<vmem>>
    tpu.wait_dma2 semaphore(%arg22 : memref<!tpu.dma_semaphore, #tpu.memory_space<semaphore_mem>>) src(%dma_wait3A_62 : memref<32x512xi32, #tpu.memory_space<vmem>>) dst(%dma_wait3A_59 : memref<32x512xi32, #tpu.memory_space<hbm>>)
    %dma_wait3A_63 = arith.constant 64 : i32
    %dma_wait3A_64 = arith.constant 0 : i32
    %dma_wait3A_65 = tpu.memref_slice %arg15[%dma_wait3A_63, %dma_wait3A_64] : memref<96x128xi32, #tpu.memory_space<vmem>> -> memref<32x128xi32, #tpu.memory_space<vmem>>
    %dma_wait3A_66 = arith.constant 0 : i32
    %dma_wait3A_67 = tpu.memref_slice %arg9[%add3A_43, %dma_wait3A_66] : memref<8192x128xi32, #tpu.memory_space<hbm>> -> memref<32x128xi32, #tpu.memory_space<hbm>>
    %dma_wait3A_68 = arith.constant 0 : i32
    %dma_wait3A_69 = tpu.memref_slice %arg9[%add3A_43, %dma_wait3A_68] : memref<8192x128xi32, #tpu.memory_space<hbm>> -> memref<32x128xi32, #tpu.memory_space<hbm>>
    %dma_wait3A_70 = arith.constant 64 : i32
    %dma_wait3A_71 = arith.constant 0 : i32
    %dma_wait3A_72 = tpu.memref_slice %arg15[%dma_wait3A_70, %dma_wait3A_71] : memref<96x128xi32, #tpu.memory_space<vmem>> -> memref<32x128xi32, #tpu.memory_space<vmem>>
    tpu.wait_dma2 semaphore(%arg23 : memref<!tpu.dma_semaphore, #tpu.memory_space<semaphore_mem>>) src(%dma_wait3A_72 : memref<32x128xi32, #tpu.memory_space<vmem>>) dst(%dma_wait3A_69 : memref<32x128xi32, #tpu.memory_space<hbm>>)
    %dma_wait3A_73 = arith.constant 64 : i32
    %dma_wait3A_74 = arith.constant 0 : i32
    %dma_wait3A_75 = tpu.memref_slice %arg16[%dma_wait3A_73, %dma_wait3A_74] : memref<96x128xi32, #tpu.memory_space<vmem>> -> memref<32x128xi32, #tpu.memory_space<vmem>>
    %dma_wait3A_76 = arith.constant 0 : i32
    %dma_wait3A_77 = tpu.memref_slice %arg10[%add3A_43, %dma_wait3A_76] : memref<8192x128xi32, #tpu.memory_space<hbm>> -> memref<32x128xi32, #tpu.memory_space<hbm>>
    %dma_wait3A_78 = arith.constant 0 : i32
    %dma_wait3A_79 = tpu.memref_slice %arg10[%add3A_43, %dma_wait3A_78] : memref<8192x128xi32, #tpu.memory_space<hbm>> -> memref<32x128xi32, #tpu.memory_space<hbm>>
    %dma_wait3A_80 = arith.constant 64 : i32
    %dma_wait3A_81 = arith.constant 0 : i32
    %dma_wait3A_82 = tpu.memref_slice %arg16[%dma_wait3A_80, %dma_wait3A_81] : memref<96x128xi32, #tpu.memory_space<vmem>> -> memref<32x128xi32, #tpu.memory_space<vmem>>
    tpu.wait_dma2 semaphore(%arg24 : memref<!tpu.dma_semaphore, #tpu.memory_space<semaphore_mem>>) src(%dma_wait3A_82 : memref<32x128xi32, #tpu.memory_space<vmem>>) dst(%dma_wait3A_79 : memref<32x128xi32, #tpu.memory_space<hbm>>)
    %add3A_83 = arith.constant 192 : i32
    %add3A_84 = arith.addi %mul3A_2, %add3A_83 : i32
    %dma_wait3A_85 = arith.constant 0 : i32
    %dma_wait3A_86 = arith.constant 0 : i32
    %dma_wait3A_87 = tpu.memref_slice %arg13[%dma_wait3A_85, %dma_wait3A_86] : memref<96x512xi32, #tpu.memory_space<vmem>> -> memref<32x512xi32, #tpu.memory_space<vmem>>
    %dma_wait3A_88 = arith.constant 0 : i32
    %dma_wait3A_89 = tpu.memref_slice %arg7[%add3A_84, %dma_wait3A_88] : memref<8192x512xi32, #tpu.memory_space<hbm>> -> memref<32x512xi32, #tpu.memory_space<hbm>>
    %dma_wait3A_90 = arith.constant 0 : i32
    %dma_wait3A_91 = tpu.memref_slice %arg7[%add3A_84, %dma_wait3A_90] : memref<8192x512xi32, #tpu.memory_space<hbm>> -> memref<32x512xi32, #tpu.memory_space<hbm>>
    %dma_wait3A_92 = arith.constant 0 : i32
    %dma_wait3A_93 = arith.constant 0 : i32
    %dma_wait3A_94 = tpu.memref_slice %arg13[%dma_wait3A_92, %dma_wait3A_93] : memref<96x512xi32, #tpu.memory_space<vmem>> -> memref<32x512xi32, #tpu.memory_space<vmem>>
    tpu.wait_dma2 semaphore(%arg21 : memref<!tpu.dma_semaphore, #tpu.memory_space<semaphore_mem>>) src(%dma_wait3A_94 : memref<32x512xi32, #tpu.memory_space<vmem>>) dst(%dma_wait3A_91 : memref<32x512xi32, #tpu.memory_space<hbm>>)
    %dma_wait3A_95 = arith.constant 0 : i32
    %dma_wait3A_96 = arith.constant 0 : i32
    %dma_wait3A_97 = tpu.memref_slice %arg14[%dma_wait3A_95, %dma_wait3A_96] : memref<96x512xi32, #tpu.memory_space<vmem>> -> memref<32x512xi32, #tpu.memory_space<vmem>>
    %dma_wait3A_98 = arith.constant 0 : i32
    %dma_wait3A_99 = tpu.memref_slice %arg8[%add3A_84, %dma_wait3A_98] : memref<8192x512xi32, #tpu.memory_space<hbm>> -> memref<32x512xi32, #tpu.memory_space<hbm>>
    %dma_wait3A_100 = arith.constant 0 : i32
    %dma_wait3A_101 = tpu.memref_slice %arg8[%add3A_84, %dma_wait3A_100] : memref<8192x512xi32, #tpu.memory_space<hbm>> -> memref<32x512xi32, #tpu.memory_space<hbm>>
    %dma_wait3A_102 = arith.constant 0 : i32
    %dma_wait3A_103 = arith.constant 0 : i32
    %dma_wait3A_104 = tpu.memref_slice %arg14[%dma_wait3A_102, %dma_wait3A_103] : memref<96x512xi32, #tpu.memory_space<vmem>> -> memref<32x512xi32, #tpu.memory_space<vmem>>
    tpu.wait_dma2 semaphore(%arg22 : memref<!tpu.dma_semaphore, #tpu.memory_space<semaphore_mem>>) src(%dma_wait3A_104 : memref<32x512xi32, #tpu.memory_space<vmem>>) dst(%dma_wait3A_101 : memref<32x512xi32, #tpu.memory_space<hbm>>)
    %dma_wait3A_105 = arith.constant 0 : i32
    %dma_wait3A_106 = arith.constant 0 : i32
    %dma_wait3A_107 = tpu.memref_slice %arg15[%dma_wait3A_105, %dma_wait3A_106] : memref<96x128xi32, #tpu.memory_space<vmem>> -> memref<32x128xi32, #tpu.memory_space<vmem>>
    %dma_wait3A_108 = arith.constant 0 : i32
    %dma_wait3A_109 = tpu.memref_slice %arg9[%add3A_84, %dma_wait3A_108] : memref<8192x128xi32, #tpu.memory_space<hbm>> -> memref<32x128xi32, #tpu.memory_space<hbm>>
    %dma_wait3A_110 = arith.constant 0 : i32
    %dma_wait3A_111 = tpu.memref_slice %arg9[%add3A_84, %dma_wait3A_110] : memref<8192x128xi32, #tpu.memory_space<hbm>> -> memref<32x128xi32, #tpu.memory_space<hbm>>
    %dma_wait3A_112 = arith.constant 0 : i32
    %dma_wait3A_113 = arith.constant 0 : i32
    %dma_wait3A_114 = tpu.memref_slice %arg15[%dma_wait3A_112, %dma_wait3A_113] : memref<96x128xi32, #tpu.memory_space<vmem>> -> memref<32x128xi32, #tpu.memory_space<vmem>>
    tpu.wait_dma2 semaphore(%arg23 : memref<!tpu.dma_semaphore, #tpu.memory_space<semaphore_mem>>) src(%dma_wait3A_114 : memref<32x128xi32, #tpu.memory_space<vmem>>) dst(%dma_wait3A_111 : memref<32x128xi32, #tpu.memory_space<hbm>>)
    %dma_wait3A_115 = arith.constant 0 : i32
    %dma_wait3A_116 = arith.constant 0 : i32
    %dma_wait3A_117 = tpu.memref_slice %arg16[%dma_wait3A_115, %dma_wait3A_116] : memref<96x128xi32, #tpu.memory_space<vmem>> -> memref<32x128xi32, #tpu.memory_space<vmem>>
    %dma_wait3A_118 = arith.constant 0 : i32
    %dma_wait3A_119 = tpu.memref_slice %arg10[%add3A_84, %dma_wait3A_118] : memref<8192x128xi32, #tpu.memory_space<hbm>> -> memref<32x128xi32, #tpu.memory_space<hbm>>
    %dma_wait3A_120 = arith.constant 0 : i32
    %dma_wait3A_121 = tpu.memref_slice %arg10[%add3A_84, %dma_wait3A_120] : memref<8192x128xi32, #tpu.memory_space<hbm>> -> memref<32x128xi32, #tpu.memory_space<hbm>>
    %dma_wait3A_122 = arith.constant 0 : i32
    %dma_wait3A_123 = arith.constant 0 : i32
    %dma_wait3A_124 = tpu.memref_slice %arg16[%dma_wait3A_122, %dma_wait3A_123] : memref<96x128xi32, #tpu.memory_space<vmem>> -> memref<32x128xi32, #tpu.memory_space<vmem>>
    tpu.wait_dma2 semaphore(%arg24 : memref<!tpu.dma_semaphore, #tpu.memory_space<semaphore_mem>>) src(%dma_wait3A_124 : memref<32x128xi32, #tpu.memory_space<vmem>>) dst(%dma_wait3A_121 : memref<32x128xi32, #tpu.memory_space<hbm>>)
    %add3A_125 = arith.constant 224 : i32
    %add3A_126 = arith.addi %mul3A_2, %add3A_125 : i32
    %dma_wait3A_127 = arith.constant 32 : i32
    %dma_wait3A_128 = arith.constant 0 : i32
    %dma_wait3A_129 = tpu.memref_slice %arg13[%dma_wait3A_127, %dma_wait3A_128] : memref<96x512xi32, #tpu.memory_space<vmem>> -> memref<32x512xi32, #tpu.memory_space<vmem>>
    %dma_wait3A_130 = arith.constant 0 : i32
    %dma_wait3A_131 = tpu.memref_slice %arg7[%add3A_126, %dma_wait3A_130] : memref<8192x512xi32, #tpu.memory_space<hbm>> -> memref<32x512xi32, #tpu.memory_space<hbm>>
    %dma_wait3A_132 = arith.constant 0 : i32
    %dma_wait3A_133 = tpu.memref_slice %arg7[%add3A_126, %dma_wait3A_132] : memref<8192x512xi32, #tpu.memory_space<hbm>> -> memref<32x512xi32, #tpu.memory_space<hbm>>
    %dma_wait3A_134 = arith.constant 32 : i32
    %dma_wait3A_135 = arith.constant 0 : i32
    %dma_wait3A_136 = tpu.memref_slice %arg13[%dma_wait3A_134, %dma_wait3A_135] : memref<96x512xi32, #tpu.memory_space<vmem>> -> memref<32x512xi32, #tpu.memory_space<vmem>>
    tpu.wait_dma2 semaphore(%arg21 : memref<!tpu.dma_semaphore, #tpu.memory_space<semaphore_mem>>) src(%dma_wait3A_136 : memref<32x512xi32, #tpu.memory_space<vmem>>) dst(%dma_wait3A_133 : memref<32x512xi32, #tpu.memory_space<hbm>>)
    %dma_wait3A_137 = arith.constant 32 : i32
    %dma_wait3A_138 = arith.constant 0 : i32
    %dma_wait3A_139 = tpu.memref_slice %arg14[%dma_wait3A_137, %dma_wait3A_138] : memref<96x512xi32, #tpu.memory_space<vmem>> -> memref<32x512xi32, #tpu.memory_space<vmem>>
    %dma_wait3A_140 = arith.constant 0 : i32
    %dma_wait3A_141 = tpu.memref_slice %arg8[%add3A_126, %dma_wait3A_140] : memref<8192x512xi32, #tpu.memory_space<hbm>> -> memref<32x512xi32, #tpu.memory_space<hbm>>
    %dma_wait3A_142 = arith.constant 0 : i32
    %dma_wait3A_143 = tpu.memref_slice %arg8[%add3A_126, %dma_wait3A_142] : memref<8192x512xi32, #tpu.memory_space<hbm>> -> memref<32x512xi32, #tpu.memory_space<hbm>>
    %dma_wait3A_144 = arith.constant 32 : i32
    %dma_wait3A_145 = arith.constant 0 : i32
    %dma_wait3A_146 = tpu.memref_slice %arg14[%dma_wait3A_144, %dma_wait3A_145] : memref<96x512xi32, #tpu.memory_space<vmem>> -> memref<32x512xi32, #tpu.memory_space<vmem>>
    tpu.wait_dma2 semaphore(%arg22 : memref<!tpu.dma_semaphore, #tpu.memory_space<semaphore_mem>>) src(%dma_wait3A_146 : memref<32x512xi32, #tpu.memory_space<vmem>>) dst(%dma_wait3A_143 : memref<32x512xi32, #tpu.memory_space<hbm>>)
    %dma_wait3A_147 = arith.constant 32 : i32
    %dma_wait3A_148 = arith.constant 0 : i32
    %dma_wait3A_149 = tpu.memref_slice %arg15[%dma_wait3A_147, %dma_wait3A_148] : memref<96x128xi32, #tpu.memory_space<vmem>> -> memref<32x128xi32, #tpu.memory_space<vmem>>
    %dma_wait3A_150 = arith.constant 0 : i32
    %dma_wait3A_151 = tpu.memref_slice %arg9[%add3A_126, %dma_wait3A_150] : memref<8192x128xi32, #tpu.memory_space<hbm>> -> memref<32x128xi32, #tpu.memory_space<hbm>>
    %dma_wait3A_152 = arith.constant 0 : i32
    %dma_wait3A_153 = tpu.memref_slice %arg9[%add3A_126, %dma_wait3A_152] : memref<8192x128xi32, #tpu.memory_space<hbm>> -> memref<32x128xi32, #tpu.memory_space<hbm>>
    %dma_wait3A_154 = arith.constant 32 : i32
    %dma_wait3A_155 = arith.constant 0 : i32
    %dma_wait3A_156 = tpu.memref_slice %arg15[%dma_wait3A_154, %dma_wait3A_155] : memref<96x128xi32, #tpu.memory_space<vmem>> -> memref<32x128xi32, #tpu.memory_space<vmem>>
    tpu.wait_dma2 semaphore(%arg23 : memref<!tpu.dma_semaphore, #tpu.memory_space<semaphore_mem>>) src(%dma_wait3A_156 : memref<32x128xi32, #tpu.memory_space<vmem>>) dst(%dma_wait3A_153 : memref<32x128xi32, #tpu.memory_space<hbm>>)
    %dma_wait3A_157 = arith.constant 32 : i32
    %dma_wait3A_158 = arith.constant 0 : i32
    %dma_wait3A_159 = tpu.memref_slice %arg16[%dma_wait3A_157, %dma_wait3A_158] : memref<96x128xi32, #tpu.memory_space<vmem>> -> memref<32x128xi32, #tpu.memory_space<vmem>>
    %dma_wait3A_160 = arith.constant 0 : i32
    %dma_wait3A_161 = tpu.memref_slice %arg10[%add3A_126, %dma_wait3A_160] : memref<8192x128xi32, #tpu.memory_space<hbm>> -> memref<32x128xi32, #tpu.memory_space<hbm>>
    %dma_wait3A_162 = arith.constant 0 : i32
    %dma_wait3A_163 = tpu.memref_slice %arg10[%add3A_126, %dma_wait3A_162] : memref<8192x128xi32, #tpu.memory_space<hbm>> -> memref<32x128xi32, #tpu.memory_space<hbm>>
    %dma_wait3A_164 = arith.constant 32 : i32
    %dma_wait3A_165 = arith.constant 0 : i32
    %dma_wait3A_166 = tpu.memref_slice %arg16[%dma_wait3A_164, %dma_wait3A_165] : memref<96x128xi32, #tpu.memory_space<vmem>> -> memref<32x128xi32, #tpu.memory_space<vmem>>
    tpu.wait_dma2 semaphore(%arg24 : memref<!tpu.dma_semaphore, #tpu.memory_space<semaphore_mem>>) src(%dma_wait3A_166 : memref<32x128xi32, #tpu.memory_space<vmem>>) dst(%dma_wait3A_163 : memref<32x128xi32, #tpu.memory_space<hbm>>)
    return
  }
}

#map = affine_map<(d0, d1) -> (0, 0)>
#map1 = affine_map<(d0, d1) -> (0)>
module attributes {stable_mosaic.version = 14 : i64} {
  func.func @_sc_body(%arg0: i32, %arg1: i32, %arg2: memref<2048x512xi32, #tpu.memory_space<hbm>>, %arg3: memref<2048x128xi32, #tpu.memory_space<hbm>>, %arg4: memref<2048x128xi32, #tpu.memory_space<hbm>>, %arg5: memref<16384xi32, #tpu.memory_space<hbm>>, %arg6: memref<16384xi32, #tpu.memory_space<hbm>>, %arg7: memref<8192x512xi32, #tpu.memory_space<hbm>>, %arg8: memref<8192x512xi32, #tpu.memory_space<hbm>>, %arg9: memref<8192x128xi32, #tpu.memory_space<hbm>>, %arg10: memref<8192x128xi32, #tpu.memory_space<hbm>>, %arg11: memref<256xi32, #tpu.memory_space<vmem>>, %arg12: memref<256xi32, #tpu.memory_space<vmem>>, %arg13: memref<96x512xi32, #tpu.memory_space<vmem>>, %arg14: memref<96x512xi32, #tpu.memory_space<vmem>>, %arg15: memref<96x128xi32, #tpu.memory_space<vmem>>, %arg16: memref<96x128xi32, #tpu.memory_space<vmem>>, %arg17: memref<!tpu.dma_semaphore, #tpu.memory_space<semaphore_mem>>, %arg18: memref<!tpu.dma_semaphore, #tpu.memory_space<semaphore_mem>>, %arg19: memref<!tpu.dma_semaphore, #tpu.memory_space<semaphore_mem>>, %arg20: memref<!tpu.dma_semaphore, #tpu.memory_space<semaphore_mem>>, %arg21: memref<!tpu.dma_semaphore, #tpu.memory_space<semaphore_mem>>, %arg22: memref<!tpu.dma_semaphore, #tpu.memory_space<semaphore_mem>>, %arg23: memref<!tpu.dma_semaphore, #tpu.memory_space<semaphore_mem>>, %arg24: memref<!tpu.dma_semaphore, #tpu.memory_space<semaphore_mem>>) attributes {dimension_semantics = [#tpu.dimension_semantics<core_parallel>, #tpu.dimension_semantics<subcore_parallel>], iteration_bounds = array<i64: 2, 16>, scalar_prefetch = 0 : i64, scratch_operands = 14 : i64, tpu.core_type = #tpu.core_type<sc_vector_subcore>, window_params = [{transform_indices = #map}, {transform_indices = #map}, {transform_indices = #map}, {transform_indices = #map1}, {transform_indices = #map1}, {transform_indices = #map}, {transform_indices = #map}, {transform_indices = #map}, {transform_indices = #map}]} {
    %mul3A = arith.constant 2 : i32
    %mul3A_0 = arith.muli %arg1, %mul3A : i32
    %add3A = arith.addi %mul3A_0, %arg0 : i32
    %mul3A_1 = arith.constant 256 : i32
    %mul3A_2 = arith.muli %add3A, %mul3A_1 : i32
    %add3A_3 = arith.constant 8192 : i32
    %add3A_4 = arith.addi %add3A_3, %mul3A_2 : i32
    "tpu.region"() ({
      %run_scoped3A = tpu.sem_alloc : memref<!tpu.dma_semaphore, #tpu.memory_space<semaphore_mem>>
      %dma_start3A_167 = tpu.memref_slice %arg5[%add3A_4] : memref<16384xi32, #tpu.memory_space<hbm>> -> memref<256xi32, #tpu.memory_space<hbm>>
      %dma_start3A_168 = tpu.memref_slice %arg5[%add3A_4] : memref<16384xi32, #tpu.memory_space<hbm>> -> memref<256xi32, #tpu.memory_space<hbm>>
      tpu.enqueue_dma source(%dma_start3A_168 : memref<256xi32, #tpu.memory_space<hbm>>) target(%arg11 : memref<256xi32, #tpu.memory_space<vmem>>) target_semaphore(%run_scoped3A : memref<!tpu.dma_semaphore, #tpu.memory_space<semaphore_mem>>)
      %dma_wait3A_169 = tpu.memref_slice %arg5[%add3A_4] : memref<16384xi32, #tpu.memory_space<hbm>> -> memref<256xi32, #tpu.memory_space<hbm>>
      %dma_wait3A_170 = tpu.memref_slice %arg5[%add3A_4] : memref<16384xi32, #tpu.memory_space<hbm>> -> memref<256xi32, #tpu.memory_space<hbm>>
      tpu.wait_dma2 semaphore(%run_scoped3A : memref<!tpu.dma_semaphore, #tpu.memory_space<semaphore_mem>>) src(%dma_wait3A_170 : memref<256xi32, #tpu.memory_space<hbm>>) dst(%arg11 : memref<256xi32, #tpu.memory_space<vmem>>)
      tpu.yield
    }) : () -> ()
    "tpu.region"() ({
      %run_scoped3A = tpu.sem_alloc : memref<!tpu.dma_semaphore, #tpu.memory_space<semaphore_mem>>
      %dma_start3A_167 = tpu.memref_slice %arg6[%add3A_4] : memref<16384xi32, #tpu.memory_space<hbm>> -> memref<256xi32, #tpu.memory_space<hbm>>
      %dma_start3A_168 = tpu.memref_slice %arg6[%add3A_4] : memref<16384xi32, #tpu.memory_space<hbm>> -> memref<256xi32, #tpu.memory_space<hbm>>
      tpu.enqueue_dma source(%dma_start3A_168 : memref<256xi32, #tpu.memory_space<hbm>>) target(%arg12 : memref<256xi32, #tpu.memory_space<vmem>>) target_semaphore(%run_scoped3A : memref<!tpu.dma_semaphore, #tpu.memory_space<semaphore_mem>>)
      %dma_wait3A_169 = tpu.memref_slice %arg6[%add3A_4] : memref<16384xi32, #tpu.memory_space<hbm>> -> memref<256xi32, #tpu.memory_space<hbm>>
      %dma_wait3A_170 = tpu.memref_slice %arg6[%add3A_4] : memref<16384xi32, #tpu.memory_space<hbm>> -> memref<256xi32, #tpu.memory_space<hbm>>
      tpu.wait_dma2 semaphore(%run_scoped3A : memref<!tpu.dma_semaphore, #tpu.memory_space<semaphore_mem>>) src(%dma_wait3A_170 : memref<256xi32, #tpu.memory_space<hbm>>) dst(%arg12 : memref<256xi32, #tpu.memory_space<vmem>>)
      tpu.yield
    }) : () -> ()
    %dma_start3A = arith.constant 0 : i32
    %dma_start3A_5 = arith.constant 0 : i32
    %dma_start3A_6 = tpu.memref_slice %arg13[%dma_start3A, %dma_start3A_5] : memref<96x512xi32, #tpu.memory_space<vmem>> -> memref<32x512xi32, #tpu.memory_space<vmem>>
    %dma_start3A_7 = arith.constant 0 : i32
    %dma_start3A_8 = tpu.memref_slice %arg11[%dma_start3A_7] : memref<256xi32, #tpu.memory_space<vmem>> -> memref<32xi32, #tpu.memory_space<vmem>>
    %dma_start3A_9 = arith.constant 0 : i32
    %dma_start3A_10 = arith.constant 0 : i32
    %dma_start3A_11 = tpu.memref_slice %arg2[%dma_start3A_9, %dma_start3A_10] : memref<2048x512xi32, #tpu.memory_space<hbm>> -> memref<2048x512xi32, #tpu.memory_space<hbm>>
    tpu.enqueue_indirect_dma source(%dma_start3A_11 : memref<2048x512xi32, #tpu.memory_space<hbm>>) target(%dma_start3A_6 : memref<32x512xi32, #tpu.memory_space<vmem>>) offsets(%dma_start3A_8 : memref<32xi32, #tpu.memory_space<vmem>>) semaphore(%arg17 : memref<!tpu.dma_semaphore, #tpu.memory_space<semaphore_mem>>)
    %dma_start3A_12 = arith.constant 0 : i32
    %dma_start3A_13 = arith.constant 0 : i32
    %dma_start3A_14 = tpu.memref_slice %arg14[%dma_start3A_12, %dma_start3A_13] : memref<96x512xi32, #tpu.memory_space<vmem>> -> memref<32x512xi32, #tpu.memory_space<vmem>>
    %dma_start3A_15 = arith.constant 0 : i32
    %dma_start3A_16 = tpu.memref_slice %arg12[%dma_start3A_15] : memref<256xi32, #tpu.memory_space<vmem>> -> memref<32xi32, #tpu.memory_space<vmem>>
    %dma_start3A_17 = arith.constant 0 : i32
    %dma_start3A_18 = arith.constant 0 : i32
    %dma_start3A_19 = tpu.memref_slice %arg2[%dma_start3A_17, %dma_start3A_18] : memref<2048x512xi32, #tpu.memory_space<hbm>> -> memref<2048x512xi32, #tpu.memory_space<hbm>>
    tpu.enqueue_indirect_dma source(%dma_start3A_19 : memref<2048x512xi32, #tpu.memory_space<hbm>>) target(%dma_start3A_14 : memref<32x512xi32, #tpu.memory_space<vmem>>) offsets(%dma_start3A_16 : memref<32xi32, #tpu.memory_space<vmem>>) semaphore(%arg18 : memref<!tpu.dma_semaphore, #tpu.memory_space<semaphore_mem>>)
    %dma_start3A_20 = arith.constant 0 : i32
    %dma_start3A_21 = arith.constant 0 : i32
    %dma_start3A_22 = tpu.memref_slice %arg15[%dma_start3A_20, %dma_start3A_21] : memref<96x128xi32, #tpu.memory_space<vmem>> -> memref<32x128xi32, #tpu.memory_space<vmem>>
    %dma_start3A_23 = arith.constant 0 : i32
    %dma_start3A_24 = tpu.memref_slice %arg11[%dma_start3A_23] : memref<256xi32, #tpu.memory_space<vmem>> -> memref<32xi32, #tpu.memory_space<vmem>>
    %dma_start3A_25 = arith.constant 0 : i32
    %dma_start3A_26 = arith.constant 0 : i32
    %dma_start3A_27 = tpu.memref_slice %arg3[%dma_start3A_25, %dma_start3A_26] : memref<2048x128xi32, #tpu.memory_space<hbm>> -> memref<2048x128xi32, #tpu.memory_space<hbm>>
    tpu.enqueue_indirect_dma source(%dma_start3A_27 : memref<2048x128xi32, #tpu.memory_space<hbm>>) target(%dma_start3A_22 : memref<32x128xi32, #tpu.memory_space<vmem>>) offsets(%dma_start3A_24 : memref<32xi32, #tpu.memory_space<vmem>>) semaphore(%arg19 : memref<!tpu.dma_semaphore, #tpu.memory_space<semaphore_mem>>)
    %dma_start3A_28 = arith.constant 0 : i32
    %dma_start3A_29 = arith.constant 0 : i32
    %dma_start3A_30 = tpu.memref_slice %arg16[%dma_start3A_28, %dma_start3A_29] : memref<96x128xi32, #tpu.memory_space<vmem>> -> memref<32x128xi32, #tpu.memory_space<vmem>>
    %dma_start3A_31 = arith.constant 0 : i32
    %dma_start3A_32 = tpu.memref_slice %arg12[%dma_start3A_31] : memref<256xi32, #tpu.memory_space<vmem>> -> memref<32xi32, #tpu.memory_space<vmem>>
    %dma_start3A_33 = arith.constant 0 : i32
    %dma_start3A_34 = arith.constant 0 : i32
    %dma_start3A_35 = tpu.memref_slice %arg4[%dma_start3A_33, %dma_start3A_34] : memref<2048x128xi32, #tpu.memory_space<hbm>> -> memref<2048x128xi32, #tpu.memory_space<hbm>>
    tpu.enqueue_indirect_dma source(%dma_start3A_35 : memref<2048x128xi32, #tpu.memory_space<hbm>>) target(%dma_start3A_30 : memref<32x128xi32, #tpu.memory_space<vmem>>) offsets(%dma_start3A_32 : memref<32xi32, #tpu.memory_space<vmem>>) semaphore(%arg20 : memref<!tpu.dma_semaphore, #tpu.memory_space<semaphore_mem>>)
    %scan3A = arith.constant 0 : i32
    %scan3A_36 = arith.constant 0 : i32
    %scan3A_37 = arith.constant 8 : i32
    %scan3A_38 = arith.addi %scan3A_36, %scan3A_37 : i32
    %scan3A_39 = arith.constant 1 : i32
    %scan3A_40 = scf.for %scan3A_167 = %scan3A_36 to %scan3A_38 step %scan3A_39 iter_args(%scan3A_168 = %scan3A) -> (i32)  : i32 {
      %add3A_169 = arith.constant 1 : i32
      %add3A_170 = arith.addi %scan3A_167, %add3A_169 : i32
      %lt3A = arith.constant 8 : i32
      %lt3A_171 = arith.cmpi slt, %add3A_170, %lt3A : i32
      %convert_element_type3A = arith.extui %lt3A_171 : i1 to i32
      %cond3A = arith.constant 0 : i32
      %cond3A_172 = arith.cmpi ne, %convert_element_type3A, %cond3A : i32
      scf.if %cond3A_172 {
        %ge3A = arith.constant 2 : i32
        %ge3A_267 = arith.cmpi sge, %scan3A_167, %ge3A : i32
        %convert_element_type3A_268 = arith.extui %ge3A_267 : i1 to i32
        %cond3A_269 = arith.constant 0 : i32
        %cond3A_270 = arith.cmpi ne, %convert_element_type3A_268, %cond3A_269 : i32
        scf.if %cond3A_270 {
          %sub3A = arith.constant 2 : i32
          %sub3A_319 = arith.subi %scan3A_167, %sub3A : i32
          %jit3A_320 = arith.constant 3 : i32
          %eq3A_321 = arith.constant 0 : i32
          %eq3A_322 = arith.cmpi eq, %jit3A_320, %eq3A_321 : i32
          %jit3A_323 = arith.constant 1 : i32
          %select_n3A_324 = arith.select %eq3A_322, %jit3A_323, %jit3A_320 : i32
          %rem3A_325 = arith.remsi %sub3A_319, %select_n3A_324 : i32
          %ne3A_326 = arith.constant 0 : i32
          %ne3A_327 = arith.cmpi ne, %rem3A_325, %ne3A_326 : i32
          %lt3A_328 = arith.constant 0 : i32
          %lt3A_329 = arith.cmpi slt, %rem3A_325, %lt3A_328 : i32
          %lt3A_330 = arith.constant 0 : i32
          %lt3A_331 = arith.cmpi slt, %select_n3A_324, %lt3A_330 : i32
          %ne3A_332 = arith.xori %lt3A_329, %lt3A_331 : i1
          %and3A_333 = arith.andi %ne3A_332, %ne3A_327 : i1
          %add3A_334 = arith.addi %rem3A_325, %select_n3A_324 : i32
          %select_n3A_335 = arith.select %and3A_333, %add3A_334, %rem3A_325 : i32
          %mul3A_336 = arith.constant 32 : i32
          %mul3A_337 = arith.muli %select_n3A_335, %mul3A_336 : i32
          %mul3A_338 = arith.constant 32 : i32
          %mul3A_339 = arith.muli %sub3A_319, %mul3A_338 : i32
          %add3A_340 = arith.addi %mul3A_2, %mul3A_339 : i32
          %dma_wait3A_341 = arith.constant 0 : i32
          %dma_wait3A_342 = tpu.memref_slice %arg13[%mul3A_337, %dma_wait3A_341] : memref<96x512xi32, #tpu.memory_space<vmem>> -> memref<32x512xi32, #tpu.memory_space<vmem>>
          %dma_wait3A_343 = arith.constant 0 : i32
          %dma_wait3A_344 = tpu.memref_slice %arg7[%add3A_340, %dma_wait3A_343] : memref<8192x512xi32, #tpu.memory_space<hbm>> -> memref<32x512xi32, #tpu.memory_space<hbm>>
          %dma_wait3A_345 = arith.constant 0 : i32
          %dma_wait3A_346 = tpu.memref_slice %arg7[%add3A_340, %dma_wait3A_345] : memref<8192x512xi32, #tpu.memory_space<hbm>> -> memref<32x512xi32, #tpu.memory_space<hbm>>
          %dma_wait3A_347 = arith.constant 0 : i32
          %dma_wait3A_348 = tpu.memref_slice %arg13[%mul3A_337, %dma_wait3A_347] : memref<96x512xi32, #tpu.memory_space<vmem>> -> memref<32x512xi32, #tpu.memory_space<vmem>>
          tpu.wait_dma2 semaphore(%arg21 : memref<!tpu.dma_semaphore, #tpu.memory_space<semaphore_mem>>) src(%dma_wait3A_348 : memref<32x512xi32, #tpu.memory_space<vmem>>) dst(%dma_wait3A_346 : memref<32x512xi32, #tpu.memory_space<hbm>>)
          %dma_wait3A_349 = arith.constant 0 : i32
          %dma_wait3A_350 = tpu.memref_slice %arg14[%mul3A_337, %dma_wait3A_349] : memref<96x512xi32, #tpu.memory_space<vmem>> -> memref<32x512xi32, #tpu.memory_space<vmem>>
          %dma_wait3A_351 = arith.constant 0 : i32
          %dma_wait3A_352 = tpu.memref_slice %arg8[%add3A_340, %dma_wait3A_351] : memref<8192x512xi32, #tpu.memory_space<hbm>> -> memref<32x512xi32, #tpu.memory_space<hbm>>
          %dma_wait3A_353 = arith.constant 0 : i32
          %dma_wait3A_354 = tpu.memref_slice %arg8[%add3A_340, %dma_wait3A_353] : memref<8192x512xi32, #tpu.memory_space<hbm>> -> memref<32x512xi32, #tpu.memory_space<hbm>>
          %dma_wait3A_355 = arith.constant 0 : i32
          %dma_wait3A_356 = tpu.memref_slice %arg14[%mul3A_337, %dma_wait3A_355] : memref<96x512xi32, #tpu.memory_space<vmem>> -> memref<32x512xi32, #tpu.memory_space<vmem>>
          tpu.wait_dma2 semaphore(%arg22 : memref<!tpu.dma_semaphore, #tpu.memory_space<semaphore_mem>>) src(%dma_wait3A_356 : memref<32x512xi32, #tpu.memory_space<vmem>>) dst(%dma_wait3A_354 : memref<32x512xi32, #tpu.memory_space<hbm>>)
          %dma_wait3A_357 = arith.constant 0 : i32
          %dma_wait3A_358 = tpu.memref_slice %arg15[%mul3A_337, %dma_wait3A_357] : memref<96x128xi32, #tpu.memory_space<vmem>> -> memref<32x128xi32, #tpu.memory_space<vmem>>
          %dma_wait3A_359 = arith.constant 0 : i32
          %dma_wait3A_360 = tpu.memref_slice %arg9[%add3A_340, %dma_wait3A_359] : memref<8192x128xi32, #tpu.memory_space<hbm>> -> memref<32x128xi32, #tpu.memory_space<hbm>>
          %dma_wait3A_361 = arith.constant 0 : i32
          %dma_wait3A_362 = tpu.memref_slice %arg9[%add3A_340, %dma_wait3A_361] : memref<8192x128xi32, #tpu.memory_space<hbm>> -> memref<32x128xi32, #tpu.memory_space<hbm>>
          %dma_wait3A_363 = arith.constant 0 : i32
          %dma_wait3A_364 = tpu.memref_slice %arg15[%mul3A_337, %dma_wait3A_363] : memref<96x128xi32, #tpu.memory_space<vmem>> -> memref<32x128xi32, #tpu.memory_space<vmem>>
          tpu.wait_dma2 semaphore(%arg23 : memref<!tpu.dma_semaphore, #tpu.memory_space<semaphore_mem>>) src(%dma_wait3A_364 : memref<32x128xi32, #tpu.memory_space<vmem>>) dst(%dma_wait3A_362 : memref<32x128xi32, #tpu.memory_space<hbm>>)
          %dma_wait3A_365 = arith.constant 0 : i32
          %dma_wait3A_366 = tpu.memref_slice %arg16[%mul3A_337, %dma_wait3A_365] : memref<96x128xi32, #tpu.memory_space<vmem>> -> memref<32x128xi32, #tpu.memory_space<vmem>>
          %dma_wait3A_367 = arith.constant 0 : i32
          %dma_wait3A_368 = tpu.memref_slice %arg10[%add3A_340, %dma_wait3A_367] : memref<8192x128xi32, #tpu.memory_space<hbm>> -> memref<32x128xi32, #tpu.memory_space<hbm>>
          %dma_wait3A_369 = arith.constant 0 : i32
          %dma_wait3A_370 = tpu.memref_slice %arg10[%add3A_340, %dma_wait3A_369] : memref<8192x128xi32, #tpu.memory_space<hbm>> -> memref<32x128xi32, #tpu.memory_space<hbm>>
          %dma_wait3A_371 = arith.constant 0 : i32
          %dma_wait3A_372 = tpu.memref_slice %arg16[%mul3A_337, %dma_wait3A_371] : memref<96x128xi32, #tpu.memory_space<vmem>> -> memref<32x128xi32, #tpu.memory_space<vmem>>
          tpu.wait_dma2 semaphore(%arg24 : memref<!tpu.dma_semaphore, #tpu.memory_space<semaphore_mem>>) src(%dma_wait3A_372 : memref<32x128xi32, #tpu.memory_space<vmem>>) dst(%dma_wait3A_370 : memref<32x128xi32, #tpu.memory_space<hbm>>)
        } else {
        }
        %add3A_271 = arith.constant 1 : i32
        %add3A_272 = arith.addi %scan3A_167, %add3A_271 : i32
        %jit3A_273 = arith.constant 3 : i32
        %eq3A_274 = arith.constant 0 : i32
        %eq3A_275 = arith.cmpi eq, %jit3A_273, %eq3A_274 : i32
        %jit3A_276 = arith.constant 1 : i32
        %select_n3A_277 = arith.select %eq3A_275, %jit3A_276, %jit3A_273 : i32
        %rem3A_278 = arith.remsi %add3A_272, %select_n3A_277 : i32
        %ne3A_279 = arith.constant 0 : i32
        %ne3A_280 = arith.cmpi ne, %rem3A_278, %ne3A_279 : i32
        %lt3A_281 = arith.constant 0 : i32
        %lt3A_282 = arith.cmpi slt, %rem3A_278, %lt3A_281 : i32
        %lt3A_283 = arith.constant 0 : i32
        %lt3A_284 = arith.cmpi slt, %select_n3A_277, %lt3A_283 : i32
        %ne3A_285 = arith.xori %lt3A_282, %lt3A_284 : i1
        %and3A_286 = arith.andi %ne3A_285, %ne3A_280 : i1
        %add3A_287 = arith.addi %rem3A_278, %select_n3A_277 : i32
        %select_n3A_288 = arith.select %and3A_286, %add3A_287, %rem3A_278 : i32
        %mul3A_289 = arith.constant 32 : i32
        %mul3A_290 = arith.muli %select_n3A_288, %mul3A_289 : i32
        %mul3A_291 = arith.constant 32 : i32
        %mul3A_292 = arith.muli %add3A_272, %mul3A_291 : i32
        %mul3A_293 = arith.constant 32 : i32
        %mul3A_294 = arith.muli %add3A_272, %mul3A_293 : i32
        %dma_start3A_295 = arith.constant 0 : i32
        %dma_start3A_296 = tpu.memref_slice %arg13[%mul3A_290, %dma_start3A_295] : memref<96x512xi32, #tpu.memory_space<vmem>> -> memref<32x512xi32, #tpu.memory_space<vmem>>
        %dma_start3A_297 = tpu.memref_slice %arg11[%mul3A_292] : memref<256xi32, #tpu.memory_space<vmem>> -> memref<32xi32, #tpu.memory_space<vmem>>
        %dma_start3A_298 = arith.constant 0 : i32
        %dma_start3A_299 = arith.constant 0 : i32
        %dma_start3A_300 = tpu.memref_slice %arg2[%dma_start3A_298, %dma_start3A_299] : memref<2048x512xi32, #tpu.memory_space<hbm>> -> memref<2048x512xi32, #tpu.memory_space<hbm>>
        tpu.enqueue_indirect_dma source(%dma_start3A_300 : memref<2048x512xi32, #tpu.memory_space<hbm>>) target(%dma_start3A_296 : memref<32x512xi32, #tpu.memory_space<vmem>>) offsets(%dma_start3A_297 : memref<32xi32, #tpu.memory_space<vmem>>) semaphore(%arg17 : memref<!tpu.dma_semaphore, #tpu.memory_space<semaphore_mem>>)
        %dma_start3A_301 = arith.constant 0 : i32
        %dma_start3A_302 = tpu.memref_slice %arg14[%mul3A_290, %dma_start3A_301] : memref<96x512xi32, #tpu.memory_space<vmem>> -> memref<32x512xi32, #tpu.memory_space<vmem>>
        %dma_start3A_303 = tpu.memref_slice %arg12[%mul3A_294] : memref<256xi32, #tpu.memory_space<vmem>> -> memref<32xi32, #tpu.memory_space<vmem>>
        %dma_start3A_304 = arith.constant 0 : i32
        %dma_start3A_305 = arith.constant 0 : i32
        %dma_start3A_306 = tpu.memref_slice %arg2[%dma_start3A_304, %dma_start3A_305] : memref<2048x512xi32, #tpu.memory_space<hbm>> -> memref<2048x512xi32, #tpu.memory_space<hbm>>
        tpu.enqueue_indirect_dma source(%dma_start3A_306 : memref<2048x512xi32, #tpu.memory_space<hbm>>) target(%dma_start3A_302 : memref<32x512xi32, #tpu.memory_space<vmem>>) offsets(%dma_start3A_303 : memref<32xi32, #tpu.memory_space<vmem>>) semaphore(%arg18 : memref<!tpu.dma_semaphore, #tpu.memory_space<semaphore_mem>>)
        %dma_start3A_307 = arith.constant 0 : i32
        %dma_start3A_308 = tpu.memref_slice %arg15[%mul3A_290, %dma_start3A_307] : memref<96x128xi32, #tpu.memory_space<vmem>> -> memref<32x128xi32, #tpu.memory_space<vmem>>
        %dma_start3A_309 = tpu.memref_slice %arg11[%mul3A_292] : memref<256xi32, #tpu.memory_space<vmem>> -> memref<32xi32, #tpu.memory_space<vmem>>
        %dma_start3A_310 = arith.constant 0 : i32
        %dma_start3A_311 = arith.constant 0 : i32
        %dma_start3A_312 = tpu.memref_slice %arg3[%dma_start3A_310, %dma_start3A_311] : memref<2048x128xi32, #tpu.memory_space<hbm>> -> memref<2048x128xi32, #tpu.memory_space<hbm>>
        tpu.enqueue_indirect_dma source(%dma_start3A_312 : memref<2048x128xi32, #tpu.memory_space<hbm>>) target(%dma_start3A_308 : memref<32x128xi32, #tpu.memory_space<vmem>>) offsets(%dma_start3A_309 : memref<32xi32, #tpu.memory_space<vmem>>) semaphore(%arg19 : memref<!tpu.dma_semaphore, #tpu.memory_space<semaphore_mem>>)
        %dma_start3A_313 = arith.constant 0 : i32
        %dma_start3A_314 = tpu.memref_slice %arg16[%mul3A_290, %dma_start3A_313] : memref<96x128xi32, #tpu.memory_space<vmem>> -> memref<32x128xi32, #tpu.memory_space<vmem>>
        %dma_start3A_315 = tpu.memref_slice %arg12[%mul3A_294] : memref<256xi32, #tpu.memory_space<vmem>> -> memref<32xi32, #tpu.memory_space<vmem>>
        %dma_start3A_316 = arith.constant 0 : i32
        %dma_start3A_317 = arith.constant 0 : i32
        %dma_start3A_318 = tpu.memref_slice %arg4[%dma_start3A_316, %dma_start3A_317] : memref<2048x128xi32, #tpu.memory_space<hbm>> -> memref<2048x128xi32, #tpu.memory_space<hbm>>
        tpu.enqueue_indirect_dma source(%dma_start3A_318 : memref<2048x128xi32, #tpu.memory_space<hbm>>) target(%dma_start3A_314 : memref<32x128xi32, #tpu.memory_space<vmem>>) offsets(%dma_start3A_315 : memref<32xi32, #tpu.memory_space<vmem>>) semaphore(%arg20 : memref<!tpu.dma_semaphore, #tpu.memory_space<semaphore_mem>>)
      } else {
      }
      %jit3A = arith.constant 3 : i32
      %eq3A = arith.constant 0 : i32
      %eq3A_173 = arith.cmpi eq, %jit3A, %eq3A : i32
      %jit3A_174 = arith.constant 1 : i32
      %select_n3A = arith.select %eq3A_173, %jit3A_174, %jit3A : i32
      %rem3A = arith.remsi %scan3A_167, %select_n3A : i32
      %ne3A = arith.constant 0 : i32
      %ne3A_175 = arith.cmpi ne, %rem3A, %ne3A : i32
      %lt3A_176 = arith.constant 0 : i32
      %lt3A_177 = arith.cmpi slt, %rem3A, %lt3A_176 : i32
      %lt3A_178 = arith.constant 0 : i32
      %lt3A_179 = arith.cmpi slt, %select_n3A, %lt3A_178 : i32
      %ne3A_180 = arith.xori %lt3A_177, %lt3A_179 : i1
      %and3A = arith.andi %ne3A_180, %ne3A_175 : i1
      %add3A_181 = arith.addi %rem3A, %select_n3A : i32
      %select_n3A_182 = arith.select %and3A, %add3A_181, %rem3A : i32
      %mul3A_183 = arith.constant 32 : i32
      %mul3A_184 = arith.muli %select_n3A_182, %mul3A_183 : i32
      %mul3A_185 = arith.constant 32 : i32
      %mul3A_186 = arith.muli %scan3A_167, %mul3A_185 : i32
      %mul3A_187 = arith.constant 32 : i32
      %mul3A_188 = arith.muli %scan3A_167, %mul3A_187 : i32
      %dma_wait3A_189 = arith.constant 0 : i32
      %dma_wait3A_190 = tpu.memref_slice %arg13[%mul3A_184, %dma_wait3A_189] : memref<96x512xi32, #tpu.memory_space<vmem>> -> memref<32x512xi32, #tpu.memory_space<vmem>>
      %dma_wait3A_191 = tpu.memref_slice %arg11[%mul3A_186] : memref<256xi32, #tpu.memory_space<vmem>> -> memref<32xi32, #tpu.memory_space<vmem>>
      %dma_wait3A_192 = arith.constant 0 : i32
      %dma_wait3A_193 = arith.constant 0 : i32
      %dma_wait3A_194 = tpu.memref_slice %arg2[%dma_wait3A_192, %dma_wait3A_193] : memref<2048x512xi32, #tpu.memory_space<hbm>> -> memref<2048x512xi32, #tpu.memory_space<hbm>>
      tpu.wait_indirect_dma semaphore(%arg17 : memref<!tpu.dma_semaphore, #tpu.memory_space<semaphore_mem>>) src(%dma_wait3A_194 : memref<2048x512xi32, #tpu.memory_space<hbm>>) dst(%dma_wait3A_190 : memref<32x512xi32, #tpu.memory_space<vmem>>)
      %dma_wait3A_195 = arith.constant 0 : i32
      %dma_wait3A_196 = tpu.memref_slice %arg14[%mul3A_184, %dma_wait3A_195] : memref<96x512xi32, #tpu.memory_space<vmem>> -> memref<32x512xi32, #tpu.memory_space<vmem>>
      %dma_wait3A_197 = tpu.memref_slice %arg12[%mul3A_188] : memref<256xi32, #tpu.memory_space<vmem>> -> memref<32xi32, #tpu.memory_space<vmem>>
      %dma_wait3A_198 = arith.constant 0 : i32
      %dma_wait3A_199 = arith.constant 0 : i32
      %dma_wait3A_200 = tpu.memref_slice %arg2[%dma_wait3A_198, %dma_wait3A_199] : memref<2048x512xi32, #tpu.memory_space<hbm>> -> memref<2048x512xi32, #tpu.memory_space<hbm>>
      tpu.wait_indirect_dma semaphore(%arg18 : memref<!tpu.dma_semaphore, #tpu.memory_space<semaphore_mem>>) src(%dma_wait3A_200 : memref<2048x512xi32, #tpu.memory_space<hbm>>) dst(%dma_wait3A_196 : memref<32x512xi32, #tpu.memory_space<vmem>>)
      %dma_wait3A_201 = arith.constant 0 : i32
      %dma_wait3A_202 = tpu.memref_slice %arg15[%mul3A_184, %dma_wait3A_201] : memref<96x128xi32, #tpu.memory_space<vmem>> -> memref<32x128xi32, #tpu.memory_space<vmem>>
      %dma_wait3A_203 = tpu.memref_slice %arg11[%mul3A_186] : memref<256xi32, #tpu.memory_space<vmem>> -> memref<32xi32, #tpu.memory_space<vmem>>
      %dma_wait3A_204 = arith.constant 0 : i32
      %dma_wait3A_205 = arith.constant 0 : i32
      %dma_wait3A_206 = tpu.memref_slice %arg3[%dma_wait3A_204, %dma_wait3A_205] : memref<2048x128xi32, #tpu.memory_space<hbm>> -> memref<2048x128xi32, #tpu.memory_space<hbm>>
      tpu.wait_indirect_dma semaphore(%arg19 : memref<!tpu.dma_semaphore, #tpu.memory_space<semaphore_mem>>) src(%dma_wait3A_206 : memref<2048x128xi32, #tpu.memory_space<hbm>>) dst(%dma_wait3A_202 : memref<32x128xi32, #tpu.memory_space<vmem>>)
      %dma_wait3A_207 = arith.constant 0 : i32
      %dma_wait3A_208 = tpu.memref_slice %arg16[%mul3A_184, %dma_wait3A_207] : memref<96x128xi32, #tpu.memory_space<vmem>> -> memref<32x128xi32, #tpu.memory_space<vmem>>
      %dma_wait3A_209 = tpu.memref_slice %arg12[%mul3A_188] : memref<256xi32, #tpu.memory_space<vmem>> -> memref<32xi32, #tpu.memory_space<vmem>>
      %dma_wait3A_210 = arith.constant 0 : i32
      %dma_wait3A_211 = arith.constant 0 : i32
      %dma_wait3A_212 = tpu.memref_slice %arg4[%dma_wait3A_210, %dma_wait3A_211] : memref<2048x128xi32, #tpu.memory_space<hbm>> -> memref<2048x128xi32, #tpu.memory_space<hbm>>
      tpu.wait_indirect_dma semaphore(%arg20 : memref<!tpu.dma_semaphore, #tpu.memory_space<semaphore_mem>>) src(%dma_wait3A_212 : memref<2048x128xi32, #tpu.memory_space<hbm>>) dst(%dma_wait3A_208 : memref<32x128xi32, #tpu.memory_space<vmem>>)
      %jit3A_213 = arith.constant 3 : i32
      %eq3A_214 = arith.constant 0 : i32
      %eq3A_215 = arith.cmpi eq, %jit3A_213, %eq3A_214 : i32
      %jit3A_216 = arith.constant 1 : i32
      %select_n3A_217 = arith.select %eq3A_215, %jit3A_216, %jit3A_213 : i32
      %rem3A_218 = arith.remsi %scan3A_167, %select_n3A_217 : i32
      %ne3A_219 = arith.constant 0 : i32
      %ne3A_220 = arith.cmpi ne, %rem3A_218, %ne3A_219 : i32
      %lt3A_221 = arith.constant 0 : i32
      %lt3A_222 = arith.cmpi slt, %rem3A_218, %lt3A_221 : i32
      %lt3A_223 = arith.constant 0 : i32
      %lt3A_224 = arith.cmpi slt, %select_n3A_217, %lt3A_223 : i32
      %ne3A_225 = arith.xori %lt3A_222, %lt3A_224 : i1
      %and3A_226 = arith.andi %ne3A_225, %ne3A_220 : i1
      %add3A_227 = arith.addi %rem3A_218, %select_n3A_217 : i32
      %select_n3A_228 = arith.select %and3A_226, %add3A_227, %rem3A_218 : i32
      %mul3A_229 = arith.constant 32 : i32
      %mul3A_230 = arith.muli %select_n3A_228, %mul3A_229 : i32
      %mul3A_231 = arith.constant 32 : i32
      %mul3A_232 = arith.muli %scan3A_167, %mul3A_231 : i32
      %add3A_233 = arith.addi %mul3A_2, %mul3A_232 : i32
      %dma_start3A_234 = arith.constant 0 : i32
      %dma_start3A_235 = tpu.memref_slice %arg13[%mul3A_230, %dma_start3A_234] : memref<96x512xi32, #tpu.memory_space<vmem>> -> memref<32x512xi32, #tpu.memory_space<vmem>>
      %dma_start3A_236 = arith.constant 0 : i32
      %dma_start3A_237 = tpu.memref_slice %arg7[%add3A_233, %dma_start3A_236] : memref<8192x512xi32, #tpu.memory_space<hbm>> -> memref<32x512xi32, #tpu.memory_space<hbm>>
      %dma_start3A_238 = arith.constant 0 : i32
      %dma_start3A_239 = tpu.memref_slice %arg7[%add3A_233, %dma_start3A_238] : memref<8192x512xi32, #tpu.memory_space<hbm>> -> memref<32x512xi32, #tpu.memory_space<hbm>>
      %dma_start3A_240 = arith.constant 0 : i32
      %dma_start3A_241 = tpu.memref_slice %arg13[%mul3A_230, %dma_start3A_240] : memref<96x512xi32, #tpu.memory_space<vmem>> -> memref<32x512xi32, #tpu.memory_space<vmem>>
      tpu.enqueue_dma source(%dma_start3A_241 : memref<32x512xi32, #tpu.memory_space<vmem>>) target(%dma_start3A_239 : memref<32x512xi32, #tpu.memory_space<hbm>>) target_semaphore(%arg21 : memref<!tpu.dma_semaphore, #tpu.memory_space<semaphore_mem>>)
      %dma_start3A_242 = arith.constant 0 : i32
      %dma_start3A_243 = tpu.memref_slice %arg14[%mul3A_230, %dma_start3A_242] : memref<96x512xi32, #tpu.memory_space<vmem>> -> memref<32x512xi32, #tpu.memory_space<vmem>>
      %dma_start3A_244 = arith.constant 0 : i32
      %dma_start3A_245 = tpu.memref_slice %arg8[%add3A_233, %dma_start3A_244] : memref<8192x512xi32, #tpu.memory_space<hbm>> -> memref<32x512xi32, #tpu.memory_space<hbm>>
      %dma_start3A_246 = arith.constant 0 : i32
      %dma_start3A_247 = tpu.memref_slice %arg8[%add3A_233, %dma_start3A_246] : memref<8192x512xi32, #tpu.memory_space<hbm>> -> memref<32x512xi32, #tpu.memory_space<hbm>>
      %dma_start3A_248 = arith.constant 0 : i32
      %dma_start3A_249 = tpu.memref_slice %arg14[%mul3A_230, %dma_start3A_248] : memref<96x512xi32, #tpu.memory_space<vmem>> -> memref<32x512xi32, #tpu.memory_space<vmem>>
      tpu.enqueue_dma source(%dma_start3A_249 : memref<32x512xi32, #tpu.memory_space<vmem>>) target(%dma_start3A_247 : memref<32x512xi32, #tpu.memory_space<hbm>>) target_semaphore(%arg22 : memref<!tpu.dma_semaphore, #tpu.memory_space<semaphore_mem>>)
      %dma_start3A_250 = arith.constant 0 : i32
      %dma_start3A_251 = tpu.memref_slice %arg15[%mul3A_230, %dma_start3A_250] : memref<96x128xi32, #tpu.memory_space<vmem>> -> memref<32x128xi32, #tpu.memory_space<vmem>>
      %dma_start3A_252 = arith.constant 0 : i32
      %dma_start3A_253 = tpu.memref_slice %arg9[%add3A_233, %dma_start3A_252] : memref<8192x128xi32, #tpu.memory_space<hbm>> -> memref<32x128xi32, #tpu.memory_space<hbm>>
      %dma_start3A_254 = arith.constant 0 : i32
      %dma_start3A_255 = tpu.memref_slice %arg9[%add3A_233, %dma_start3A_254] : memref<8192x128xi32, #tpu.memory_space<hbm>> -> memref<32x128xi32, #tpu.memory_space<hbm>>
      %dma_start3A_256 = arith.constant 0 : i32
      %dma_start3A_257 = tpu.memref_slice %arg15[%mul3A_230, %dma_start3A_256] : memref<96x128xi32, #tpu.memory_space<vmem>> -> memref<32x128xi32, #tpu.memory_space<vmem>>
      tpu.enqueue_dma source(%dma_start3A_257 : memref<32x128xi32, #tpu.memory_space<vmem>>) target(%dma_start3A_255 : memref<32x128xi32, #tpu.memory_space<hbm>>) target_semaphore(%arg23 : memref<!tpu.dma_semaphore, #tpu.memory_space<semaphore_mem>>)
      %dma_start3A_258 = arith.constant 0 : i32
      %dma_start3A_259 = tpu.memref_slice %arg16[%mul3A_230, %dma_start3A_258] : memref<96x128xi32, #tpu.memory_space<vmem>> -> memref<32x128xi32, #tpu.memory_space<vmem>>
      %dma_start3A_260 = arith.constant 0 : i32
      %dma_start3A_261 = tpu.memref_slice %arg10[%add3A_233, %dma_start3A_260] : memref<8192x128xi32, #tpu.memory_space<hbm>> -> memref<32x128xi32, #tpu.memory_space<hbm>>
      %dma_start3A_262 = arith.constant 0 : i32
      %dma_start3A_263 = tpu.memref_slice %arg10[%add3A_233, %dma_start3A_262] : memref<8192x128xi32, #tpu.memory_space<hbm>> -> memref<32x128xi32, #tpu.memory_space<hbm>>
      %dma_start3A_264 = arith.constant 0 : i32
      %dma_start3A_265 = tpu.memref_slice %arg16[%mul3A_230, %dma_start3A_264] : memref<96x128xi32, #tpu.memory_space<vmem>> -> memref<32x128xi32, #tpu.memory_space<vmem>>
      tpu.enqueue_dma source(%dma_start3A_265 : memref<32x128xi32, #tpu.memory_space<vmem>>) target(%dma_start3A_263 : memref<32x128xi32, #tpu.memory_space<hbm>>) target_semaphore(%arg24 : memref<!tpu.dma_semaphore, #tpu.memory_space<semaphore_mem>>)
      %scan3A_266 = arith.constant 0 : i32
      scf.yield %scan3A_266 : i32
    }
    %scan3A_41 = arith.constant 8 : i32
    %add3A_42 = arith.constant 160 : i32
    %add3A_43 = arith.addi %mul3A_2, %add3A_42 : i32
    %dma_wait3A = arith.constant 64 : i32
    %dma_wait3A_44 = arith.constant 0 : i32
    %dma_wait3A_45 = tpu.memref_slice %arg13[%dma_wait3A, %dma_wait3A_44] : memref<96x512xi32, #tpu.memory_space<vmem>> -> memref<32x512xi32, #tpu.memory_space<vmem>>
    %dma_wait3A_46 = arith.constant 0 : i32
    %dma_wait3A_47 = tpu.memref_slice %arg7[%add3A_43, %dma_wait3A_46] : memref<8192x512xi32, #tpu.memory_space<hbm>> -> memref<32x512xi32, #tpu.memory_space<hbm>>
    %dma_wait3A_48 = arith.constant 0 : i32
    %dma_wait3A_49 = tpu.memref_slice %arg7[%add3A_43, %dma_wait3A_48] : memref<8192x512xi32, #tpu.memory_space<hbm>> -> memref<32x512xi32, #tpu.memory_space<hbm>>
    %dma_wait3A_50 = arith.constant 64 : i32
    %dma_wait3A_51 = arith.constant 0 : i32
    %dma_wait3A_52 = tpu.memref_slice %arg13[%dma_wait3A_50, %dma_wait3A_51] : memref<96x512xi32, #tpu.memory_space<vmem>> -> memref<32x512xi32, #tpu.memory_space<vmem>>
    tpu.wait_dma2 semaphore(%arg21 : memref<!tpu.dma_semaphore, #tpu.memory_space<semaphore_mem>>) src(%dma_wait3A_52 : memref<32x512xi32, #tpu.memory_space<vmem>>) dst(%dma_wait3A_49 : memref<32x512xi32, #tpu.memory_space<hbm>>)
    %dma_wait3A_53 = arith.constant 64 : i32
    %dma_wait3A_54 = arith.constant 0 : i32
    %dma_wait3A_55 = tpu.memref_slice %arg14[%dma_wait3A_53, %dma_wait3A_54] : memref<96x512xi32, #tpu.memory_space<vmem>> -> memref<32x512xi32, #tpu.memory_space<vmem>>
    %dma_wait3A_56 = arith.constant 0 : i32
    %dma_wait3A_57 = tpu.memref_slice %arg8[%add3A_43, %dma_wait3A_56] : memref<8192x512xi32, #tpu.memory_space<hbm>> -> memref<32x512xi32, #tpu.memory_space<hbm>>
    %dma_wait3A_58 = arith.constant 0 : i32
    %dma_wait3A_59 = tpu.memref_slice %arg8[%add3A_43, %dma_wait3A_58] : memref<8192x512xi32, #tpu.memory_space<hbm>> -> memref<32x512xi32, #tpu.memory_space<hbm>>
    %dma_wait3A_60 = arith.constant 64 : i32
    %dma_wait3A_61 = arith.constant 0 : i32
    %dma_wait3A_62 = tpu.memref_slice %arg14[%dma_wait3A_60, %dma_wait3A_61] : memref<96x512xi32, #tpu.memory_space<vmem>> -> memref<32x512xi32, #tpu.memory_space<vmem>>
    tpu.wait_dma2 semaphore(%arg22 : memref<!tpu.dma_semaphore, #tpu.memory_space<semaphore_mem>>) src(%dma_wait3A_62 : memref<32x512xi32, #tpu.memory_space<vmem>>) dst(%dma_wait3A_59 : memref<32x512xi32, #tpu.memory_space<hbm>>)
    %dma_wait3A_63 = arith.constant 64 : i32
    %dma_wait3A_64 = arith.constant 0 : i32
    %dma_wait3A_65 = tpu.memref_slice %arg15[%dma_wait3A_63, %dma_wait3A_64] : memref<96x128xi32, #tpu.memory_space<vmem>> -> memref<32x128xi32, #tpu.memory_space<vmem>>
    %dma_wait3A_66 = arith.constant 0 : i32
    %dma_wait3A_67 = tpu.memref_slice %arg9[%add3A_43, %dma_wait3A_66] : memref<8192x128xi32, #tpu.memory_space<hbm>> -> memref<32x128xi32, #tpu.memory_space<hbm>>
    %dma_wait3A_68 = arith.constant 0 : i32
    %dma_wait3A_69 = tpu.memref_slice %arg9[%add3A_43, %dma_wait3A_68] : memref<8192x128xi32, #tpu.memory_space<hbm>> -> memref<32x128xi32, #tpu.memory_space<hbm>>
    %dma_wait3A_70 = arith.constant 64 : i32
    %dma_wait3A_71 = arith.constant 0 : i32
    %dma_wait3A_72 = tpu.memref_slice %arg15[%dma_wait3A_70, %dma_wait3A_71] : memref<96x128xi32, #tpu.memory_space<vmem>> -> memref<32x128xi32, #tpu.memory_space<vmem>>
    tpu.wait_dma2 semaphore(%arg23 : memref<!tpu.dma_semaphore, #tpu.memory_space<semaphore_mem>>) src(%dma_wait3A_72 : memref<32x128xi32, #tpu.memory_space<vmem>>) dst(%dma_wait3A_69 : memref<32x128xi32, #tpu.memory_space<hbm>>)
    %dma_wait3A_73 = arith.constant 64 : i32
    %dma_wait3A_74 = arith.constant 0 : i32
    %dma_wait3A_75 = tpu.memref_slice %arg16[%dma_wait3A_73, %dma_wait3A_74] : memref<96x128xi32, #tpu.memory_space<vmem>> -> memref<32x128xi32, #tpu.memory_space<vmem>>
    %dma_wait3A_76 = arith.constant 0 : i32
    %dma_wait3A_77 = tpu.memref_slice %arg10[%add3A_43, %dma_wait3A_76] : memref<8192x128xi32, #tpu.memory_space<hbm>> -> memref<32x128xi32, #tpu.memory_space<hbm>>
    %dma_wait3A_78 = arith.constant 0 : i32
    %dma_wait3A_79 = tpu.memref_slice %arg10[%add3A_43, %dma_wait3A_78] : memref<8192x128xi32, #tpu.memory_space<hbm>> -> memref<32x128xi32, #tpu.memory_space<hbm>>
    %dma_wait3A_80 = arith.constant 64 : i32
    %dma_wait3A_81 = arith.constant 0 : i32
    %dma_wait3A_82 = tpu.memref_slice %arg16[%dma_wait3A_80, %dma_wait3A_81] : memref<96x128xi32, #tpu.memory_space<vmem>> -> memref<32x128xi32, #tpu.memory_space<vmem>>
    tpu.wait_dma2 semaphore(%arg24 : memref<!tpu.dma_semaphore, #tpu.memory_space<semaphore_mem>>) src(%dma_wait3A_82 : memref<32x128xi32, #tpu.memory_space<vmem>>) dst(%dma_wait3A_79 : memref<32x128xi32, #tpu.memory_space<hbm>>)
    %add3A_83 = arith.constant 192 : i32
    %add3A_84 = arith.addi %mul3A_2, %add3A_83 : i32
    %dma_wait3A_85 = arith.constant 0 : i32
    %dma_wait3A_86 = arith.constant 0 : i32
    %dma_wait3A_87 = tpu.memref_slice %arg13[%dma_wait3A_85, %dma_wait3A_86] : memref<96x512xi32, #tpu.memory_space<vmem>> -> memref<32x512xi32, #tpu.memory_space<vmem>>
    %dma_wait3A_88 = arith.constant 0 : i32
    %dma_wait3A_89 = tpu.memref_slice %arg7[%add3A_84, %dma_wait3A_88] : memref<8192x512xi32, #tpu.memory_space<hbm>> -> memref<32x512xi32, #tpu.memory_space<hbm>>
    %dma_wait3A_90 = arith.constant 0 : i32
    %dma_wait3A_91 = tpu.memref_slice %arg7[%add3A_84, %dma_wait3A_90] : memref<8192x512xi32, #tpu.memory_space<hbm>> -> memref<32x512xi32, #tpu.memory_space<hbm>>
    %dma_wait3A_92 = arith.constant 0 : i32
    %dma_wait3A_93 = arith.constant 0 : i32
    %dma_wait3A_94 = tpu.memref_slice %arg13[%dma_wait3A_92, %dma_wait3A_93] : memref<96x512xi32, #tpu.memory_space<vmem>> -> memref<32x512xi32, #tpu.memory_space<vmem>>
    tpu.wait_dma2 semaphore(%arg21 : memref<!tpu.dma_semaphore, #tpu.memory_space<semaphore_mem>>) src(%dma_wait3A_94 : memref<32x512xi32, #tpu.memory_space<vmem>>) dst(%dma_wait3A_91 : memref<32x512xi32, #tpu.memory_space<hbm>>)
    %dma_wait3A_95 = arith.constant 0 : i32
    %dma_wait3A_96 = arith.constant 0 : i32
    %dma_wait3A_97 = tpu.memref_slice %arg14[%dma_wait3A_95, %dma_wait3A_96] : memref<96x512xi32, #tpu.memory_space<vmem>> -> memref<32x512xi32, #tpu.memory_space<vmem>>
    %dma_wait3A_98 = arith.constant 0 : i32
    %dma_wait3A_99 = tpu.memref_slice %arg8[%add3A_84, %dma_wait3A_98] : memref<8192x512xi32, #tpu.memory_space<hbm>> -> memref<32x512xi32, #tpu.memory_space<hbm>>
    %dma_wait3A_100 = arith.constant 0 : i32
    %dma_wait3A_101 = tpu.memref_slice %arg8[%add3A_84, %dma_wait3A_100] : memref<8192x512xi32, #tpu.memory_space<hbm>> -> memref<32x512xi32, #tpu.memory_space<hbm>>
    %dma_wait3A_102 = arith.constant 0 : i32
    %dma_wait3A_103 = arith.constant 0 : i32
    %dma_wait3A_104 = tpu.memref_slice %arg14[%dma_wait3A_102, %dma_wait3A_103] : memref<96x512xi32, #tpu.memory_space<vmem>> -> memref<32x512xi32, #tpu.memory_space<vmem>>
    tpu.wait_dma2 semaphore(%arg22 : memref<!tpu.dma_semaphore, #tpu.memory_space<semaphore_mem>>) src(%dma_wait3A_104 : memref<32x512xi32, #tpu.memory_space<vmem>>) dst(%dma_wait3A_101 : memref<32x512xi32, #tpu.memory_space<hbm>>)
    %dma_wait3A_105 = arith.constant 0 : i32
    %dma_wait3A_106 = arith.constant 0 : i32
    %dma_wait3A_107 = tpu.memref_slice %arg15[%dma_wait3A_105, %dma_wait3A_106] : memref<96x128xi32, #tpu.memory_space<vmem>> -> memref<32x128xi32, #tpu.memory_space<vmem>>
    %dma_wait3A_108 = arith.constant 0 : i32
    %dma_wait3A_109 = tpu.memref_slice %arg9[%add3A_84, %dma_wait3A_108] : memref<8192x128xi32, #tpu.memory_space<hbm>> -> memref<32x128xi32, #tpu.memory_space<hbm>>
    %dma_wait3A_110 = arith.constant 0 : i32
    %dma_wait3A_111 = tpu.memref_slice %arg9[%add3A_84, %dma_wait3A_110] : memref<8192x128xi32, #tpu.memory_space<hbm>> -> memref<32x128xi32, #tpu.memory_space<hbm>>
    %dma_wait3A_112 = arith.constant 0 : i32
    %dma_wait3A_113 = arith.constant 0 : i32
    %dma_wait3A_114 = tpu.memref_slice %arg15[%dma_wait3A_112, %dma_wait3A_113] : memref<96x128xi32, #tpu.memory_space<vmem>> -> memref<32x128xi32, #tpu.memory_space<vmem>>
    tpu.wait_dma2 semaphore(%arg23 : memref<!tpu.dma_semaphore, #tpu.memory_space<semaphore_mem>>) src(%dma_wait3A_114 : memref<32x128xi32, #tpu.memory_space<vmem>>) dst(%dma_wait3A_111 : memref<32x128xi32, #tpu.memory_space<hbm>>)
    %dma_wait3A_115 = arith.constant 0 : i32
    %dma_wait3A_116 = arith.constant 0 : i32
    %dma_wait3A_117 = tpu.memref_slice %arg16[%dma_wait3A_115, %dma_wait3A_116] : memref<96x128xi32, #tpu.memory_space<vmem>> -> memref<32x128xi32, #tpu.memory_space<vmem>>
    %dma_wait3A_118 = arith.constant 0 : i32
    %dma_wait3A_119 = tpu.memref_slice %arg10[%add3A_84, %dma_wait3A_118] : memref<8192x128xi32, #tpu.memory_space<hbm>> -> memref<32x128xi32, #tpu.memory_space<hbm>>
    %dma_wait3A_120 = arith.constant 0 : i32
    %dma_wait3A_121 = tpu.memref_slice %arg10[%add3A_84, %dma_wait3A_120] : memref<8192x128xi32, #tpu.memory_space<hbm>> -> memref<32x128xi32, #tpu.memory_space<hbm>>
    %dma_wait3A_122 = arith.constant 0 : i32
    %dma_wait3A_123 = arith.constant 0 : i32
    %dma_wait3A_124 = tpu.memref_slice %arg16[%dma_wait3A_122, %dma_wait3A_123] : memref<96x128xi32, #tpu.memory_space<vmem>> -> memref<32x128xi32, #tpu.memory_space<vmem>>
    tpu.wait_dma2 semaphore(%arg24 : memref<!tpu.dma_semaphore, #tpu.memory_space<semaphore_mem>>) src(%dma_wait3A_124 : memref<32x128xi32, #tpu.memory_space<vmem>>) dst(%dma_wait3A_121 : memref<32x128xi32, #tpu.memory_space<hbm>>)
    %add3A_125 = arith.constant 224 : i32
    %add3A_126 = arith.addi %mul3A_2, %add3A_125 : i32
    %dma_wait3A_127 = arith.constant 32 : i32
    %dma_wait3A_128 = arith.constant 0 : i32
    %dma_wait3A_129 = tpu.memref_slice %arg13[%dma_wait3A_127, %dma_wait3A_128] : memref<96x512xi32, #tpu.memory_space<vmem>> -> memref<32x512xi32, #tpu.memory_space<vmem>>
    %dma_wait3A_130 = arith.constant 0 : i32
    %dma_wait3A_131 = tpu.memref_slice %arg7[%add3A_126, %dma_wait3A_130] : memref<8192x512xi32, #tpu.memory_space<hbm>> -> memref<32x512xi32, #tpu.memory_space<hbm>>
    %dma_wait3A_132 = arith.constant 0 : i32
    %dma_wait3A_133 = tpu.memref_slice %arg7[%add3A_126, %dma_wait3A_132] : memref<8192x512xi32, #tpu.memory_space<hbm>> -> memref<32x512xi32, #tpu.memory_space<hbm>>
    %dma_wait3A_134 = arith.constant 32 : i32
    %dma_wait3A_135 = arith.constant 0 : i32
    %dma_wait3A_136 = tpu.memref_slice %arg13[%dma_wait3A_134, %dma_wait3A_135] : memref<96x512xi32, #tpu.memory_space<vmem>> -> memref<32x512xi32, #tpu.memory_space<vmem>>
    tpu.wait_dma2 semaphore(%arg21 : memref<!tpu.dma_semaphore, #tpu.memory_space<semaphore_mem>>) src(%dma_wait3A_136 : memref<32x512xi32, #tpu.memory_space<vmem>>) dst(%dma_wait3A_133 : memref<32x512xi32, #tpu.memory_space<hbm>>)
    %dma_wait3A_137 = arith.constant 32 : i32
    %dma_wait3A_138 = arith.constant 0 : i32
    %dma_wait3A_139 = tpu.memref_slice %arg14[%dma_wait3A_137, %dma_wait3A_138] : memref<96x512xi32, #tpu.memory_space<vmem>> -> memref<32x512xi32, #tpu.memory_space<vmem>>
    %dma_wait3A_140 = arith.constant 0 : i32
    %dma_wait3A_141 = tpu.memref_slice %arg8[%add3A_126, %dma_wait3A_140] : memref<8192x512xi32, #tpu.memory_space<hbm>> -> memref<32x512xi32, #tpu.memory_space<hbm>>
    %dma_wait3A_142 = arith.constant 0 : i32
    %dma_wait3A_143 = tpu.memref_slice %arg8[%add3A_126, %dma_wait3A_142] : memref<8192x512xi32, #tpu.memory_space<hbm>> -> memref<32x512xi32, #tpu.memory_space<hbm>>
    %dma_wait3A_144 = arith.constant 32 : i32
    %dma_wait3A_145 = arith.constant 0 : i32
    %dma_wait3A_146 = tpu.memref_slice %arg14[%dma_wait3A_144, %dma_wait3A_145] : memref<96x512xi32, #tpu.memory_space<vmem>> -> memref<32x512xi32, #tpu.memory_space<vmem>>
    tpu.wait_dma2 semaphore(%arg22 : memref<!tpu.dma_semaphore, #tpu.memory_space<semaphore_mem>>) src(%dma_wait3A_146 : memref<32x512xi32, #tpu.memory_space<vmem>>) dst(%dma_wait3A_143 : memref<32x512xi32, #tpu.memory_space<hbm>>)
    %dma_wait3A_147 = arith.constant 32 : i32
    %dma_wait3A_148 = arith.constant 0 : i32
    %dma_wait3A_149 = tpu.memref_slice %arg15[%dma_wait3A_147, %dma_wait3A_148] : memref<96x128xi32, #tpu.memory_space<vmem>> -> memref<32x128xi32, #tpu.memory_space<vmem>>
    %dma_wait3A_150 = arith.constant 0 : i32
    %dma_wait3A_151 = tpu.memref_slice %arg9[%add3A_126, %dma_wait3A_150] : memref<8192x128xi32, #tpu.memory_space<hbm>> -> memref<32x128xi32, #tpu.memory_space<hbm>>
    %dma_wait3A_152 = arith.constant 0 : i32
    %dma_wait3A_153 = tpu.memref_slice %arg9[%add3A_126, %dma_wait3A_152] : memref<8192x128xi32, #tpu.memory_space<hbm>> -> memref<32x128xi32, #tpu.memory_space<hbm>>
    %dma_wait3A_154 = arith.constant 32 : i32
    %dma_wait3A_155 = arith.constant 0 : i32
    %dma_wait3A_156 = tpu.memref_slice %arg15[%dma_wait3A_154, %dma_wait3A_155] : memref<96x128xi32, #tpu.memory_space<vmem>> -> memref<32x128xi32, #tpu.memory_space<vmem>>
    tpu.wait_dma2 semaphore(%arg23 : memref<!tpu.dma_semaphore, #tpu.memory_space<semaphore_mem>>) src(%dma_wait3A_156 : memref<32x128xi32, #tpu.memory_space<vmem>>) dst(%dma_wait3A_153 : memref<32x128xi32, #tpu.memory_space<hbm>>)
    %dma_wait3A_157 = arith.constant 32 : i32
    %dma_wait3A_158 = arith.constant 0 : i32
    %dma_wait3A_159 = tpu.memref_slice %arg16[%dma_wait3A_157, %dma_wait3A_158] : memref<96x128xi32, #tpu.memory_space<vmem>> -> memref<32x128xi32, #tpu.memory_space<vmem>>
    %dma_wait3A_160 = arith.constant 0 : i32
    %dma_wait3A_161 = tpu.memref_slice %arg10[%add3A_126, %dma_wait3A_160] : memref<8192x128xi32, #tpu.memory_space<hbm>> -> memref<32x128xi32, #tpu.memory_space<hbm>>
    %dma_wait3A_162 = arith.constant 0 : i32
    %dma_wait3A_163 = tpu.memref_slice %arg10[%add3A_126, %dma_wait3A_162] : memref<8192x128xi32, #tpu.memory_space<hbm>> -> memref<32x128xi32, #tpu.memory_space<hbm>>
    %dma_wait3A_164 = arith.constant 32 : i32
    %dma_wait3A_165 = arith.constant 0 : i32
    %dma_wait3A_166 = tpu.memref_slice %arg16[%dma_wait3A_164, %dma_wait3A_165] : memref<96x128xi32, #tpu.memory_space<vmem>> -> memref<32x128xi32, #tpu.memory_space<vmem>>
    tpu.wait_dma2 semaphore(%arg24 : memref<!tpu.dma_semaphore, #tpu.memory_space<semaphore_mem>>) src(%dma_wait3A_166 : memref<32x128xi32, #tpu.memory_space<vmem>>) dst(%dma_wait3A_163 : memref<32x128xi32, #tpu.memory_space<hbm>>)
    return
  }
}

module attributes {stable_mosaic.version = 14 : i64} {
  func.func @_prep_kernel(%arg0: memref<2048x1024xf32, #tpu.memory_space<vmem>>, %arg1: memref<1024x256xf32, #tpu.memory_space<vmem>>, %arg2: memref<1024x256xf32, #tpu.memory_space<vmem>>, %arg3: memref<2048x1xf32, #tpu.memory_space<vmem>>, %arg4: memref<1x256xf32, #tpu.memory_space<vmem>>, %arg5: memref<48x60xf32, #tpu.memory_space<vmem>>, %arg6: memref<60x256xf32, #tpu.memory_space<vmem>>, %arg7: memref<2048x512xi32, #tpu.memory_space<vmem>>, %arg8: memref<2048x128xi32, #tpu.memory_space<vmem>>, %arg9: memref<2048x128xi32, #tpu.memory_space<vmem>>, %arg10: memref<48x256xf32, #tpu.memory_space<vmem>>) attributes {dimension_semantics = [], scalar_prefetch = 0 : i64, scratch_operands = 0 : i64, tpu.core_type = #tpu.core_type<tc>} {
    %get3A = arith.constant 0 : index
    %get3A_0 = arith.constant 0 : index
    %get3A_1 = vector.load %arg0[%get3A, %get3A_0] : memref<2048x1024xf32, #tpu.memory_space<vmem>>, vector<2048x1024xf32>
    %iota3A = tpu.iota {dimensions = array<i32: 1>} : vector<1x256xi32>
    %get3A_2 = arith.constant 0 : index
    %get3A_3 = arith.constant 0 : index
    %get3A_4 = vector.load %arg3[%get3A_2, %get3A_3] : memref<2048x1xf32, #tpu.memory_space<vmem>>, vector<2048x1xf32>
    %convert_element_type3A = arith.truncf %get3A_4 : vector<2048x1xf32> to vector<2048x1xbf16>
    %convert_element_type3A_5 = arith.extf %convert_element_type3A : vector<2048x1xbf16> to vector<2048x1xf32>
    %sub3A = arith.subf %get3A_4, %convert_element_type3A_5 : vector<2048x1xf32>
    %slice3A = vector.extract_strided_slice %get3A_1 {offsets = [0, 0], sizes = [2048, 512], strides = [1, 1]} : vector<2048x1024xf32> to vector<2048x512xf32>
    %slice3A_6 = vector.extract_strided_slice %get3A_1 {offsets = [0, 512], sizes = [2048, 512], strides = [1, 1]} : vector<2048x1024xf32> to vector<2048x512xf32>
    %bitcast_convert_type3A = tpu.bitcast %slice3A : vector<2048x512xf32> -> vector<2048x512xi32>
    %add3A = arith.constant 32767 : i32
    %add3A_7 = vector.broadcast %add3A : i32 to vector<2048x512xi32>
    %add3A_8 = arith.addi %bitcast_convert_type3A, %add3A_7 : vector<2048x512xi32>
    %shift_right_arithmetic3A = arith.constant 16 : i32
    %shift_right_arithmetic3A_9 = vector.broadcast %shift_right_arithmetic3A : i32 to vector<2048x512xi32>
    %shift_right_arithmetic3A_10 = arith.shrsi %bitcast_convert_type3A, %shift_right_arithmetic3A_9 : vector<2048x512xi32>
    %and3A = arith.constant 1 : i32
    %and3A_11 = vector.broadcast %and3A : i32 to vector<2048x512xi32>
    %and3A_12 = arith.andi %shift_right_arithmetic3A_10, %and3A_11 : vector<2048x512xi32>
    %add3A_13 = arith.addi %add3A_8, %and3A_12 : vector<2048x512xi32>
    %shift_right_logical3A = arith.constant 16 : i32
    %shift_right_logical3A_14 = vector.broadcast %shift_right_logical3A : i32 to vector<2048x512xi32>
    %shift_right_logical3A_15 = arith.shrui %add3A_13, %shift_right_logical3A_14 : vector<2048x512xi32>
    %bitcast_convert_type3A_16 = tpu.bitcast %slice3A_6 : vector<2048x512xf32> -> vector<2048x512xi32>
    %add3A_17 = arith.constant 32767 : i32
    %add3A_18 = vector.broadcast %add3A_17 : i32 to vector<2048x512xi32>
    %add3A_19 = arith.addi %bitcast_convert_type3A_16, %add3A_18 : vector<2048x512xi32>
    %shift_right_arithmetic3A_20 = arith.constant 16 : i32
    %shift_right_arithmetic3A_21 = vector.broadcast %shift_right_arithmetic3A_20 : i32 to vector<2048x512xi32>
    %shift_right_arithmetic3A_22 = arith.shrsi %bitcast_convert_type3A_16, %shift_right_arithmetic3A_21 : vector<2048x512xi32>
    %and3A_23 = arith.constant 1 : i32
    %and3A_24 = vector.broadcast %and3A_23 : i32 to vector<2048x512xi32>
    %and3A_25 = arith.andi %shift_right_arithmetic3A_22, %and3A_24 : vector<2048x512xi32>
    %add3A_26 = arith.addi %add3A_19, %and3A_25 : vector<2048x512xi32>
    %and3A_27 = arith.constant -65536 : i32
    %and3A_28 = vector.broadcast %and3A_27 : i32 to vector<2048x512xi32>
    %and3A_29 = arith.andi %add3A_26, %and3A_28 : vector<2048x512xi32>
    %or3A = arith.ori %shift_right_logical3A_15, %and3A_29 : vector<2048x512xi32>
    %swap3A = arith.constant 0 : index
    %swap3A_30 = arith.constant 0 : index
    %swap3A_31 = vector.load %arg7[%swap3A, %swap3A_30] : memref<2048x512xi32, #tpu.memory_space<vmem>>, vector<2048x512xi32>
    tpu.vector_store %arg7[%swap3A, %swap3A_30], %or3A {strides = array<i32>} : memref<2048x512xi32, #tpu.memory_space<vmem>>, vector<2048x512xi32>,
    %get3A_32 = arith.constant 0 : index
    %get3A_33 = arith.constant 0 : index
    %get3A_34 = vector.load %arg1[%get3A_32, %get3A_33] : memref<1024x256xf32, #tpu.memory_space<vmem>>, vector<1024x256xf32>
    %dot_general3A = arith.constant dense<0.000000e+00> : vector<2048x256xf32>
    %dot_general3A_35 = tpu.matmul %get3A_1, %get3A_34, %dot_general3A {dimension_numbers = #tpu.dot_dimension_numbers<[1], [0], [0], [1], [0, 0, 1, 1], [], []>, transpose_lhs_hint = false} : vector<2048x1024xf32>, vector<1024x256xf32>, vector<2048x256xf32> -> vector<2048x256xf32>
    %get3A_36 = arith.constant 0 : index
    %get3A_37 = arith.constant 0 : index
    %get3A_38 = vector.load %arg4[%get3A_36, %get3A_37] : memref<1x256xf32, #tpu.memory_space<vmem>>, vector<1x256xf32>
    %add3A_39 = vector.broadcast %get3A_38 : vector<1x256xf32> to vector<2048x256xf32>
    %add3A_40 = arith.addf %dot_general3A_35, %add3A_39 : vector<2048x256xf32>
    %eq3A = arith.constant 150 : i32
    %eq3A_41 = vector.broadcast %eq3A : i32 to vector<1x256xi32>
    %eq3A_42 = arith.cmpi eq, %iota3A, %eq3A_41 : vector<1x256xi32>
    %convert_element_type3A_43 = arith.extui %eq3A_42 : vector<1x256xi1> to vector<1x256xi32>
    %convert_element_type3A_44 = arith.sitofp %convert_element_type3A_43 : vector<1x256xi32> to vector<1x256xf32>
    %mul3A = vector.broadcast %convert_element_type3A_5 : vector<2048x1xf32> to vector<2048x256xf32>
    %mul3A_45 = vector.broadcast %convert_element_type3A_44 : vector<1x256xf32> to vector<2048x256xf32>
    %mul3A_46 = arith.mulf %mul3A, %mul3A_45 : vector<2048x256xf32>
    %add3A_47 = arith.addf %add3A_40, %mul3A_46 : vector<2048x256xf32>
    %eq3A_48 = arith.constant 151 : i32
    %eq3A_49 = vector.broadcast %eq3A_48 : i32 to vector<1x256xi32>
    %eq3A_50 = arith.cmpi eq, %iota3A, %eq3A_49 : vector<1x256xi32>
    %convert_element_type3A_51 = arith.extui %eq3A_50 : vector<1x256xi1> to vector<1x256xi32>
    %convert_element_type3A_52 = arith.sitofp %convert_element_type3A_51 : vector<1x256xi32> to vector<1x256xf32>
    %mul3A_53 = vector.broadcast %sub3A : vector<2048x1xf32> to vector<2048x256xf32>
    %mul3A_54 = vector.broadcast %convert_element_type3A_52 : vector<1x256xf32> to vector<2048x256xf32>
    %mul3A_55 = arith.mulf %mul3A_53, %mul3A_54 : vector<2048x256xf32>
    %add3A_56 = arith.addf %add3A_47, %mul3A_55 : vector<2048x256xf32>
    %get3A_57 = arith.constant 0 : index
    %get3A_58 = arith.constant 0 : index
    %get3A_59 = vector.load %arg2[%get3A_57, %get3A_58] : memref<1024x256xf32, #tpu.memory_space<vmem>>, vector<1024x256xf32>
    %dot_general3A_60 = arith.constant dense<0.000000e+00> : vector<2048x256xf32>
    %dot_general3A_61 = tpu.matmul %get3A_1, %get3A_59, %dot_general3A_60 {dimension_numbers = #tpu.dot_dimension_numbers<[1], [0], [0], [1], [0, 0, 1, 1], [], []>, transpose_lhs_hint = false} : vector<2048x1024xf32>, vector<1024x256xf32>, vector<2048x256xf32> -> vector<2048x256xf32>
    %eq3A_62 = arith.constant 152 : i32
    %eq3A_63 = vector.broadcast %eq3A_62 : i32 to vector<1x256xi32>
    %eq3A_64 = arith.cmpi eq, %iota3A, %eq3A_63 : vector<1x256xi32>
    %convert_element_type3A_65 = arith.extui %eq3A_64 : vector<1x256xi1> to vector<1x256xi32>
    %convert_element_type3A_66 = arith.sitofp %convert_element_type3A_65 : vector<1x256xi32> to vector<1x256xf32>
    %mul3A_67 = vector.broadcast %convert_element_type3A_5 : vector<2048x1xf32> to vector<2048x256xf32>
    %mul3A_68 = vector.broadcast %convert_element_type3A_66 : vector<1x256xf32> to vector<2048x256xf32>
    %mul3A_69 = arith.mulf %mul3A_67, %mul3A_68 : vector<2048x256xf32>
    %add3A_70 = arith.addf %dot_general3A_61, %mul3A_69 : vector<2048x256xf32>
    %eq3A_71 = arith.constant 153 : i32
    %eq3A_72 = vector.broadcast %eq3A_71 : i32 to vector<1x256xi32>
    %eq3A_73 = arith.cmpi eq, %iota3A, %eq3A_72 : vector<1x256xi32>
    %convert_element_type3A_74 = arith.extui %eq3A_73 : vector<1x256xi1> to vector<1x256xi32>
    %convert_element_type3A_75 = arith.sitofp %convert_element_type3A_74 : vector<1x256xi32> to vector<1x256xf32>
    %mul3A_76 = vector.broadcast %sub3A : vector<2048x1xf32> to vector<2048x256xf32>
    %mul3A_77 = vector.broadcast %convert_element_type3A_75 : vector<1x256xf32> to vector<2048x256xf32>
    %mul3A_78 = arith.mulf %mul3A_76, %mul3A_77 : vector<2048x256xf32>
    %add3A_79 = arith.addf %add3A_70, %mul3A_78 : vector<2048x256xf32>
    %slice3A_80 = vector.extract_strided_slice %add3A_56 {offsets = [0, 0], sizes = [2048, 128], strides = [1, 1]} : vector<2048x256xf32> to vector<2048x128xf32>
    %slice3A_81 = vector.extract_strided_slice %add3A_56 {offsets = [0, 128], sizes = [2048, 128], strides = [1, 1]} : vector<2048x256xf32> to vector<2048x128xf32>
    %bitcast_convert_type3A_82 = tpu.bitcast %slice3A_80 : vector<2048x128xf32> -> vector<2048x128xi32>
    %add3A_83 = arith.constant 32767 : i32
    %add3A_84 = vector.broadcast %add3A_83 : i32 to vector<2048x128xi32>
    %add3A_85 = arith.addi %bitcast_convert_type3A_82, %add3A_84 : vector<2048x128xi32>
    %shift_right_arithmetic3A_86 = arith.constant 16 : i32
    %shift_right_arithmetic3A_87 = vector.broadcast %shift_right_arithmetic3A_86 : i32 to vector<2048x128xi32>
    %shift_right_arithmetic3A_88 = arith.shrsi %bitcast_convert_type3A_82, %shift_right_arithmetic3A_87 : vector<2048x128xi32>
    %and3A_89 = arith.constant 1 : i32
    %and3A_90 = vector.broadcast %and3A_89 : i32 to vector<2048x128xi32>
    %and3A_91 = arith.andi %shift_right_arithmetic3A_88, %and3A_90 : vector<2048x128xi32>
    %add3A_92 = arith.addi %add3A_85, %and3A_91 : vector<2048x128xi32>
    %shift_right_logical3A_93 = arith.constant 16 : i32
    %shift_right_logical3A_94 = vector.broadcast %shift_right_logical3A_93 : i32 to vector<2048x128xi32>
    %shift_right_logical3A_95 = arith.shrui %add3A_92, %shift_right_logical3A_94 : vector<2048x128xi32>
    %bitcast_convert_type3A_96 = tpu.bitcast %slice3A_81 : vector<2048x128xf32> -> vector<2048x128xi32>
    %add3A_97 = arith.constant 32767 : i32
    %add3A_98 = vector.broadcast %add3A_97 : i32 to vector<2048x128xi32>
    %add3A_99 = arith.addi %bitcast_convert_type3A_96, %add3A_98 : vector<2048x128xi32>
    %shift_right_arithmetic3A_100 = arith.constant 16 : i32
    %shift_right_arithmetic3A_101 = vector.broadcast %shift_right_arithmetic3A_100 : i32 to vector<2048x128xi32>
    %shift_right_arithmetic3A_102 = arith.shrsi %bitcast_convert_type3A_96, %shift_right_arithmetic3A_101 : vector<2048x128xi32>
    %and3A_103 = arith.constant 1 : i32
    %and3A_104 = vector.broadcast %and3A_103 : i32 to vector<2048x128xi32>
    %and3A_105 = arith.andi %shift_right_arithmetic3A_102, %and3A_104 : vector<2048x128xi32>
    %add3A_106 = arith.addi %add3A_99, %and3A_105 : vector<2048x128xi32>
    %and3A_107 = arith.constant -65536 : i32
    %and3A_108 = vector.broadcast %and3A_107 : i32 to vector<2048x128xi32>
    %and3A_109 = arith.andi %add3A_106, %and3A_108 : vector<2048x128xi32>
    %or3A_110 = arith.ori %shift_right_logical3A_95, %and3A_109 : vector<2048x128xi32>
    %swap3A_111 = arith.constant 0 : index
    %swap3A_112 = arith.constant 0 : index
    %swap3A_113 = vector.load %arg8[%swap3A_111, %swap3A_112] : memref<2048x128xi32, #tpu.memory_space<vmem>>, vector<2048x128xi32>
    tpu.vector_store %arg8[%swap3A_111, %swap3A_112], %or3A_110 {strides = array<i32>} : memref<2048x128xi32, #tpu.memory_space<vmem>>, vector<2048x128xi32>,
    %slice3A_114 = vector.extract_strided_slice %add3A_79 {offsets = [0, 0], sizes = [2048, 128], strides = [1, 1]} : vector<2048x256xf32> to vector<2048x128xf32>
    %slice3A_115 = vector.extract_strided_slice %add3A_79 {offsets = [0, 128], sizes = [2048, 128], strides = [1, 1]} : vector<2048x256xf32> to vector<2048x128xf32>
    %bitcast_convert_type3A_116 = tpu.bitcast %slice3A_114 : vector<2048x128xf32> -> vector<2048x128xi32>
    %add3A_117 = arith.constant 32767 : i32
    %add3A_118 = vector.broadcast %add3A_117 : i32 to vector<2048x128xi32>
    %add3A_119 = arith.addi %bitcast_convert_type3A_116, %add3A_118 : vector<2048x128xi32>
    %shift_right_arithmetic3A_120 = arith.constant 16 : i32
    %shift_right_arithmetic3A_121 = vector.broadcast %shift_right_arithmetic3A_120 : i32 to vector<2048x128xi32>
    %shift_right_arithmetic3A_122 = arith.shrsi %bitcast_convert_type3A_116, %shift_right_arithmetic3A_121 : vector<2048x128xi32>
    %and3A_123 = arith.constant 1 : i32
    %and3A_124 = vector.broadcast %and3A_123 : i32 to vector<2048x128xi32>
    %and3A_125 = arith.andi %shift_right_arithmetic3A_122, %and3A_124 : vector<2048x128xi32>
    %add3A_126 = arith.addi %add3A_119, %and3A_125 : vector<2048x128xi32>
    %shift_right_logical3A_127 = arith.constant 16 : i32
    %shift_right_logical3A_128 = vector.broadcast %shift_right_logical3A_127 : i32 to vector<2048x128xi32>
    %shift_right_logical3A_129 = arith.shrui %add3A_126, %shift_right_logical3A_128 : vector<2048x128xi32>
    %bitcast_convert_type3A_130 = tpu.bitcast %slice3A_115 : vector<2048x128xf32> -> vector<2048x128xi32>
    %add3A_131 = arith.constant 32767 : i32
    %add3A_132 = vector.broadcast %add3A_131 : i32 to vector<2048x128xi32>
    %add3A_133 = arith.addi %bitcast_convert_type3A_130, %add3A_132 : vector<2048x128xi32>
    %shift_right_arithmetic3A_134 = arith.constant 16 : i32
    %shift_right_arithmetic3A_135 = vector.broadcast %shift_right_arithmetic3A_134 : i32 to vector<2048x128xi32>
    %shift_right_arithmetic3A_136 = arith.shrsi %bitcast_convert_type3A_130, %shift_right_arithmetic3A_135 : vector<2048x128xi32>
    %and3A_137 = arith.constant 1 : i32
    %and3A_138 = vector.broadcast %and3A_137 : i32 to vector<2048x128xi32>
    %and3A_139 = arith.andi %shift_right_arithmetic3A_136, %and3A_138 : vector<2048x128xi32>
    %add3A_140 = arith.addi %add3A_133, %and3A_139 : vector<2048x128xi32>
    %and3A_141 = arith.constant -65536 : i32
    %and3A_142 = vector.broadcast %and3A_141 : i32 to vector<2048x128xi32>
    %and3A_143 = arith.andi %add3A_140, %and3A_142 : vector<2048x128xi32>
    %or3A_144 = arith.ori %shift_right_logical3A_129, %and3A_143 : vector<2048x128xi32>
    %swap3A_145 = arith.constant 0 : index
    %swap3A_146 = arith.constant 0 : index
    %swap3A_147 = vector.load %arg9[%swap3A_145, %swap3A_146] : memref<2048x128xi32, #tpu.memory_space<vmem>>, vector<2048x128xi32>
    tpu.vector_store %arg9[%swap3A_145, %swap3A_146], %or3A_144 {strides = array<i32>} : memref<2048x128xi32, #tpu.memory_space<vmem>>, vector<2048x128xi32>,
    %get3A_148 = arith.constant 0 : index
    %get3A_149 = arith.constant 0 : index
    %get3A_150 = vector.load %arg5[%get3A_148, %get3A_149] : memref<48x60xf32, #tpu.memory_space<vmem>>, vector<48x60xf32>
    %get3A_151 = arith.constant 0 : index
    %get3A_152 = arith.constant 0 : index
    %get3A_153 = vector.load %arg6[%get3A_151, %get3A_152] : memref<60x256xf32, #tpu.memory_space<vmem>>, vector<60x256xf32>
    %dot_general3A_154 = arith.constant dense<0.000000e+00> : vector<48x256xf32>
    %dot_general3A_155 = tpu.matmul %get3A_150, %get3A_153, %dot_general3A_154 {dimension_numbers = #tpu.dot_dimension_numbers<[1], [0], [0], [1], [0, 0, 1, 1], [], []>, transpose_lhs_hint = false} : vector<48x60xf32>, vector<60x256xf32>, vector<48x256xf32> -> vector<48x256xf32>
    %swap3A_156 = arith.constant 0 : index
    %swap3A_157 = arith.constant 0 : index
    %swap3A_158 = vector.load %arg10[%swap3A_156, %swap3A_157] : memref<48x256xf32, #tpu.memory_space<vmem>>, vector<48x256xf32>
    tpu.vector_store %arg10[%swap3A_156, %swap3A_157], %dot_general3A_155 {strides = array<i32>} : memref<48x256xf32, #tpu.memory_space<vmem>>, vector<48x256xf32>,
    return
  }
}

module attributes {stable_mosaic.version = 14 : i64} {
  func.func @_mlp_kernel(%arg0: i32, %arg1: memref<512x512xi32, #tpu.memory_space<vmem>>, %arg2: memref<512x512xi32, #tpu.memory_space<vmem>>, %arg3: memref<512x128xi32, #tpu.memory_space<vmem>>, %arg4: memref<512x128xi32, #tpu.memory_space<vmem>>, %arg5: memref<1x1x512xi32, #tpu.memory_space<vmem>>, %arg6: memref<1x1x512xi32, #tpu.memory_space<vmem>>, %arg7: memref<1x1x512xi32, #tpu.memory_space<vmem>>, %arg8: memref<1x1x512xi32, #tpu.memory_space<vmem>>, %arg9: memref<1024x256xbf16, #tpu.memory_space<vmem>>, %arg10: memref<48x256xf32, #tpu.memory_space<vmem>>, %arg11: memref<256x256xf32, #tpu.memory_space<vmem>>, %arg12: memref<1x256xf32, #tpu.memory_space<vmem>>, %arg13: memref<1x256xf32, #tpu.memory_space<vmem>>, %arg14: memref<1x1xf32, #tpu.memory_space<vmem>>, %arg15: memref<1x256xf32, #tpu.memory_space<vmem>>, %arg16: memref<1x256xf32, #tpu.memory_space<vmem>>, %arg17: memref<1x1x512xf32, #tpu.memory_space<vmem>>, %arg18: memref<1x2048xf32, #tpu.memory_space<vmem>>) attributes {dimension_semantics = [#tpu.dimension_semantics<arbitrary>], iteration_bounds = array<i64: 16>, scalar_prefetch = 0 : i64, scratch_operands = 0 : i64, tpu.core_type = #tpu.core_type<tc>, window_params = [{transform_indices = @transform_0, window_bounds = array<i64: 512, 512>}, {transform_indices = @transform_1, window_bounds = array<i64: 512, 512>}, {transform_indices = @transform_2, window_bounds = array<i64: 512, 128>}, {transform_indices = @transform_3, window_bounds = array<i64: 512, 128>}, {transform_indices = @transform_4, window_bounds = array<i64: 1, 1, 512>}, {transform_indices = @transform_5, window_bounds = array<i64: 1, 1, 512>}, {transform_indices = @transform_6, window_bounds = array<i64: 1, 1, 512>}, {transform_indices = @transform_7, window_bounds = array<i64: 1, 1, 512>}, {pipeline_mode = #tpu.pipeline_mode<synchronous>, transform_indices = @transform_8, window_bounds = array<i64: 1024, 256>}, {pipeline_mode = #tpu.pipeline_mode<synchronous>, transform_indices = @transform_9, window_bounds = array<i64: 48, 256>}, {pipeline_mode = #tpu.pipeline_mode<synchronous>, transform_indices = @transform_10, window_bounds = array<i64: 256, 256>}, {pipeline_mode = #tpu.pipeline_mode<synchronous>, transform_indices = @transform_11, window_bounds = array<i64: 1, 256>}, {pipeline_mode = #tpu.pipeline_mode<synchronous>, transform_indices = @transform_12, window_bounds = array<i64: 1, 256>}, {pipeline_mode = #tpu.pipeline_mode<synchronous>, transform_indices = @transform_13, window_bounds = array<i64: 1, 1>}, {pipeline_mode = #tpu.pipeline_mode<synchronous>, transform_indices = @transform_14, window_bounds = array<i64: 1, 256>}, {pipeline_mode = #tpu.pipeline_mode<synchronous>, transform_indices = @transform_15, window_bounds = array<i64: 1, 256>}, {transform_indices = @transform_16, window_bounds = array<i64: 1, 1, 512>}, {pipeline_mode = #tpu.pipeline_mode<synchronous>, transform_indices = @transform_17, window_bounds = array<i64: 1, 2048>}]} {
    %get3A = arith.constant 0 : index
    %get3A_0 = arith.constant 0 : index
    %get3A_1 = vector.load %arg1[%get3A, %get3A_0] : memref<512x512xi32, #tpu.memory_space<vmem>>, vector<512x512xi32>
    %shift_left3A = arith.constant 16 : i32
    %shift_left3A_2 = vector.broadcast %shift_left3A : i32 to vector<512x512xi32>
    %shift_left3A_3 = arith.shli %get3A_1, %shift_left3A_2 : vector<512x512xi32>
    %bitcast_convert_type3A = tpu.bitcast %shift_left3A_3 : vector<512x512xi32> -> vector<512x512xf32>
    %and3A = arith.constant -65536 : i32
    %and3A_4 = vector.broadcast %and3A : i32 to vector<512x512xi32>
    %and3A_5 = arith.andi %get3A_1, %and3A_4 : vector<512x512xi32>
    %bitcast_convert_type3A_6 = tpu.bitcast %and3A_5 : vector<512x512xi32> -> vector<512x512xf32>
    %get3A_7 = arith.constant 0 : index
    %get3A_8 = arith.constant 0 : index
    %get3A_9 = vector.load %arg2[%get3A_7, %get3A_8] : memref<512x512xi32, #tpu.memory_space<vmem>>, vector<512x512xi32>
    %shift_left3A_10 = arith.constant 16 : i32
    %shift_left3A_11 = vector.broadcast %shift_left3A_10 : i32 to vector<512x512xi32>
    %shift_left3A_12 = arith.shli %get3A_9, %shift_left3A_11 : vector<512x512xi32>
    %bitcast_convert_type3A_13 = tpu.bitcast %shift_left3A_12 : vector<512x512xi32> -> vector<512x512xf32>
    %and3A_14 = arith.constant -65536 : i32
    %and3A_15 = vector.broadcast %and3A_14 : i32 to vector<512x512xi32>
    %and3A_16 = arith.andi %get3A_9, %and3A_15 : vector<512x512xi32>
    %bitcast_convert_type3A_17 = tpu.bitcast %and3A_16 : vector<512x512xi32> -> vector<512x512xf32>
    %mul3A = arith.mulf %bitcast_convert_type3A, %bitcast_convert_type3A_13 : vector<512x512xf32>
    %convert_element_type3A = arith.truncf %mul3A : vector<512x512xf32> to vector<512x512xbf16>
    %mul3A_18 = arith.mulf %bitcast_convert_type3A_6, %bitcast_convert_type3A_17 : vector<512x512xf32>
    %convert_element_type3A_19 = arith.truncf %mul3A_18 : vector<512x512xf32> to vector<512x512xbf16>
    %concatenate3A = tpu.concatenate %convert_element_type3A, %convert_element_type3A_19 in 1 : vector<512x512xbf16>, vector<512x512xbf16> -> vector<512x1024xbf16>
    %get3A_20 = arith.constant 0 : index
    %get3A_21 = arith.constant 0 : index
    %get3A_22 = vector.load %arg3[%get3A_20, %get3A_21] : memref<512x128xi32, #tpu.memory_space<vmem>>, vector<512x128xi32>
    %shift_left3A_23 = arith.constant 16 : i32
    %shift_left3A_24 = vector.broadcast %shift_left3A_23 : i32 to vector<512x128xi32>
    %shift_left3A_25 = arith.shli %get3A_22, %shift_left3A_24 : vector<512x128xi32>
    %bitcast_convert_type3A_26 = tpu.bitcast %shift_left3A_25 : vector<512x128xi32> -> vector<512x128xf32>
    %and3A_27 = arith.constant -65536 : i32
    %and3A_28 = vector.broadcast %and3A_27 : i32 to vector<512x128xi32>
    %and3A_29 = arith.andi %get3A_22, %and3A_28 : vector<512x128xi32>
    %bitcast_convert_type3A_30 = tpu.bitcast %and3A_29 : vector<512x128xi32> -> vector<512x128xf32>
    %get3A_31 = arith.constant 0 : index
    %get3A_32 = arith.constant 0 : index
    %get3A_33 = vector.load %arg4[%get3A_31, %get3A_32] : memref<512x128xi32, #tpu.memory_space<vmem>>, vector<512x128xi32>
    %shift_left3A_34 = arith.constant 16 : i32
    %shift_left3A_35 = vector.broadcast %shift_left3A_34 : i32 to vector<512x128xi32>
    %shift_left3A_36 = arith.shli %get3A_33, %shift_left3A_35 : vector<512x128xi32>
    %bitcast_convert_type3A_37 = tpu.bitcast %shift_left3A_36 : vector<512x128xi32> -> vector<512x128xf32>
    %and3A_38 = arith.constant -65536 : i32
    %and3A_39 = vector.broadcast %and3A_38 : i32 to vector<512x128xi32>
    %and3A_40 = arith.andi %get3A_33, %and3A_39 : vector<512x128xi32>
    %bitcast_convert_type3A_41 = tpu.bitcast %and3A_40 : vector<512x128xi32> -> vector<512x128xf32>
    %add3A = arith.addf %bitcast_convert_type3A_26, %bitcast_convert_type3A_37 : vector<512x128xf32>
    %add3A_42 = arith.addf %bitcast_convert_type3A_30, %bitcast_convert_type3A_41 : vector<512x128xf32>
    %concatenate3A_43 = tpu.concatenate %add3A, %add3A_42 in 1 : vector<512x128xf32>, vector<512x128xf32> -> vector<512x256xf32>
    %get3A_44 = arith.constant 0 : index
    %get3A_45 = arith.constant 0 : index
    %get3A_46 = arith.constant 0 : index
    %get3A_47 = vector.load %arg6[%get3A_44, %get3A_45, %get3A_46] : memref<1x1x512xi32, #tpu.memory_space<vmem>>, vector<1x1x512xi32>
    %get3A_48 = vector.shape_cast %get3A_47 : vector<1x1x512xi32> to vector<512xi32>
    %reshape3A = vector.shape_cast %get3A_48 : vector<512xi32> to vector<1x512xi32>
    %get3A_49 = arith.constant 0 : index
    %get3A_50 = arith.constant 0 : index
    %get3A_51 = arith.constant 0 : index
    %get3A_52 = vector.load %arg7[%get3A_49, %get3A_50, %get3A_51] : memref<1x1x512xi32, #tpu.memory_space<vmem>>, vector<1x1x512xi32>
    %get3A_53 = vector.shape_cast %get3A_52 : vector<1x1x512xi32> to vector<512xi32>
    %reshape3A_54 = vector.shape_cast %get3A_53 : vector<512xi32> to vector<1x512xi32>
    %get3A_55 = arith.constant 0 : index
    %get3A_56 = arith.constant 0 : index
    %get3A_57 = arith.constant 0 : index
    %get3A_58 = vector.load %arg8[%get3A_55, %get3A_56, %get3A_57] : memref<1x1x512xi32, #tpu.memory_space<vmem>>, vector<1x1x512xi32>
    %get3A_59 = vector.shape_cast %get3A_58 : vector<1x1x512xi32> to vector<512xi32>
    %reshape3A_60 = vector.shape_cast %get3A_59 : vector<512xi32> to vector<1x512xi32>
    %iota3A = tpu.iota {dimensions = array<i32: 0>} : vector<48x512xi32>
    %eq3A = vector.broadcast %reshape3A : vector<1x512xi32> to vector<48x512xi32>
    %eq3A_61 = arith.cmpi eq, %iota3A, %eq3A : vector<48x512xi32>
    %add3A_62 = arith.constant 16 : i32
    %add3A_63 = vector.broadcast %add3A_62 : i32 to vector<1x512xi32>
    %add3A_64 = arith.addi %reshape3A_54, %add3A_63 : vector<1x512xi32>
    %eq3A_65 = vector.broadcast %add3A_64 : vector<1x512xi32> to vector<48x512xi32>
    %eq3A_66 = arith.cmpi eq, %iota3A, %eq3A_65 : vector<48x512xi32>
    %or3A = arith.ori %eq3A_61, %eq3A_66 : vector<48x512xi1>
    %add3A_67 = arith.constant 32 : i32
    %add3A_68 = vector.broadcast %add3A_67 : i32 to vector<1x512xi32>
    %add3A_69 = arith.addi %reshape3A_60, %add3A_68 : vector<1x512xi32>
    %eq3A_70 = vector.broadcast %add3A_69 : vector<1x512xi32> to vector<48x512xi32>
    %eq3A_71 = arith.cmpi eq, %iota3A, %eq3A_70 : vector<48x512xi32>
    %or3A_72 = arith.ori %or3A, %eq3A_71 : vector<48x512xi1>
    %convert_element_type3A_73 = arith.extui %or3A_72 : vector<48x512xi1> to vector<48x512xi32>
    %convert_element_type3A_74 = arith.sitofp %convert_element_type3A_73 : vector<48x512xi32> to vector<48x512xf32>
    %get3A_75 = arith.constant 0 : index
    %get3A_76 = arith.constant 0 : index
    %get3A_77 = vector.load %arg9[%get3A_75, %get3A_76] : memref<1024x256xbf16, #tpu.memory_space<vmem>>, vector<1024x256xbf16>
    %dot_general3A = arith.constant dense<0.000000e+00> : vector<512x256xf32>
    %dot_general3A_78 = tpu.matmul %concatenate3A, %get3A_77, %dot_general3A {dimension_numbers = #tpu.dot_dimension_numbers<[1], [0], [0], [1], [0, 0, 1, 1], [], []>, transpose_lhs_hint = false} : vector<512x1024xbf16>, vector<1024x256xbf16>, vector<512x256xf32> -> vector<512x256xf32>
    %get3A_79 = arith.constant 0 : index
    %get3A_80 = arith.constant 0 : index
    %get3A_81 = vector.load %arg10[%get3A_79, %get3A_80] : memref<48x256xf32, #tpu.memory_space<vmem>>, vector<48x256xf32>
    %dot_general3A_82 = arith.constant dense<0.000000e+00> : vector<512x256xf32>
    %dot_general3A_83 = tpu.matmul %convert_element_type3A_74, %get3A_81, %dot_general3A_82 {dimension_numbers = #tpu.dot_dimension_numbers<[0], [0], [1], [1], [0, 1, 1, 1], [], []>, transpose_lhs_hint = false} : vector<48x512xf32>, vector<48x256xf32>, vector<512x256xf32> -> vector<512x256xf32>
    %add3A_84 = arith.addf %dot_general3A_78, %dot_general3A_83 : vector<512x256xf32>
    %get3A_85 = arith.constant 0 : index
    %get3A_86 = arith.constant 0 : index
    %get3A_87 = vector.load %arg15[%get3A_85, %get3A_86] : memref<1x256xf32, #tpu.memory_space<vmem>>, vector<1x256xf32>
    %mul3A_88 = vector.broadcast %get3A_87 : vector<1x256xf32> to vector<512x256xf32>
    %mul3A_89 = arith.mulf %concatenate3A_43, %mul3A_88 : vector<512x256xf32>
    %add3A_90 = arith.addf %add3A_84, %mul3A_89 : vector<512x256xf32>
    %max3A = arith.constant 0.000000e+00 : f32
    %max3A_91 = vector.broadcast %max3A : f32 to vector<512x256xf32>
    %max3A_92 = arith.maximumf %add3A_90, %max3A_91 : vector<512x256xf32>
    %get3A_93 = arith.constant 0 : index
    %get3A_94 = arith.constant 0 : index
    %get3A_95 = vector.load %arg11[%get3A_93, %get3A_94] : memref<256x256xf32, #tpu.memory_space<vmem>>, vector<256x256xf32>
    %dot_general3A_96 = arith.constant dense<0.000000e+00> : vector<512x256xf32>
    %dot_general3A_97 = tpu.matmul %max3A_92, %get3A_95, %dot_general3A_96 {dimension_numbers = #tpu.dot_dimension_numbers<[1], [0], [0], [1], [0, 0, 1, 1], [], []>, transpose_lhs_hint = false} : vector<512x256xf32>, vector<256x256xf32>, vector<512x256xf32> -> vector<512x256xf32>
    %get3A_98 = arith.constant 0 : index
    %get3A_99 = arith.constant 0 : index
    %get3A_100 = vector.load %arg12[%get3A_98, %get3A_99] : memref<1x256xf32, #tpu.memory_space<vmem>>, vector<1x256xf32>
    %add3A_101 = vector.broadcast %get3A_100 : vector<1x256xf32> to vector<512x256xf32>
    %add3A_102 = arith.addf %dot_general3A_97, %add3A_101 : vector<512x256xf32>
    %max3A_103 = arith.constant 0.000000e+00 : f32
    %max3A_104 = vector.broadcast %max3A_103 : f32 to vector<512x256xf32>
    %max3A_105 = arith.maximumf %add3A_102, %max3A_104 : vector<512x256xf32>
    %get3A_106 = arith.constant 0 : index
    %get3A_107 = arith.constant 0 : index
    %get3A_108 = vector.load %arg13[%get3A_106, %get3A_107] : memref<1x256xf32, #tpu.memory_space<vmem>>, vector<1x256xf32>
    %dot_general3A_109 = arith.constant dense<0.000000e+00> : vector<1x512xf32>
    %dot_general3A_110 = tpu.matmul %get3A_108, %max3A_105, %dot_general3A_109 {dimension_numbers = #tpu.dot_dimension_numbers<[1], [1], [0], [0], [0, 0, 1, 0], [], []>, transpose_lhs_hint = false} : vector<1x256xf32>, vector<512x256xf32>, vector<1x512xf32> -> vector<1x512xf32>
    %get3A_111 = arith.constant 0 : index
    %get3A_112 = arith.constant 0 : index
    %get3A_113 = vector.load %arg16[%get3A_111, %get3A_112] : memref<1x256xf32, #tpu.memory_space<vmem>>, vector<1x256xf32>
    %dot_general3A_114 = arith.constant dense<0.000000e+00> : vector<1x512xf32>
    %dot_general3A_115 = tpu.matmul %get3A_113, %concatenate3A_43, %dot_general3A_114 {dimension_numbers = #tpu.dot_dimension_numbers<[1], [1], [0], [0], [0, 0, 1, 0], [], []>, transpose_lhs_hint = false} : vector<1x256xf32>, vector<512x256xf32>, vector<1x512xf32> -> vector<1x512xf32>
    %add3A_116 = arith.addf %dot_general3A_110, %dot_general3A_115 : vector<1x512xf32>
    %get3A_117 = arith.constant 0 : index
    %get3A_118 = arith.constant 0 : index
    %get3A_119 = vector.load %arg14[%get3A_117, %get3A_118] : memref<1x1xf32, #tpu.memory_space<vmem>>, vector<1x1xf32>
    %add3A_120 = vector.broadcast %get3A_119 : vector<1x1xf32> to vector<1x512xf32>
    %add3A_121 = arith.addf %add3A_116, %add3A_120 : vector<1x512xf32>
    %exp3A = math.exp %add3A_121 : vector<1x512xf32>
    %reshape3A_122 = vector.shape_cast %exp3A : vector<1x512xf32> to vector<1x1x512xf32>
    %swap3A = arith.constant 0 : index
    %swap3A_123 = arith.constant 0 : index
    %swap3A_124 = arith.constant 0 : index
    %swap3A_125 = vector.load %arg17[%swap3A, %swap3A_123, %swap3A_124] : memref<1x1x512xf32, #tpu.memory_space<vmem>>, vector<1x1x512xf32>
    tpu.vector_store %arg17[%swap3A, %swap3A_123, %swap3A_124], %reshape3A_122 {strides = array<i32>} : memref<1x1x512xf32, #tpu.memory_space<vmem>>, vector<1x1x512xf32>,
    %get3A_126 = arith.constant 0 : index
    %get3A_127 = arith.constant 0 : index
    %get3A_128 = arith.constant 0 : index
    %get3A_129 = vector.load %arg5[%get3A_126, %get3A_127, %get3A_128] : memref<1x1x512xi32, #tpu.memory_space<vmem>>, vector<1x1x512xi32>
    %get3A_130 = vector.shape_cast %get3A_129 : vector<1x1x512xi32> to vector<512xi32>
    %reshape3A_131 = vector.shape_cast %get3A_130 : vector<512xi32> to vector<1x512xi32>
    %iota3A_132 = tpu.iota {dimensions = array<i32: 0>} : vector<2048x512xi32>
    %eq3A_133 = vector.broadcast %reshape3A_131 : vector<1x512xi32> to vector<2048x512xi32>
    %eq3A_134 = arith.cmpi eq, %iota3A_132, %eq3A_133 : vector<2048x512xi32>
    %convert_element_type3A_135 = arith.extui %eq3A_134 : vector<2048x512xi1> to vector<2048x512xi32>
    %convert_element_type3A_136 = arith.sitofp %convert_element_type3A_135 : vector<2048x512xi32> to vector<2048x512xf32>
    %eq3A_137 = arith.constant 0 : i32
    %eq3A_138 = arith.cmpi eq, %arg0, %eq3A_137 : i32
    %convert_element_type3A_139 = arith.extui %eq3A_138 : i1 to i32
    %cond3A = arith.constant 0 : i32
    %cond3A_140 = arith.cmpi ne, %convert_element_type3A_139, %cond3A : i32
    scf.if %cond3A_140 {
      %broadcast_in_dim3A = arith.constant 1.000000e+00 : f32
      %broadcast_in_dim3A_150 = vector.broadcast %broadcast_in_dim3A : f32 to vector<1x2048xf32>
      %swap3A_151 = arith.constant 0 : index
      %swap3A_152 = arith.constant 0 : index
      %swap3A_153 = vector.load %arg18[%swap3A_151, %swap3A_152] : memref<1x2048xf32, #tpu.memory_space<vmem>>, vector<1x2048xf32>
      tpu.vector_store %arg18[%swap3A_151, %swap3A_152], %broadcast_in_dim3A_150 {strides = array<i32>} : memref<1x2048xf32, #tpu.memory_space<vmem>>, vector<1x2048xf32>,
    } else {
    }
    %get3A_141 = arith.constant 0 : index
    %get3A_142 = arith.constant 0 : index
    %get3A_143 = vector.load %arg18[%get3A_141, %get3A_142] : memref<1x2048xf32, #tpu.memory_space<vmem>>, vector<1x2048xf32>
    %dot_general3A_144 = arith.constant dense<0.000000e+00> : vector<1x2048xf32>
    %dot_general3A_145 = tpu.matmul %exp3A, %convert_element_type3A_136, %dot_general3A_144 {dimension_numbers = #tpu.dot_dimension_numbers<[1], [1], [0], [0], [0, 0, 1, 0], [], []>, transpose_lhs_hint = false} : vector<1x512xf32>, vector<2048x512xf32>, vector<1x2048xf32> -> vector<1x2048xf32>
    %add3A_146 = arith.addf %get3A_143, %dot_general3A_145 : vector<1x2048xf32>
    %swap3A_147 = arith.constant 0 : index
    %swap3A_148 = arith.constant 0 : index
    %swap3A_149 = vector.load %arg18[%swap3A_147, %swap3A_148] : memref<1x2048xf32, #tpu.memory_space<vmem>>, vector<1x2048xf32>
    tpu.vector_store %arg18[%swap3A_147, %swap3A_148], %add3A_146 {strides = array<i32>} : memref<1x2048xf32, #tpu.memory_space<vmem>>, vector<1x2048xf32>,
    return
  }
  func.func @transform_0(%arg0: i32) -> (i32, i32) {
    %c0_i32 = arith.constant 0 : i32
    %c0_i32_0 = arith.constant 0 : i32
    return %arg0, %c0_i32 : i32, i32
  }
  func.func @transform_1(%arg0: i32) -> (i32, i32) {
    %c0_i32 = arith.constant 0 : i32
    %c0_i32_0 = arith.constant 0 : i32
    return %arg0, %c0_i32 : i32, i32
  }
  func.func @transform_2(%arg0: i32) -> (i32, i32) {
    %c0_i32 = arith.constant 0 : i32
    %c0_i32_0 = arith.constant 0 : i32
    return %arg0, %c0_i32 : i32, i32
  }
  func.func @transform_3(%arg0: i32) -> (i32, i32) {
    %c0_i32 = arith.constant 0 : i32
    %c0_i32_0 = arith.constant 0 : i32
    return %arg0, %c0_i32 : i32, i32
  }
  func.func @transform_4(%arg0: i32) -> (i32, i32, i32) {
    %add3A = arith.constant 16 : i32
    %add3A_0 = arith.addi %arg0, %add3A : i32
    %c0_i32 = arith.constant 0 : i32
    %c0_i32_1 = arith.constant 0 : i32
    %c0_i32_2 = arith.constant 0 : i32
    return %add3A_0, %c0_i32, %c0_i32_1 : i32, i32, i32
  }
  func.func @transform_5(%arg0: i32) -> (i32, i32, i32) {
    %add3A = arith.constant 16 : i32
    %add3A_0 = arith.addi %arg0, %add3A : i32
    %c0_i32 = arith.constant 0 : i32
    %c0_i32_1 = arith.constant 0 : i32
    %c0_i32_2 = arith.constant 0 : i32
    return %add3A_0, %c0_i32, %c0_i32_1 : i32, i32, i32
  }
  func.func @transform_6(%arg0: i32) -> (i32, i32, i32) {
    %add3A = arith.constant 16 : i32
    %add3A_0 = arith.addi %arg0, %add3A : i32
    %c0_i32 = arith.constant 0 : i32
    %c0_i32_1 = arith.constant 0 : i32
    %c0_i32_2 = arith.constant 0 : i32
    return %add3A_0, %c0_i32, %c0_i32_1 : i32, i32, i32
  }
  func.func @transform_7(%arg0: i32) -> (i32, i32, i32) {
    %add3A = arith.constant 16 : i32
    %add3A_0 = arith.addi %arg0, %add3A : i32
    %c0_i32 = arith.constant 0 : i32
    %c0_i32_1 = arith.constant 0 : i32
    %c0_i32_2 = arith.constant 0 : i32
    return %add3A_0, %c0_i32, %c0_i32_1 : i32, i32, i32
  }
  func.func @transform_8(%arg0: i32) -> (i32, i32) {
    %c0_i32 = arith.constant 0 : i32
    %c0_i32_0 = arith.constant 0 : i32
    %c0_i32_1 = arith.constant 0 : i32
    return %c0_i32, %c0_i32_0 : i32, i32
  }
  func.func @transform_9(%arg0: i32) -> (i32, i32) {
    %c0_i32 = arith.constant 0 : i32
    %c0_i32_0 = arith.constant 0 : i32
    %c0_i32_1 = arith.constant 0 : i32
    return %c0_i32, %c0_i32_0 : i32, i32
  }
  func.func @transform_10(%arg0: i32) -> (i32, i32) {
    %c0_i32 = arith.constant 0 : i32
    %c0_i32_0 = arith.constant 0 : i32
    %c0_i32_1 = arith.constant 0 : i32
    return %c0_i32, %c0_i32_0 : i32, i32
  }
  func.func @transform_11(%arg0: i32) -> (i32, i32) {
    %c0_i32 = arith.constant 0 : i32
    %c0_i32_0 = arith.constant 0 : i32
    %c0_i32_1 = arith.constant 0 : i32
    return %c0_i32, %c0_i32_0 : i32, i32
  }
  func.func @transform_12(%arg0: i32) -> (i32, i32) {
    %c0_i32 = arith.constant 0 : i32
    %c0_i32_0 = arith.constant 0 : i32
    %c0_i32_1 = arith.constant 0 : i32
    return %c0_i32, %c0_i32_0 : i32, i32
  }
  func.func @transform_13(%arg0: i32) -> (i32, i32) {
    %c0_i32 = arith.constant 0 : i32
    %c0_i32_0 = arith.constant 0 : i32
    %c0_i32_1 = arith.constant 0 : i32
    return %c0_i32, %c0_i32_0 : i32, i32
  }
  func.func @transform_14(%arg0: i32) -> (i32, i32) {
    %c0_i32 = arith.constant 0 : i32
    %c0_i32_0 = arith.constant 0 : i32
    %c0_i32_1 = arith.constant 0 : i32
    return %c0_i32, %c0_i32_0 : i32, i32
  }
  func.func @transform_15(%arg0: i32) -> (i32, i32) {
    %c0_i32 = arith.constant 0 : i32
    %c0_i32_0 = arith.constant 0 : i32
    %c0_i32_1 = arith.constant 0 : i32
    return %c0_i32, %c0_i32_0 : i32, i32
  }
  func.func @transform_16(%arg0: i32) -> (i32, i32, i32) {
    %c0_i32 = arith.constant 0 : i32
    %c0_i32_0 = arith.constant 0 : i32
    %c0_i32_1 = arith.constant 0 : i32
    return %arg0, %c0_i32, %c0_i32_0 : i32, i32, i32
  }
  func.func @transform_17(%arg0: i32) -> (i32, i32) {
    %c0_i32 = arith.constant 0 : i32
    %c0_i32_0 = arith.constant 0 : i32
    %c0_i32_1 = arith.constant 0 : i32
    return %c0_i32, %c0_i32_0 : i32, i32
  }
}

module attributes {stable_mosaic.version = 14 : i64} {
  func.func @_mlp_kernel(%arg0: i32, %arg1: memref<512x512xi32, #tpu.memory_space<vmem>>, %arg2: memref<512x512xi32, #tpu.memory_space<vmem>>, %arg3: memref<512x128xi32, #tpu.memory_space<vmem>>, %arg4: memref<512x128xi32, #tpu.memory_space<vmem>>, %arg5: memref<1x1x512xi32, #tpu.memory_space<vmem>>, %arg6: memref<1x1x512xi32, #tpu.memory_space<vmem>>, %arg7: memref<1x1x512xi32, #tpu.memory_space<vmem>>, %arg8: memref<1x1x512xi32, #tpu.memory_space<vmem>>, %arg9: memref<1024x256xbf16, #tpu.memory_space<vmem>>, %arg10: memref<48x256xf32, #tpu.memory_space<vmem>>, %arg11: memref<256x256xf32, #tpu.memory_space<vmem>>, %arg12: memref<1x256xf32, #tpu.memory_space<vmem>>, %arg13: memref<1x256xf32, #tpu.memory_space<vmem>>, %arg14: memref<1x1xf32, #tpu.memory_space<vmem>>, %arg15: memref<1x256xf32, #tpu.memory_space<vmem>>, %arg16: memref<1x256xf32, #tpu.memory_space<vmem>>, %arg17: memref<1x1x512xf32, #tpu.memory_space<vmem>>, %arg18: memref<1x2048xf32, #tpu.memory_space<vmem>>) attributes {dimension_semantics = [#tpu.dimension_semantics<arbitrary>], iteration_bounds = array<i64: 16>, scalar_prefetch = 0 : i64, scratch_operands = 0 : i64, tpu.core_type = #tpu.core_type<tc>, window_params = [{transform_indices = @transform_0, window_bounds = array<i64: 512, 512>}, {transform_indices = @transform_1, window_bounds = array<i64: 512, 512>}, {transform_indices = @transform_2, window_bounds = array<i64: 512, 128>}, {transform_indices = @transform_3, window_bounds = array<i64: 512, 128>}, {transform_indices = @transform_4, window_bounds = array<i64: 1, 1, 512>}, {transform_indices = @transform_5, window_bounds = array<i64: 1, 1, 512>}, {transform_indices = @transform_6, window_bounds = array<i64: 1, 1, 512>}, {transform_indices = @transform_7, window_bounds = array<i64: 1, 1, 512>}, {pipeline_mode = #tpu.pipeline_mode<synchronous>, transform_indices = @transform_8, window_bounds = array<i64: 1024, 256>}, {pipeline_mode = #tpu.pipeline_mode<synchronous>, transform_indices = @transform_9, window_bounds = array<i64: 48, 256>}, {pipeline_mode = #tpu.pipeline_mode<synchronous>, transform_indices = @transform_10, window_bounds = array<i64: 256, 256>}, {pipeline_mode = #tpu.pipeline_mode<synchronous>, transform_indices = @transform_11, window_bounds = array<i64: 1, 256>}, {pipeline_mode = #tpu.pipeline_mode<synchronous>, transform_indices = @transform_12, window_bounds = array<i64: 1, 256>}, {pipeline_mode = #tpu.pipeline_mode<synchronous>, transform_indices = @transform_13, window_bounds = array<i64: 1, 1>}, {pipeline_mode = #tpu.pipeline_mode<synchronous>, transform_indices = @transform_14, window_bounds = array<i64: 1, 256>}, {pipeline_mode = #tpu.pipeline_mode<synchronous>, transform_indices = @transform_15, window_bounds = array<i64: 1, 256>}, {transform_indices = @transform_16, window_bounds = array<i64: 1, 1, 512>}, {pipeline_mode = #tpu.pipeline_mode<synchronous>, transform_indices = @transform_17, window_bounds = array<i64: 1, 2048>}]} {
    %get3A = arith.constant 0 : index
    %get3A_0 = arith.constant 0 : index
    %get3A_1 = vector.load %arg1[%get3A, %get3A_0] : memref<512x512xi32, #tpu.memory_space<vmem>>, vector<512x512xi32>
    %shift_left3A = arith.constant 16 : i32
    %shift_left3A_2 = vector.broadcast %shift_left3A : i32 to vector<512x512xi32>
    %shift_left3A_3 = arith.shli %get3A_1, %shift_left3A_2 : vector<512x512xi32>
    %bitcast_convert_type3A = tpu.bitcast %shift_left3A_3 : vector<512x512xi32> -> vector<512x512xf32>
    %and3A = arith.constant -65536 : i32
    %and3A_4 = vector.broadcast %and3A : i32 to vector<512x512xi32>
    %and3A_5 = arith.andi %get3A_1, %and3A_4 : vector<512x512xi32>
    %bitcast_convert_type3A_6 = tpu.bitcast %and3A_5 : vector<512x512xi32> -> vector<512x512xf32>
    %get3A_7 = arith.constant 0 : index
    %get3A_8 = arith.constant 0 : index
    %get3A_9 = vector.load %arg2[%get3A_7, %get3A_8] : memref<512x512xi32, #tpu.memory_space<vmem>>, vector<512x512xi32>
    %shift_left3A_10 = arith.constant 16 : i32
    %shift_left3A_11 = vector.broadcast %shift_left3A_10 : i32 to vector<512x512xi32>
    %shift_left3A_12 = arith.shli %get3A_9, %shift_left3A_11 : vector<512x512xi32>
    %bitcast_convert_type3A_13 = tpu.bitcast %shift_left3A_12 : vector<512x512xi32> -> vector<512x512xf32>
    %and3A_14 = arith.constant -65536 : i32
    %and3A_15 = vector.broadcast %and3A_14 : i32 to vector<512x512xi32>
    %and3A_16 = arith.andi %get3A_9, %and3A_15 : vector<512x512xi32>
    %bitcast_convert_type3A_17 = tpu.bitcast %and3A_16 : vector<512x512xi32> -> vector<512x512xf32>
    %mul3A = arith.mulf %bitcast_convert_type3A, %bitcast_convert_type3A_13 : vector<512x512xf32>
    %convert_element_type3A = arith.truncf %mul3A : vector<512x512xf32> to vector<512x512xbf16>
    %mul3A_18 = arith.mulf %bitcast_convert_type3A_6, %bitcast_convert_type3A_17 : vector<512x512xf32>
    %convert_element_type3A_19 = arith.truncf %mul3A_18 : vector<512x512xf32> to vector<512x512xbf16>
    %concatenate3A = tpu.concatenate %convert_element_type3A, %convert_element_type3A_19 in 1 : vector<512x512xbf16>, vector<512x512xbf16> -> vector<512x1024xbf16>
    %get3A_20 = arith.constant 0 : index
    %get3A_21 = arith.constant 0 : index
    %get3A_22 = vector.load %arg3[%get3A_20, %get3A_21] : memref<512x128xi32, #tpu.memory_space<vmem>>, vector<512x128xi32>
    %shift_left3A_23 = arith.constant 16 : i32
    %shift_left3A_24 = vector.broadcast %shift_left3A_23 : i32 to vector<512x128xi32>
    %shift_left3A_25 = arith.shli %get3A_22, %shift_left3A_24 : vector<512x128xi32>
    %bitcast_convert_type3A_26 = tpu.bitcast %shift_left3A_25 : vector<512x128xi32> -> vector<512x128xf32>
    %and3A_27 = arith.constant -65536 : i32
    %and3A_28 = vector.broadcast %and3A_27 : i32 to vector<512x128xi32>
    %and3A_29 = arith.andi %get3A_22, %and3A_28 : vector<512x128xi32>
    %bitcast_convert_type3A_30 = tpu.bitcast %and3A_29 : vector<512x128xi32> -> vector<512x128xf32>
    %get3A_31 = arith.constant 0 : index
    %get3A_32 = arith.constant 0 : index
    %get3A_33 = vector.load %arg4[%get3A_31, %get3A_32] : memref<512x128xi32, #tpu.memory_space<vmem>>, vector<512x128xi32>
    %shift_left3A_34 = arith.constant 16 : i32
    %shift_left3A_35 = vector.broadcast %shift_left3A_34 : i32 to vector<512x128xi32>
    %shift_left3A_36 = arith.shli %get3A_33, %shift_left3A_35 : vector<512x128xi32>
    %bitcast_convert_type3A_37 = tpu.bitcast %shift_left3A_36 : vector<512x128xi32> -> vector<512x128xf32>
    %and3A_38 = arith.constant -65536 : i32
    %and3A_39 = vector.broadcast %and3A_38 : i32 to vector<512x128xi32>
    %and3A_40 = arith.andi %get3A_33, %and3A_39 : vector<512x128xi32>
    %bitcast_convert_type3A_41 = tpu.bitcast %and3A_40 : vector<512x128xi32> -> vector<512x128xf32>
    %add3A = arith.addf %bitcast_convert_type3A_26, %bitcast_convert_type3A_37 : vector<512x128xf32>
    %add3A_42 = arith.addf %bitcast_convert_type3A_30, %bitcast_convert_type3A_41 : vector<512x128xf32>
    %concatenate3A_43 = tpu.concatenate %add3A, %add3A_42 in 1 : vector<512x128xf32>, vector<512x128xf32> -> vector<512x256xf32>
    %get3A_44 = arith.constant 0 : index
    %get3A_45 = arith.constant 0 : index
    %get3A_46 = arith.constant 0 : index
    %get3A_47 = vector.load %arg6[%get3A_44, %get3A_45, %get3A_46] : memref<1x1x512xi32, #tpu.memory_space<vmem>>, vector<1x1x512xi32>
    %get3A_48 = vector.shape_cast %get3A_47 : vector<1x1x512xi32> to vector<512xi32>
    %reshape3A = vector.shape_cast %get3A_48 : vector<512xi32> to vector<1x512xi32>
    %get3A_49 = arith.constant 0 : index
    %get3A_50 = arith.constant 0 : index
    %get3A_51 = arith.constant 0 : index
    %get3A_52 = vector.load %arg7[%get3A_49, %get3A_50, %get3A_51] : memref<1x1x512xi32, #tpu.memory_space<vmem>>, vector<1x1x512xi32>
    %get3A_53 = vector.shape_cast %get3A_52 : vector<1x1x512xi32> to vector<512xi32>
    %reshape3A_54 = vector.shape_cast %get3A_53 : vector<512xi32> to vector<1x512xi32>
    %get3A_55 = arith.constant 0 : index
    %get3A_56 = arith.constant 0 : index
    %get3A_57 = arith.constant 0 : index
    %get3A_58 = vector.load %arg8[%get3A_55, %get3A_56, %get3A_57] : memref<1x1x512xi32, #tpu.memory_space<vmem>>, vector<1x1x512xi32>
    %get3A_59 = vector.shape_cast %get3A_58 : vector<1x1x512xi32> to vector<512xi32>
    %reshape3A_60 = vector.shape_cast %get3A_59 : vector<512xi32> to vector<1x512xi32>
    %iota3A = tpu.iota {dimensions = array<i32: 0>} : vector<48x512xi32>
    %eq3A = vector.broadcast %reshape3A : vector<1x512xi32> to vector<48x512xi32>
    %eq3A_61 = arith.cmpi eq, %iota3A, %eq3A : vector<48x512xi32>
    %add3A_62 = arith.constant 16 : i32
    %add3A_63 = vector.broadcast %add3A_62 : i32 to vector<1x512xi32>
    %add3A_64 = arith.addi %reshape3A_54, %add3A_63 : vector<1x512xi32>
    %eq3A_65 = vector.broadcast %add3A_64 : vector<1x512xi32> to vector<48x512xi32>
    %eq3A_66 = arith.cmpi eq, %iota3A, %eq3A_65 : vector<48x512xi32>
    %or3A = arith.ori %eq3A_61, %eq3A_66 : vector<48x512xi1>
    %add3A_67 = arith.constant 32 : i32
    %add3A_68 = vector.broadcast %add3A_67 : i32 to vector<1x512xi32>
    %add3A_69 = arith.addi %reshape3A_60, %add3A_68 : vector<1x512xi32>
    %eq3A_70 = vector.broadcast %add3A_69 : vector<1x512xi32> to vector<48x512xi32>
    %eq3A_71 = arith.cmpi eq, %iota3A, %eq3A_70 : vector<48x512xi32>
    %or3A_72 = arith.ori %or3A, %eq3A_71 : vector<48x512xi1>
    %convert_element_type3A_73 = arith.extui %or3A_72 : vector<48x512xi1> to vector<48x512xi32>
    %convert_element_type3A_74 = arith.sitofp %convert_element_type3A_73 : vector<48x512xi32> to vector<48x512xf32>
    %get3A_75 = arith.constant 0 : index
    %get3A_76 = arith.constant 0 : index
    %get3A_77 = vector.load %arg9[%get3A_75, %get3A_76] : memref<1024x256xbf16, #tpu.memory_space<vmem>>, vector<1024x256xbf16>
    %dot_general3A = arith.constant dense<0.000000e+00> : vector<512x256xf32>
    %dot_general3A_78 = tpu.matmul %concatenate3A, %get3A_77, %dot_general3A {dimension_numbers = #tpu.dot_dimension_numbers<[1], [0], [0], [1], [0, 0, 1, 1], [], []>, transpose_lhs_hint = false} : vector<512x1024xbf16>, vector<1024x256xbf16>, vector<512x256xf32> -> vector<512x256xf32>
    %get3A_79 = arith.constant 0 : index
    %get3A_80 = arith.constant 0 : index
    %get3A_81 = vector.load %arg10[%get3A_79, %get3A_80] : memref<48x256xf32, #tpu.memory_space<vmem>>, vector<48x256xf32>
    %dot_general3A_82 = arith.constant dense<0.000000e+00> : vector<512x256xf32>
    %dot_general3A_83 = tpu.matmul %convert_element_type3A_74, %get3A_81, %dot_general3A_82 {dimension_numbers = #tpu.dot_dimension_numbers<[0], [0], [1], [1], [0, 1, 1, 1], [], []>, transpose_lhs_hint = false} : vector<48x512xf32>, vector<48x256xf32>, vector<512x256xf32> -> vector<512x256xf32>
    %add3A_84 = arith.addf %dot_general3A_78, %dot_general3A_83 : vector<512x256xf32>
    %get3A_85 = arith.constant 0 : index
    %get3A_86 = arith.constant 0 : index
    %get3A_87 = vector.load %arg15[%get3A_85, %get3A_86] : memref<1x256xf32, #tpu.memory_space<vmem>>, vector<1x256xf32>
    %mul3A_88 = vector.broadcast %get3A_87 : vector<1x256xf32> to vector<512x256xf32>
    %mul3A_89 = arith.mulf %concatenate3A_43, %mul3A_88 : vector<512x256xf32>
    %add3A_90 = arith.addf %add3A_84, %mul3A_89 : vector<512x256xf32>
    %max3A = arith.constant 0.000000e+00 : f32
    %max3A_91 = vector.broadcast %max3A : f32 to vector<512x256xf32>
    %max3A_92 = arith.maximumf %add3A_90, %max3A_91 : vector<512x256xf32>
    %get3A_93 = arith.constant 0 : index
    %get3A_94 = arith.constant 0 : index
    %get3A_95 = vector.load %arg11[%get3A_93, %get3A_94] : memref<256x256xf32, #tpu.memory_space<vmem>>, vector<256x256xf32>
    %dot_general3A_96 = arith.constant dense<0.000000e+00> : vector<512x256xf32>
    %dot_general3A_97 = tpu.matmul %max3A_92, %get3A_95, %dot_general3A_96 {dimension_numbers = #tpu.dot_dimension_numbers<[1], [0], [0], [1], [0, 0, 1, 1], [], []>, transpose_lhs_hint = false} : vector<512x256xf32>, vector<256x256xf32>, vector<512x256xf32> -> vector<512x256xf32>
    %get3A_98 = arith.constant 0 : index
    %get3A_99 = arith.constant 0 : index
    %get3A_100 = vector.load %arg12[%get3A_98, %get3A_99] : memref<1x256xf32, #tpu.memory_space<vmem>>, vector<1x256xf32>
    %add3A_101 = vector.broadcast %get3A_100 : vector<1x256xf32> to vector<512x256xf32>
    %add3A_102 = arith.addf %dot_general3A_97, %add3A_101 : vector<512x256xf32>
    %max3A_103 = arith.constant 0.000000e+00 : f32
    %max3A_104 = vector.broadcast %max3A_103 : f32 to vector<512x256xf32>
    %max3A_105 = arith.maximumf %add3A_102, %max3A_104 : vector<512x256xf32>
    %get3A_106 = arith.constant 0 : index
    %get3A_107 = arith.constant 0 : index
    %get3A_108 = vector.load %arg13[%get3A_106, %get3A_107] : memref<1x256xf32, #tpu.memory_space<vmem>>, vector<1x256xf32>
    %dot_general3A_109 = arith.constant dense<0.000000e+00> : vector<1x512xf32>
    %dot_general3A_110 = tpu.matmul %get3A_108, %max3A_105, %dot_general3A_109 {dimension_numbers = #tpu.dot_dimension_numbers<[1], [1], [0], [0], [0, 0, 1, 0], [], []>, transpose_lhs_hint = false} : vector<1x256xf32>, vector<512x256xf32>, vector<1x512xf32> -> vector<1x512xf32>
    %get3A_111 = arith.constant 0 : index
    %get3A_112 = arith.constant 0 : index
    %get3A_113 = vector.load %arg16[%get3A_111, %get3A_112] : memref<1x256xf32, #tpu.memory_space<vmem>>, vector<1x256xf32>
    %dot_general3A_114 = arith.constant dense<0.000000e+00> : vector<1x512xf32>
    %dot_general3A_115 = tpu.matmul %get3A_113, %concatenate3A_43, %dot_general3A_114 {dimension_numbers = #tpu.dot_dimension_numbers<[1], [1], [0], [0], [0, 0, 1, 0], [], []>, transpose_lhs_hint = false} : vector<1x256xf32>, vector<512x256xf32>, vector<1x512xf32> -> vector<1x512xf32>
    %add3A_116 = arith.addf %dot_general3A_110, %dot_general3A_115 : vector<1x512xf32>
    %get3A_117 = arith.constant 0 : index
    %get3A_118 = arith.constant 0 : index
    %get3A_119 = vector.load %arg14[%get3A_117, %get3A_118] : memref<1x1xf32, #tpu.memory_space<vmem>>, vector<1x1xf32>
    %add3A_120 = vector.broadcast %get3A_119 : vector<1x1xf32> to vector<1x512xf32>
    %add3A_121 = arith.addf %add3A_116, %add3A_120 : vector<1x512xf32>
    %exp3A = math.exp %add3A_121 : vector<1x512xf32>
    %reshape3A_122 = vector.shape_cast %exp3A : vector<1x512xf32> to vector<1x1x512xf32>
    %swap3A = arith.constant 0 : index
    %swap3A_123 = arith.constant 0 : index
    %swap3A_124 = arith.constant 0 : index
    %swap3A_125 = vector.load %arg17[%swap3A, %swap3A_123, %swap3A_124] : memref<1x1x512xf32, #tpu.memory_space<vmem>>, vector<1x1x512xf32>
    tpu.vector_store %arg17[%swap3A, %swap3A_123, %swap3A_124], %reshape3A_122 {strides = array<i32>} : memref<1x1x512xf32, #tpu.memory_space<vmem>>, vector<1x1x512xf32>,
    %get3A_126 = arith.constant 0 : index
    %get3A_127 = arith.constant 0 : index
    %get3A_128 = arith.constant 0 : index
    %get3A_129 = vector.load %arg5[%get3A_126, %get3A_127, %get3A_128] : memref<1x1x512xi32, #tpu.memory_space<vmem>>, vector<1x1x512xi32>
    %get3A_130 = vector.shape_cast %get3A_129 : vector<1x1x512xi32> to vector<512xi32>
    %reshape3A_131 = vector.shape_cast %get3A_130 : vector<512xi32> to vector<1x512xi32>
    %iota3A_132 = tpu.iota {dimensions = array<i32: 0>} : vector<2048x512xi32>
    %eq3A_133 = vector.broadcast %reshape3A_131 : vector<1x512xi32> to vector<2048x512xi32>
    %eq3A_134 = arith.cmpi eq, %iota3A_132, %eq3A_133 : vector<2048x512xi32>
    %convert_element_type3A_135 = arith.extui %eq3A_134 : vector<2048x512xi1> to vector<2048x512xi32>
    %convert_element_type3A_136 = arith.sitofp %convert_element_type3A_135 : vector<2048x512xi32> to vector<2048x512xf32>
    %eq3A_137 = arith.constant 0 : i32
    %eq3A_138 = arith.cmpi eq, %arg0, %eq3A_137 : i32
    %convert_element_type3A_139 = arith.extui %eq3A_138 : i1 to i32
    %cond3A = arith.constant 0 : i32
    %cond3A_140 = arith.cmpi ne, %convert_element_type3A_139, %cond3A : i32
    scf.if %cond3A_140 {
      %broadcast_in_dim3A = arith.constant 1.000000e+00 : f32
      %broadcast_in_dim3A_150 = vector.broadcast %broadcast_in_dim3A : f32 to vector<1x2048xf32>
      %swap3A_151 = arith.constant 0 : index
      %swap3A_152 = arith.constant 0 : index
      %swap3A_153 = vector.load %arg18[%swap3A_151, %swap3A_152] : memref<1x2048xf32, #tpu.memory_space<vmem>>, vector<1x2048xf32>
      tpu.vector_store %arg18[%swap3A_151, %swap3A_152], %broadcast_in_dim3A_150 {strides = array<i32>} : memref<1x2048xf32, #tpu.memory_space<vmem>>, vector<1x2048xf32>,
    } else {
    }
    %get3A_141 = arith.constant 0 : index
    %get3A_142 = arith.constant 0 : index
    %get3A_143 = vector.load %arg18[%get3A_141, %get3A_142] : memref<1x2048xf32, #tpu.memory_space<vmem>>, vector<1x2048xf32>
    %dot_general3A_144 = arith.constant dense<0.000000e+00> : vector<1x2048xf32>
    %dot_general3A_145 = tpu.matmul %exp3A, %convert_element_type3A_136, %dot_general3A_144 {dimension_numbers = #tpu.dot_dimension_numbers<[1], [1], [0], [0], [0, 0, 1, 0], [], []>, transpose_lhs_hint = false} : vector<1x512xf32>, vector<2048x512xf32>, vector<1x2048xf32> -> vector<1x2048xf32>
    %add3A_146 = arith.addf %get3A_143, %dot_general3A_145 : vector<1x2048xf32>
    %swap3A_147 = arith.constant 0 : index
    %swap3A_148 = arith.constant 0 : index
    %swap3A_149 = vector.load %arg18[%swap3A_147, %swap3A_148] : memref<1x2048xf32, #tpu.memory_space<vmem>>, vector<1x2048xf32>
    tpu.vector_store %arg18[%swap3A_147, %swap3A_148], %add3A_146 {strides = array<i32>} : memref<1x2048xf32, #tpu.memory_space<vmem>>, vector<1x2048xf32>,
    return
  }
  func.func @transform_0(%arg0: i32) -> (i32, i32) {
    %c0_i32 = arith.constant 0 : i32
    %c0_i32_0 = arith.constant 0 : i32
    return %arg0, %c0_i32 : i32, i32
  }
  func.func @transform_1(%arg0: i32) -> (i32, i32) {
    %c0_i32 = arith.constant 0 : i32
    %c0_i32_0 = arith.constant 0 : i32
    return %arg0, %c0_i32 : i32, i32
  }
  func.func @transform_2(%arg0: i32) -> (i32, i32) {
    %c0_i32 = arith.constant 0 : i32
    %c0_i32_0 = arith.constant 0 : i32
    return %arg0, %c0_i32 : i32, i32
  }
  func.func @transform_3(%arg0: i32) -> (i32, i32) {
    %c0_i32 = arith.constant 0 : i32
    %c0_i32_0 = arith.constant 0 : i32
    return %arg0, %c0_i32 : i32, i32
  }
  func.func @transform_4(%arg0: i32) -> (i32, i32, i32) {
    %add3A = arith.constant 0 : i32
    %add3A_0 = arith.addi %arg0, %add3A : i32
    %c0_i32 = arith.constant 0 : i32
    %c0_i32_1 = arith.constant 0 : i32
    %c0_i32_2 = arith.constant 0 : i32
    return %add3A_0, %c0_i32, %c0_i32_1 : i32, i32, i32
  }
  func.func @transform_5(%arg0: i32) -> (i32, i32, i32) {
    %add3A = arith.constant 0 : i32
    %add3A_0 = arith.addi %arg0, %add3A : i32
    %c0_i32 = arith.constant 0 : i32
    %c0_i32_1 = arith.constant 0 : i32
    %c0_i32_2 = arith.constant 0 : i32
    return %add3A_0, %c0_i32, %c0_i32_1 : i32, i32, i32
  }
  func.func @transform_6(%arg0: i32) -> (i32, i32, i32) {
    %add3A = arith.constant 0 : i32
    %add3A_0 = arith.addi %arg0, %add3A : i32
    %c0_i32 = arith.constant 0 : i32
    %c0_i32_1 = arith.constant 0 : i32
    %c0_i32_2 = arith.constant 0 : i32
    return %add3A_0, %c0_i32, %c0_i32_1 : i32, i32, i32
  }
  func.func @transform_7(%arg0: i32) -> (i32, i32, i32) {
    %add3A = arith.constant 0 : i32
    %add3A_0 = arith.addi %arg0, %add3A : i32
    %c0_i32 = arith.constant 0 : i32
    %c0_i32_1 = arith.constant 0 : i32
    %c0_i32_2 = arith.constant 0 : i32
    return %add3A_0, %c0_i32, %c0_i32_1 : i32, i32, i32
  }
  func.func @transform_8(%arg0: i32) -> (i32, i32) {
    %c0_i32 = arith.constant 0 : i32
    %c0_i32_0 = arith.constant 0 : i32
    %c0_i32_1 = arith.constant 0 : i32
    return %c0_i32, %c0_i32_0 : i32, i32
  }
  func.func @transform_9(%arg0: i32) -> (i32, i32) {
    %c0_i32 = arith.constant 0 : i32
    %c0_i32_0 = arith.constant 0 : i32
    %c0_i32_1 = arith.constant 0 : i32
    return %c0_i32, %c0_i32_0 : i32, i32
  }
  func.func @transform_10(%arg0: i32) -> (i32, i32) {
    %c0_i32 = arith.constant 0 : i32
    %c0_i32_0 = arith.constant 0 : i32
    %c0_i32_1 = arith.constant 0 : i32
    return %c0_i32, %c0_i32_0 : i32, i32
  }
  func.func @transform_11(%arg0: i32) -> (i32, i32) {
    %c0_i32 = arith.constant 0 : i32
    %c0_i32_0 = arith.constant 0 : i32
    %c0_i32_1 = arith.constant 0 : i32
    return %c0_i32, %c0_i32_0 : i32, i32
  }
  func.func @transform_12(%arg0: i32) -> (i32, i32) {
    %c0_i32 = arith.constant 0 : i32
    %c0_i32_0 = arith.constant 0 : i32
    %c0_i32_1 = arith.constant 0 : i32
    return %c0_i32, %c0_i32_0 : i32, i32
  }
  func.func @transform_13(%arg0: i32) -> (i32, i32) {
    %c0_i32 = arith.constant 0 : i32
    %c0_i32_0 = arith.constant 0 : i32
    %c0_i32_1 = arith.constant 0 : i32
    return %c0_i32, %c0_i32_0 : i32, i32
  }
  func.func @transform_14(%arg0: i32) -> (i32, i32) {
    %c0_i32 = arith.constant 0 : i32
    %c0_i32_0 = arith.constant 0 : i32
    %c0_i32_1 = arith.constant 0 : i32
    return %c0_i32, %c0_i32_0 : i32, i32
  }
  func.func @transform_15(%arg0: i32) -> (i32, i32) {
    %c0_i32 = arith.constant 0 : i32
    %c0_i32_0 = arith.constant 0 : i32
    %c0_i32_1 = arith.constant 0 : i32
    return %c0_i32, %c0_i32_0 : i32, i32
  }
  func.func @transform_16(%arg0: i32) -> (i32, i32, i32) {
    %c0_i32 = arith.constant 0 : i32
    %c0_i32_0 = arith.constant 0 : i32
    %c0_i32_1 = arith.constant 0 : i32
    return %arg0, %c0_i32, %c0_i32_0 : i32, i32, i32
  }
  func.func @transform_17(%arg0: i32) -> (i32, i32) {
    %c0_i32 = arith.constant 0 : i32
    %c0_i32_0 = arith.constant 0 : i32
    %c0_i32_1 = arith.constant 0 : i32
    return %c0_i32, %c0_i32_0 : i32, i32
  }
}

module attributes {stable_mosaic.version = 14 : i64} {
  func.func @_probs_kernel(%arg0: i32, %arg1: memref<1x1x512xf32, #tpu.memory_space<vmem>>, %arg2: memref<1x1x512xi32, #tpu.memory_space<vmem>>, %arg3: memref<1x2048xf32, #tpu.memory_space<vmem>>, %arg4: memref<1x2048xf32, #tpu.memory_space<vmem>>, %arg5: memref<1x1x512xf32, #tpu.memory_space<vmem>>, %arg6: memref<1x2048xf32, #tpu.memory_space<vmem>>) attributes {dimension_semantics = [#tpu.dimension_semantics<arbitrary>], iteration_bounds = array<i64: 16>, scalar_prefetch = 0 : i64, scratch_operands = 0 : i64, tpu.core_type = #tpu.core_type<tc>, window_params = [{transform_indices = @transform_0, window_bounds = array<i64: 1, 1, 512>}, {transform_indices = @transform_1, window_bounds = array<i64: 1, 1, 512>}, {pipeline_mode = #tpu.pipeline_mode<synchronous>, transform_indices = @transform_2, window_bounds = array<i64: 1, 2048>}, {pipeline_mode = #tpu.pipeline_mode<synchronous>, transform_indices = @transform_3, window_bounds = array<i64: 1, 2048>}, {transform_indices = @transform_4, window_bounds = array<i64: 1, 1, 512>}, {pipeline_mode = #tpu.pipeline_mode<synchronous>, transform_indices = @transform_5, window_bounds = array<i64: 1, 2048>}]} {
    %get3A = arith.constant 0 : index
    %get3A_0 = arith.constant 0 : index
    %get3A_1 = vector.load %arg3[%get3A, %get3A_0] : memref<1x2048xf32, #tpu.memory_space<vmem>>, vector<1x2048xf32>
    %get3A_2 = arith.constant 0 : index
    %get3A_3 = arith.constant 0 : index
    %get3A_4 = vector.load %arg4[%get3A_2, %get3A_3] : memref<1x2048xf32, #tpu.memory_space<vmem>>, vector<1x2048xf32>
    %add3A = arith.addf %get3A_1, %get3A_4 : vector<1x2048xf32>
    %sub3A = arith.constant 1.000000e+00 : f32
    %sub3A_5 = vector.broadcast %sub3A : f32 to vector<1x2048xf32>
    %sub3A_6 = arith.subf %add3A, %sub3A_5 : vector<1x2048xf32>
    %get3A_7 = arith.constant 0 : index
    %get3A_8 = arith.constant 0 : index
    %get3A_9 = arith.constant 0 : index
    %get3A_10 = vector.load %arg1[%get3A_7, %get3A_8, %get3A_9] : memref<1x1x512xf32, #tpu.memory_space<vmem>>, vector<1x1x512xf32>
    %get3A_11 = vector.shape_cast %get3A_10 : vector<1x1x512xf32> to vector<512xf32>
    %reshape3A = vector.shape_cast %get3A_11 : vector<512xf32> to vector<1x512xf32>
    %get3A_12 = arith.constant 0 : index
    %get3A_13 = arith.constant 0 : index
    %get3A_14 = arith.constant 0 : index
    %get3A_15 = vector.load %arg2[%get3A_12, %get3A_13, %get3A_14] : memref<1x1x512xi32, #tpu.memory_space<vmem>>, vector<1x1x512xi32>
    %get3A_16 = vector.shape_cast %get3A_15 : vector<1x1x512xi32> to vector<512xi32>
    %reshape3A_17 = vector.shape_cast %get3A_16 : vector<512xi32> to vector<1x512xi32>
    %iota3A = tpu.iota {dimensions = array<i32: 0>} : vector<2048x512xi32>
    %eq3A = vector.broadcast %reshape3A_17 : vector<1x512xi32> to vector<2048x512xi32>
    %eq3A_18 = arith.cmpi eq, %iota3A, %eq3A : vector<2048x512xi32>
    %convert_element_type3A = arith.extui %eq3A_18 : vector<2048x512xi1> to vector<2048x512xi32>
    %convert_element_type3A_19 = arith.sitofp %convert_element_type3A : vector<2048x512xi32> to vector<2048x512xf32>
    %dot_general3A = arith.constant dense<0.000000e+00> : vector<1x512xf32>
    %dot_general3A_20 = tpu.matmul %sub3A_6, %convert_element_type3A_19, %dot_general3A {dimension_numbers = #tpu.dot_dimension_numbers<[1], [0], [0], [1], [0, 0, 1, 1], [], []>, transpose_lhs_hint = false} : vector<1x2048xf32>, vector<2048x512xf32>, vector<1x512xf32> -> vector<1x512xf32>
    %div3A = arith.divf %reshape3A, %dot_general3A_20 : vector<1x512xf32>
    %reshape3A_21 = vector.shape_cast %div3A : vector<1x512xf32> to vector<1x1x512xf32>
    %swap3A = arith.constant 0 : index
    %swap3A_22 = arith.constant 0 : index
    %swap3A_23 = arith.constant 0 : index
    %swap3A_24 = vector.load %arg5[%swap3A, %swap3A_22, %swap3A_23] : memref<1x1x512xf32, #tpu.memory_space<vmem>>, vector<1x1x512xf32>
    tpu.vector_store %arg5[%swap3A, %swap3A_22, %swap3A_23], %reshape3A_21 {strides = array<i32>} : memref<1x1x512xf32, #tpu.memory_space<vmem>>, vector<1x1x512xf32>,
    %eq3A_25 = arith.constant 0 : i32
    %eq3A_26 = arith.cmpi eq, %arg0, %eq3A_25 : i32
    %convert_element_type3A_27 = arith.extui %eq3A_26 : i1 to i32
    %cond3A = arith.constant 0 : i32
    %cond3A_28 = arith.cmpi ne, %convert_element_type3A_27, %cond3A : i32
    scf.if %cond3A_28 {
      %div3A_29 = arith.constant 1.000000e+00 : f32
      %div3A_30 = vector.broadcast %div3A_29 : f32 to vector<1x2048xf32>
      %div3A_31 = arith.divf %div3A_30, %sub3A_6 : vector<1x2048xf32>
      %swap3A_32 = arith.constant 0 : index
      %swap3A_33 = arith.constant 0 : index
      %swap3A_34 = vector.load %arg6[%swap3A_32, %swap3A_33] : memref<1x2048xf32, #tpu.memory_space<vmem>>, vector<1x2048xf32>
      tpu.vector_store %arg6[%swap3A_32, %swap3A_33], %div3A_31 {strides = array<i32>} : memref<1x2048xf32, #tpu.memory_space<vmem>>, vector<1x2048xf32>,
    } else {
    }
    return
  }
  func.func @transform_0(%arg0: i32) -> (i32, i32, i32) {
    %c0_i32 = arith.constant 0 : i32
    %c0_i32_0 = arith.constant 0 : i32
    %c0_i32_1 = arith.constant 0 : i32
    return %arg0, %c0_i32, %c0_i32_0 : i32, i32, i32
  }
  func.func @transform_1(%arg0: i32) -> (i32, i32, i32) {
    %add3A = arith.constant 16 : i32
    %add3A_0 = arith.addi %arg0, %add3A : i32
    %c0_i32 = arith.constant 0 : i32
    %c0_i32_1 = arith.constant 0 : i32
    %c0_i32_2 = arith.constant 0 : i32
    return %add3A_0, %c0_i32, %c0_i32_1 : i32, i32, i32
  }
  func.func @transform_2(%arg0: i32) -> (i32, i32) {
    %c0_i32 = arith.constant 0 : i32
    %c0_i32_0 = arith.constant 0 : i32
    %c0_i32_1 = arith.constant 0 : i32
    return %c0_i32, %c0_i32_0 : i32, i32
  }
  func.func @transform_3(%arg0: i32) -> (i32, i32) {
    %c0_i32 = arith.constant 0 : i32
    %c0_i32_0 = arith.constant 0 : i32
    %c0_i32_1 = arith.constant 0 : i32
    return %c0_i32, %c0_i32_0 : i32, i32
  }
  func.func @transform_4(%arg0: i32) -> (i32, i32, i32) {
    %c0_i32 = arith.constant 0 : i32
    %c0_i32_0 = arith.constant 0 : i32
    %c0_i32_1 = arith.constant 0 : i32
    return %arg0, %c0_i32, %c0_i32_0 : i32, i32, i32
  }
  func.func @transform_5(%arg0: i32) -> (i32, i32) {
    %c0_i32 = arith.constant 0 : i32
    %c0_i32_0 = arith.constant 0 : i32
    %c0_i32_1 = arith.constant 0 : i32
    return %c0_i32, %c0_i32_0 : i32, i32
  }
}

module attributes {stable_mosaic.version = 14 : i64} {
  func.func @_probs_kernel(%arg0: i32, %arg1: memref<1x1x512xf32, #tpu.memory_space<vmem>>, %arg2: memref<1x1x512xi32, #tpu.memory_space<vmem>>, %arg3: memref<1x2048xf32, #tpu.memory_space<vmem>>, %arg4: memref<1x2048xf32, #tpu.memory_space<vmem>>, %arg5: memref<1x1x512xf32, #tpu.memory_space<vmem>>, %arg6: memref<1x2048xf32, #tpu.memory_space<vmem>>) attributes {dimension_semantics = [#tpu.dimension_semantics<arbitrary>], iteration_bounds = array<i64: 16>, scalar_prefetch = 0 : i64, scratch_operands = 0 : i64, tpu.core_type = #tpu.core_type<tc>, window_params = [{transform_indices = @transform_0, window_bounds = array<i64: 1, 1, 512>}, {transform_indices = @transform_1, window_bounds = array<i64: 1, 1, 512>}, {pipeline_mode = #tpu.pipeline_mode<synchronous>, transform_indices = @transform_2, window_bounds = array<i64: 1, 2048>}, {pipeline_mode = #tpu.pipeline_mode<synchronous>, transform_indices = @transform_3, window_bounds = array<i64: 1, 2048>}, {transform_indices = @transform_4, window_bounds = array<i64: 1, 1, 512>}, {pipeline_mode = #tpu.pipeline_mode<synchronous>, transform_indices = @transform_5, window_bounds = array<i64: 1, 2048>}]} {
    %get3A = arith.constant 0 : index
    %get3A_0 = arith.constant 0 : index
    %get3A_1 = vector.load %arg3[%get3A, %get3A_0] : memref<1x2048xf32, #tpu.memory_space<vmem>>, vector<1x2048xf32>
    %get3A_2 = arith.constant 0 : index
    %get3A_3 = arith.constant 0 : index
    %get3A_4 = vector.load %arg4[%get3A_2, %get3A_3] : memref<1x2048xf32, #tpu.memory_space<vmem>>, vector<1x2048xf32>
    %add3A = arith.addf %get3A_1, %get3A_4 : vector<1x2048xf32>
    %sub3A = arith.constant 1.000000e+00 : f32
    %sub3A_5 = vector.broadcast %sub3A : f32 to vector<1x2048xf32>
    %sub3A_6 = arith.subf %add3A, %sub3A_5 : vector<1x2048xf32>
    %get3A_7 = arith.constant 0 : index
    %get3A_8 = arith.constant 0 : index
    %get3A_9 = arith.constant 0 : index
    %get3A_10 = vector.load %arg1[%get3A_7, %get3A_8, %get3A_9] : memref<1x1x512xf32, #tpu.memory_space<vmem>>, vector<1x1x512xf32>
    %get3A_11 = vector.shape_cast %get3A_10 : vector<1x1x512xf32> to vector<512xf32>
    %reshape3A = vector.shape_cast %get3A_11 : vector<512xf32> to vector<1x512xf32>
    %get3A_12 = arith.constant 0 : index
    %get3A_13 = arith.constant 0 : index
    %get3A_14 = arith.constant 0 : index
    %get3A_15 = vector.load %arg2[%get3A_12, %get3A_13, %get3A_14] : memref<1x1x512xi32, #tpu.memory_space<vmem>>, vector<1x1x512xi32>
    %get3A_16 = vector.shape_cast %get3A_15 : vector<1x1x512xi32> to vector<512xi32>
    %reshape3A_17 = vector.shape_cast %get3A_16 : vector<512xi32> to vector<1x512xi32>
    %iota3A = tpu.iota {dimensions = array<i32: 0>} : vector<2048x512xi32>
    %eq3A = vector.broadcast %reshape3A_17 : vector<1x512xi32> to vector<2048x512xi32>
    %eq3A_18 = arith.cmpi eq, %iota3A, %eq3A : vector<2048x512xi32>
    %convert_element_type3A = arith.extui %eq3A_18 : vector<2048x512xi1> to vector<2048x512xi32>
    %convert_element_type3A_19 = arith.sitofp %convert_element_type3A : vector<2048x512xi32> to vector<2048x512xf32>
    %dot_general3A = arith.constant dense<0.000000e+00> : vector<1x512xf32>
    %dot_general3A_20 = tpu.matmul %sub3A_6, %convert_element_type3A_19, %dot_general3A {dimension_numbers = #tpu.dot_dimension_numbers<[1], [0], [0], [1], [0, 0, 1, 1], [], []>, transpose_lhs_hint = false} : vector<1x2048xf32>, vector<2048x512xf32>, vector<1x512xf32> -> vector<1x512xf32>
    %div3A = arith.divf %reshape3A, %dot_general3A_20 : vector<1x512xf32>
    %reshape3A_21 = vector.shape_cast %div3A : vector<1x512xf32> to vector<1x1x512xf32>
    %swap3A = arith.constant 0 : index
    %swap3A_22 = arith.constant 0 : index
    %swap3A_23 = arith.constant 0 : index
    %swap3A_24 = vector.load %arg5[%swap3A, %swap3A_22, %swap3A_23] : memref<1x1x512xf32, #tpu.memory_space<vmem>>, vector<1x1x512xf32>
    tpu.vector_store %arg5[%swap3A, %swap3A_22, %swap3A_23], %reshape3A_21 {strides = array<i32>} : memref<1x1x512xf32, #tpu.memory_space<vmem>>, vector<1x1x512xf32>,
    %eq3A_25 = arith.constant 0 : i32
    %eq3A_26 = arith.cmpi eq, %arg0, %eq3A_25 : i32
    %convert_element_type3A_27 = arith.extui %eq3A_26 : i1 to i32
    %cond3A = arith.constant 0 : i32
    %cond3A_28 = arith.cmpi ne, %convert_element_type3A_27, %cond3A : i32
    scf.if %cond3A_28 {
      %div3A_29 = arith.constant 1.000000e+00 : f32
      %div3A_30 = vector.broadcast %div3A_29 : f32 to vector<1x2048xf32>
      %div3A_31 = arith.divf %div3A_30, %sub3A_6 : vector<1x2048xf32>
      %swap3A_32 = arith.constant 0 : index
      %swap3A_33 = arith.constant 0 : index
      %swap3A_34 = vector.load %arg6[%swap3A_32, %swap3A_33] : memref<1x2048xf32, #tpu.memory_space<vmem>>, vector<1x2048xf32>
      tpu.vector_store %arg6[%swap3A_32, %swap3A_33], %div3A_31 {strides = array<i32>} : memref<1x2048xf32, #tpu.memory_space<vmem>>, vector<1x2048xf32>,
    } else {
    }
    return
  }
  func.func @transform_0(%arg0: i32) -> (i32, i32, i32) {
    %c0_i32 = arith.constant 0 : i32
    %c0_i32_0 = arith.constant 0 : i32
    %c0_i32_1 = arith.constant 0 : i32
    return %arg0, %c0_i32, %c0_i32_0 : i32, i32, i32
  }
  func.func @transform_1(%arg0: i32) -> (i32, i32, i32) {
    %add3A = arith.constant 0 : i32
    %add3A_0 = arith.addi %arg0, %add3A : i32
    %c0_i32 = arith.constant 0 : i32
    %c0_i32_1 = arith.constant 0 : i32
    %c0_i32_2 = arith.constant 0 : i32
    return %add3A_0, %c0_i32, %c0_i32_1 : i32, i32, i32
  }
  func.func @transform_2(%arg0: i32) -> (i32, i32) {
    %c0_i32 = arith.constant 0 : i32
    %c0_i32_0 = arith.constant 0 : i32
    %c0_i32_1 = arith.constant 0 : i32
    return %c0_i32, %c0_i32_0 : i32, i32
  }
  func.func @transform_3(%arg0: i32) -> (i32, i32) {
    %c0_i32 = arith.constant 0 : i32
    %c0_i32_0 = arith.constant 0 : i32
    %c0_i32_1 = arith.constant 0 : i32
    return %c0_i32, %c0_i32_0 : i32, i32
  }
  func.func @transform_4(%arg0: i32) -> (i32, i32, i32) {
    %c0_i32 = arith.constant 0 : i32
    %c0_i32_0 = arith.constant 0 : i32
    %c0_i32_1 = arith.constant 0 : i32
    return %arg0, %c0_i32, %c0_i32_0 : i32, i32, i32
  }
  func.func @transform_5(%arg0: i32) -> (i32, i32) {
    %c0_i32 = arith.constant 0 : i32
    %c0_i32_0 = arith.constant 0 : i32
    %c0_i32_1 = arith.constant 0 : i32
    return %c0_i32, %c0_i32_0 : i32, i32
  }
}

</mosaic_0001>

<sc_bundles>
// kernel: kernel.12.cloned.1.call-start
scs
__scs_entry_jumppad:
0x0: {  	(pc) =	sbr.rel $0x88, $3  }
0x1: {  	(tag) =	ssettag $0x0;
	lr =	simm.s32 $0x1  }
0x2: {  	[smem:$0x3F91] =	sst lr;
	_ =	strace $0xD0000000  }
0x3: {  	_ = 	snop  }
0x4: {  	_ = 	snop  }
0x5: {  	_ = 	snop  }
0x6: {  	_ = 	snop  }
0x7: {  	_ = 	snop  }
__scs_overlays_trampoline_lowered:
0x8: {  	[smem:$0x3FA0] =	sst s0  }
0x9: {  	[smem:$0x3FA1] =	sst s1  }
0xa: {  	[smem:$0x3FA2] =	sst s2  }
0xb: {  	[smem:$0x3FA3] =	sst s3  }
0xc: {  	[smem:$0x3FA4] =	sst s4  }
0xd: {  	[smem:$0x3FA5] =	sst s5  }
0xe: {  	[smem:$0x3FA6] =	sst s6  }
0xf: {  	[smem:$0x3FA7] =	sst s7  }
0x10: {  	[smem:$0x3FA8] =	sst s8  }
0x11: {  	[smem:$0x3FA9] =	sst s9;
	s0 =	simm.s32 @!p0 $0x0  }
0x12: {  	s1 =	sld [smem:$0x3F8F];
	s0 =	simm.s32 @p0 $0x1  }
0x13: {  	[smem:$0x3FAA] =	sst s0;
	s0 =	simm.s32 @!p1 $0x0  }
0x14: {  	s2 =	sld [smem:$0x3F8E];
	s0 =	simm.s32 @p1 $0x1  }
0x15: {  	[smem:$0x3FAB] =	sst s0;
	s0 =	simm.s32 @!p2 $0x0  }
0x16: {  	s3 =	sld [smem:$0x3FDB];
	s0 =	simm.s32 @p2 $0x1  }
0x17: {  	s4 =	simm.s32 $0x1BF5;
	[smem:$0x3FAD] =	sst s0  }
0x18: {  	s0 =	sld [smem:$0x3F90];
	_ =	swait.ge [sflag:s4], $0x0  }
0x19: {  	s7 =	sld [smem:$0x3F91]  }
0x1a: {  	s8 =	sadd.s32 $0xFFFFE003, lr  }
0x1b: {  	s9 =	sadd.s32 $0xFFFFFEF7, lr;
	s5 =	simm.s32 $0xFFFFFFFF;
	p2 =	slt.u32 s8, $0xFFFFF086  }
0x1c: {  	p1 =	slt.u32 s9, $0xF7A;
	s5 =	simm.s32 @!p2 $0x0  }
0x1d: {  	s5 =	simm.s32 @p1 $0x1;
	p0 =	seq.s32 s7, s2  }
0x1e: {  	s7 =	smul.u32 @!p0 $0xF7A, s2;
	p2 =	seq.s32 @!p0 s5, $0x0  }
0x1f: {  	s9 =	smul.u32 $0xF7A, s1;
	s8 =	simm.s32 @!p0 $0x1BF5;
	p2 =	por !p2, p0  }
0x20: {  	[sflag:s8] =	ssyncset.s32 @!p0 $0xFFFFF086;
	s6 =	sadd.s32 @!p0 s3, s7;
	s7 =	simm.s32 @!p0 $0x108  }
0x21: {  	s3 =	sadd.s32 s3, s9;
	s6 =	sadd.s32 @!p0 $0x88, s6;
	s7 =	simm.s32 @p2 $0x1082  }
0x22: {  	[simem:s7], [sflag:s8] =	dma.local @!p0 [hbm:s6], $0xF7A  }
0x23: {  	s9 =	sor.u32 $0xD0000000, s2;
	s6 =	simm.s32 $0x108;
	_ =	swait.ge @!p0 [sflag:s8], $0x0  }
0x24: {  	s3 =	sadd.s32 $0x88, s3;
	s6 =	simm.s32 @!p1 $0x1082;
	[sflag:s4] =	ssyncset.s32 $0xFFFFF086  }
0x25: {  	[simem:s6], [sflag:s4] =	dma.local [hbm:s3], $0xF7A  }
0x26: {  	[smem:$0x3F91] =	sst s1;
	(tag) =	ssettag s2;
	_ =	strace s9  }
0x27: {  	s1 =	sld [smem:$0x3FA1]  }
0x28: {  	s2 =	sld [smem:$0x3FA2]  }
0x29: {  	s4 =	sld [smem:$0x3FA4]  }
0x2a: {  	p0 =	seq.s32 s5, $0x0;
	s5 =	sld [smem:$0x3FA5]  }
0x2b: {  	s6 =	sld [smem:$0x3FA6]  }
0x2c: {  	s7 =	sld [smem:$0x3FA7]  }
0x2d: {  	s3 =	simm.s32 $0x108;
	s8 =	sld [smem:$0x3FA8]  }
0x2e: {  	s3 =	simm.s32 @!p0 $0x1082;
	s9 =	sld [smem:$0x3FA9]  }
0x2f: {  	lr =	sadd.s32 s0, s3;
	s0 =	sld [smem:$0x3FA0]  }
0x30: {  	s3 =	sld [smem:$0x3FA3]  }
0x31: {  	[smem:$0x3FAC] =	sst s10  }
0x32: {  	s10 =	sld [smem:$0x3FAA];
	_ =	sdelay $0x3  }
0x33: {  	p0 =	seq.s32 s10, $0x1;
	s10 =	sld [smem:$0x3FAC];
	_ =	sdelay $0x3  }
0x34: {  	[smem:$0x3FAC] =	sst s10  }
0x35: {  	s10 =	sld [smem:$0x3FAB];
	_ =	sdelay $0x3  }
0x36: {  	p1 =	seq.s32 s10, $0x1;
	s10 =	sld [smem:$0x3FAC];
	_ =	sdelay $0x3  }
0x37: {  	[smem:$0x3FAC] =	sst s10  }
0x38: {  	s10 =	sld [smem:$0x3FAD]  }
0x39: {  	_ = 	snop;
	(pc) =	sbr.ind lr, $3  }
0x3a: {  	_ = 	snop  }
0x3b: {  	_ = 	snop  }
0x3c: {  	p2 =	seq.s32 s10, $0x1;
	s10 =	sld [smem:$0x3FAC]  }
0x3d: {  	_ =	shalt  }
0x3e: {  	_ =	shalt  }
0x3f: {  	_ =	shalt  }
0x40: {  	_ =	shalt  }
0x41: {  	_ =	shalt  }
0x42: {  	_ =	shalt  }
0x43: {  	_ =	shalt  }
0x44: {  	_ =	shalt  }
0x45: {  	_ =	shalt  }
0x46: {  	_ =	shalt  }
0x47: {  	_ =	shalt  }
0x48: {  	_ =	shalt  }
0x49: {  	_ =	shalt  }
0x4a: {  	_ =	shalt  }
0x4b: {  	_ =	shalt  }
0x4c: {  	_ =	shalt  }
0x4d: {  	_ =	shalt  }
0x4e: {  	_ =	shalt  }
0x4f: {  	_ =	shalt  }
0x50: {  	_ =	shalt  }
0x51: {  	_ =	shalt  }
0x52: {  	_ =	shalt  }
0x53: {  	_ =	shalt  }
0x54: {  	_ =	shalt  }
0x55: {  	_ =	shalt  }
0x56: {  	_ =	shalt  }
0x57: {  	_ =	shalt  }
0x58: {  	_ =	shalt  }
0x59: {  	_ =	shalt  }
0x5a: {  	_ =	shalt  }
0x5b: {  	_ =	shalt  }
0x5c: {  	_ =	shalt  }
0x5d: {  	_ =	shalt  }
0x5e: {  	_ =	shalt  }
0x5f: {  	_ =	shalt  }
0x60: {  	_ =	shalt  }
0x61: {  	_ =	shalt  }
0x62: {  	_ =	shalt  }
0x63: {  	_ =	shalt  }
0x64: {  	_ =	shalt  }
0x65: {  	_ =	shalt  }
0x66: {  	_ =	shalt  }
0x67: {  	_ =	shalt  }
0x68: {  	_ =	shalt  }
0x69: {  	_ =	shalt  }
0x6a: {  	_ =	shalt  }
0x6b: {  	_ =	shalt  }
0x6c: {  	_ =	shalt  }
0x6d: {  	_ =	shalt  }
0x6e: {  	_ =	shalt  }
0x6f: {  	_ =	shalt  }
0x70: {  	_ =	shalt  }
0x71: {  	_ =	shalt  }
0x72: {  	_ =	shalt  }
0x73: {  	_ =	shalt  }
0x74: {  	_ =	shalt  }
0x75: {  	_ =	shalt  }
0x76: {  	_ =	shalt  }
0x77: {  	_ =	shalt  }
0x78: {  	_ =	shalt  }
0x79: {  	_ =	shalt  }
0x7a: {  	_ =	shalt  }
0x7b: {  	_ =	shalt  }
0x7c: {  	_ =	shalt  }
0x7d: {  	_ =	shalt  }
0x7e: {  	_ =	shalt  }
0x7f: {  	_ =	shalt  }
0x80: {  	_ =	shalt  }
0x81: {  	_ =	shalt  }
0x82: {  	_ =	shalt  }
0x83: {  	_ =	shalt  }
0x84: {  	_ =	shalt  }
0x85: {  	_ =	shalt  }
0x86: {  	_ =	shalt  }
0x87: {  	_ =	shalt  }
.Lfunc_end0:
.L_simem_size_0:
called_computation.1_lowered:
.L_overlay_start_0:
0x88: {  	s2 =	sld [smem:$0x3FD9]  }
0x89: {  	s3 =	sld [smem:$0x3FFE];
	_ =	sdelay $0x1  }
0x8a: {  	s1 =	srdreg.scid  }
0x8b: {  	s0 =	sand.u32 $0x1, s1  }
0x8c: {  	s17 =	sshll.u32 s0, $0xA;
	s2 =	sadd.s32 s3, s2  }
0x8d: {  	s2 =	sadd.s32 s2, s17  }
0x8e: {  	[smem:$0x3FB8] =	sst s2  }
0x8f: {  	_ = 	snop  }
0x90: {  	s2 =	sld [smem:$0x3FC7]  }
0x91: {  	s18 =	sld [smem:$0x3FC6];
	(tm) =	ssettm $0x1  }
0x92: {  	s4 =	sld [smem:$0x3FFB];
	_ =	sdelay $0x3  }
0x93: {  	_ =	strace s4  }
0x94: {  	s4 =	sld [smem:$0x3FFC];
	_ =	sdelay $0x3  }
0x95: {  	_ =	strace s4  }
0x96: {  	s4 =	sld [smem:$0x3FFD];
	_ =	sdelay $0x3  }
0x97: {  	_ =	strace s4  }
0x98: {  	_ =	strace $0x8FFFFFFF  }
0x99: {  	s19 =	sld [smem:$0x3FDB];
	_ =	sdelay $0x1  }
0x9a: {  	s5 =	simm.s32 $_scs_section_size  }
0x9b: {  	s6 =	simm.s32 $_size__tile_overlayer_lowered;
	s7 =	simm.s32 $_tile_overlayer_lowered  }
0x9c: {  	s22 =	simm.s32 $0x1BFF;
	s21 =	sshll.u32 s7, $0x1;
	s4 =	sadd.s32 s5, s19  }
0x9d: {  	s8 =	simm.s32 $0x0;
	s20 =	sshll.u32 s6, $0x1;
	s6 =	sadd.s32 s21, s4  }
0x9e: {  	[timem:s8], [sflag:s22] =	dma.local [hbm:s6], s20  }
0x9f: {  	_ =	swait.ge [sflag:s22], s20  }
0xa0: {  	s5 =	ssub.s32 $0x0, s20;
	[sflag:s22] =	ssyncset.done $0x0  }
0xa1: {  	[sflag:s22] =	ssyncadd.s32 s5;
	_ =	sdelay $0x1  }
0xa2: {  	s23 =	simm.s32 $0x1B8B  }
0xa3: {  	_ =	swait.ge [sflag:s23], $0x1  }
0xa4: {  	[sflag:s23] =	ssyncset.done $0x0  }
0xa5: {  	s25 =	simm.s32 $0x1B8E;
	s24 =	sld [smem:$0x3FFE];
	[sflag:s23] =	ssyncadd.s32 $0xFFFFFFFF  }
0xa6: {  	s26 =	simm.s32 $execute0_lowered;
	[smem:$0x3FD2] =	sst s25  }
0xa7: {  	s6 =	sshll.u32 s26, $0x1;
	_ =	strace $0x80000046;
	[dreg:$0x1] =	wrdreg $0xFFFFFFFF  }
0xa8: {  	s28 =	simm.s32 $_size_execute0_lowered;
	s4 =	sadd.s32 s4, s6;
	[dreg:$0x0] =	wrdreg $0x0  }
0xa9: {  	s6 =	sshll.u32 s28, $0x1;
	[dreg:$0x2] =	wrdreg s4  }
0xaa: {  	[dreg:$0x3] =	wrdreg s6  }
0xab: {  	[dreg:$0x4] =	wrdreg $0xC0  }
0xac: {  	_ =	task [dreg:s8], $0x5FFFF  }
0xad: {  	[dreg:$0x1] =	wrdreg $0xFFFFFFFF  }
0xae: {  	[dreg:$0x0] =	wrdreg $0x60  }
0xaf: {  	[dreg:$0x2] =	wrdreg s24  }
0xb0: {  	[dreg:$0x3] =	wrdreg s2  }
0xb1: {  	[dreg:$0x4] =	wrdreg s18  }
0xb2: {  	[dreg:$0x5] =	wrdreg $0xA  }
0xb3: {  	_ =	task.clear_ibuf [dreg:s8], $0x6FFFF;
	_ =	strace $0x90000046  }
0xb4: {  	s29 =	simm.s32 $0xA;
	_ =	strace $0x80000048  }
0xb5: {  	_ =	swait.ge [sflag:s29], $0x1  }
0xb6: {  	[sflag:s29] =	ssyncadd.s32 $0xFFFFFFFF  }
0xb7: {  	_ =	strace $0x90000048  }
0xb8: {  	_ =	sfence  }
0xb9: {  	s30 =	sld [smem:$0x0];
	_ =	sdelay $0x2  }
0xba: {  	s31 =	sshll.u32 s1, $0xD;
	s1 =	sshrl.u32 s1, $0x2  }
0xbb: {  	s3 =	sand.u32 $0x4000, s31;
	s1 =	sadd.s32 s1, s30  }
0xbc: {  	s0 =	sor.u32 s3, s0;
	s1 =	sshll.u32 s1, $0x11  }
0xbd: {  	s0 =	sor.u32 s1, s0  }
0xbe: {  	s0 =	sadd.s32 $0x8F2B, s0  }
0xbf: {  	[sflag:s0] =	ssyncadd.remote.s32 $0x1  }
0xc0: {  	_ =	sfence.sel $0xFFFF  }
0xc1: {  	[dreg:$0x0] =	wrdreg $0xFFFFFFFF;
	(pc) =	sbr.abs _section_cstart, $3  }
0xc2: {  	[dreg:$0x1] =	wrdreg $0xFFFFFFFF  }
0xc3: {  	_ =	task.clear_ibuf [dreg:s8], $0x2FFFF;
	_ =	strace $0x9FFFFFFF  }
0xc4: {  	(tm) =	ssettm $0x7FFFFFFF  }
0xc5: {  	_ =	shalt  }
tec
execute0_lowered:
.L_overlay_start_1:
0x0: {  	(tag) =	ssettag $0x1  }
0x1: {  	s0 =	rddreg [dreg:$0x0]  }
0x2: {  	s2 =	rddreg [dreg:$0x1]  }
0x3: {  	s6 =	rddreg [dreg:$0x2]  }
0x4: {  	s1 =	simm.s32 $0x0;
	s7 =	srdreg.scid;
	s12 =	stileid.u32  }
0x5: {  	s14 =	simm.s32 $0x9;
	s18 =	simm.s32 $0x1;
	[smem:$0x7FF] =	sst s1  }
0x6: {  	s3 =	sadd.s32 $0x4200, s0;
	s4 =	sadd.s32 $0x24200, s0;
	s5 =	sadd.s32 $0x2C200, s0  }
0x7: {  	s9 =	sand.u32 $0x1, s7;
	s19 =	sshll.u32 s12, $0xF;
	s8 =	sshll.u32 s12, $0x9  }
0x8: {  	s21 =	sshll.u32 s12, $0xD;
	_ =	strace $0x80000047;
	s10 =	sshll.u32 s9, $0x8  }
0x9: {  	s11 =	sadd.s32 s19, s0;
	s20 =	ssub.s32 $0x2, s9;
	s25 =	sshll.u32 s9, $0xC  }
0xa: {  	s26 =	sshll.u32 s9, $0xE;
	s19 =	simm.s32 $0x2;
	s8 =	sor.u32 s10, s8  }
0xb: {  	s22 =	sshrl.u32 s20, $0x1;
	s10 =	sadd.s32 s21, s0;
	s21 =	simm.s32 $0x4  }
0xc: {  	s8 =	sshrl.u32 s8, $0x3;
	s12 =	ssub.s32 s20, s22;
	s20 =	simm.s32 $0x3  }
0xd: {  	s22 =	simm.s32 $0x5;
	s23 =	sor.u32 $0x400, s8;
	s8 =	sadd.s32 $0x4300, s0  }
0xe: {  	s28 =	smax.u32 s12, $0x1;
	s2 =	sadd.s32 s2, s23;
	s24 =	sadd.s32 s6, s23  }
.Ltmp0:
0xf: {  	[dreg:$0x6] =	wrdreg s28;
	s6 =	sadd.s32 s26, s11;
	(pc) =	sbr.rel .LBB2_1-.Ltmp0, $4  }
0x10: {  	s23 =	simm.s32 $0x6;
	s26 =	simm.s32 $0x0;
	[dreg:$0x4] =	wrdreg s2  }
0x11: {  	v2 =	vlaneseq.u32;
	[dreg:$0x5] =	wrdreg s24;
	s2 =	sadd.s32 s25, s10;
	s30 =	sadd.s32 $0x74200, s6  }
0x12: {  	vm0 =	vmmov $0xffff;
	v1 =	vshrl.u32 v2, $0x3;
	s29 =	sadd.s32 $0xF4200, s6;
	s24 =	simm.s32 $0x7;
	s25 =	simm.s32 $0x8  }
0x13: {  	v0 =	vand.u32 $0x7, v2;
	v2 =	vor.u32 $0x8, v2;
	v1 =	vmul.u32 $0x8, v1;
	s0 =	sadd.s32 $0x34200, s2;
	s31 =	sadd.s32 $0x54200, s2;
	s2 =	simm.s32 $0x20  }
.LBB2_5:
0x14: {  	_ =	swait.ge [sflag:s22], $0x4000  }
0x15: {  	[sflag:s22] =	ssyncset.done $0x0  }
0x16: {  	[sflag:s22] =	ssyncadd.s32 $0xFFFFC000  }
0x17: {  	_ =	swait.ge [sflag:s23], $0x4000  }
0x18: {  	[sflag:s23] =	ssyncset.done $0x0  }
0x19: {  	[sflag:s23] =	ssyncadd.s32 $0xFFFFC000  }
0x1a: {  	_ =	swait.ge [sflag:s24], $0x1000  }
0x1b: {  	[sflag:s24] =	ssyncset.done $0x0  }
0x1c: {  	[sflag:s24] =	ssyncadd.s32 $0xFFFFF000  }
0x1d: {  	_ =	swait.ge [sflag:s25], $0x1000  }
0x1e: {  	[sflag:s25] =	ssyncset.done $0x0  }
0x1f: {  	[sflag:s25] =	ssyncadd.s32 $0xFFFFF000  }
0x20: {  	_ =	swait.ge [sflag:s22], $0x4000  }
0x21: {  	[sflag:s22] =	ssyncset.done $0x0  }
0x22: {  	[sflag:s22] =	ssyncadd.s32 $0xFFFFC000  }
0x23: {  	_ =	swait.ge [sflag:s23], $0x4000  }
0x24: {  	[sflag:s23] =	ssyncset.done $0x0  }
0x25: {  	[sflag:s23] =	ssyncadd.s32 $0xFFFFC000  }
0x26: {  	_ =	swait.ge [sflag:s24], $0x1000  }
0x27: {  	[sflag:s24] =	ssyncset.done $0x0  }
0x28: {  	[sflag:s24] =	ssyncadd.s32 $0xFFFFF000  }
0x29: {  	_ =	swait.ge [sflag:s25], $0x1000  }
0x2a: {  	[sflag:s25] =	ssyncset.done $0x0  }
0x2b: {  	[sflag:s25] =	ssyncadd.s32 $0xFFFFF000  }
0x2c: {  	_ =	swait.ge [sflag:s22], $0x4000  }
0x2d: {  	[sflag:s22] =	ssyncset.done $0x0  }
0x2e: {  	[sflag:s22] =	ssyncadd.s32 $0xFFFFC000  }
0x2f: {  	_ =	swait.ge [sflag:s23], $0x4000  }
0x30: {  	[sflag:s23] =	ssyncset.done $0x0  }
0x31: {  	[sflag:s23] =	ssyncadd.s32 $0xFFFFC000  }
0x32: {  	_ =	swait.ge [sflag:s24], $0x1000  }
0x33: {  	[sflag:s24] =	ssyncset.done $0x0  }
0x34: {  	[sflag:s24] =	ssyncadd.s32 $0xFFFFF000  }
0x35: {  	_ =	swait.ge [sflag:s25], $0x1000  }
0x36: {  	s26 =	sadd.s32 $0x1, s26;
	s6 =	rddreg [dreg:$0x6]  }
0x37: {  	p0 =	sne.s32 s26, s6  }
.Ltmp1:
0x38: {  	_ = 	snop;
	(pc) =	sbr.rel @!p0 .LBB2_6-.Ltmp1, $3  }
0x39: {  	_ =	sdelay $0x1  }
0x3a: {  	[sflag:s25] =	ssyncset.done $0x0  }
0x3b: {  	[sflag:s25] =	ssyncadd.s32 $0xFFFFF000  }
.LBB2_1:
0x3c: {  	s6 =	rddreg [dreg:$0x4]  }
0x3d: {  	[tilespmem:s1], [sflag:$0x9] =	stream.linear.gather [hbm4b:s6+s1], $0x100, $0x38;
	[tilespmem:$0x1E200] =	vst v63  }
0x3e: {  	_ =	swait.ge [sflag:s14], $0x100  }
0x3f: {  	[sflag:s14] =	ssyncset.done $0x0  }
0x40: {  	s7 =	simm.s32 $0x100;
	s15 =	rddreg [dreg:$0x5];
	[sflag:s14] =	ssyncadd.s32 $0xFFFFFF00  }
0x41: {  	[tilespmem:s7], [sflag:$0x9] =	stream.linear.gather [hbm4b:s15+s1], $0x100, $0x38;
	[tilespmem:$0x1E200] =	vst v63  }
0x42: {  	_ =	swait.ge [sflag:s14], $0x100  }
0x43: {  	[sflag:s14] =	ssyncset.done $0x0  }
0x44: {  	[sflag:s14] =	ssyncadd.s32 $0xFFFFFF00  }
0x45: {  	v3 =	vld [tilespmem:$0x0];
	_ =	sdelay $0x4  }
0x46: {  	v4 =	vshll.u32 v3, $0x2  }
0x47: {  	v3 =	vand.u32 $0x7, v3;
	v4 =	vand.u32 $0xFFFFFFE0, v4  }
0x48: {  	v3 =	vor.u32 v3, v4  }
0x49: {  	v4 =	vperm.xlane v3, v0;
	_ =	sdelay $0x1  }
0x4a: {  	v4 =	vadd.s32 v1, v4;
	_ =	sdelay $0x1  }
0x4b: {  	v3 =	vperm.xlane v3, v2;
	_ =	sdelay $0x1  }
0x4c: {  	s16 =	simm.s32 $0x200;
	v3 =	vadd.s32 v1, v3  }
0x4d: {  	[tilespmem:s16], [sflag:$0x1] =	stream.indirect_vreg.gather [hbm4b:s3+s1], $0x80, v4, vm0, $0xb8;
	[tilespmem:$0x1E200] =	vst v63  }
0x4e: {  	s17 =	simm.s32 $0xA00  }
0x4f: {  	[tilespmem:s17], [sflag:$0x1] =	stream.indirect_vreg.gather [hbm4b:s8+s1], $0x80, v4, vm0, $0xb8;
	[tilespmem:$0x1E200] =	vst v63  }
0x50: {  	s9 =	simm.s32 $0x1200  }
0x51: {  	[tilespmem:s9], [sflag:$0x1] =	stream.indirect_vreg.gather [hbm4b:s3+s1], $0x80, v3, vm0, $0xb8;
	[tilespmem:$0x1E200] =	vst v63  }
0x52: {  	s10 =	simm.s32 $0x1A00  }
0x53: {  	[tilespmem:s10], [sflag:$0x1] =	stream.indirect_vreg.gather [hbm4b:s8+s1], $0x80, v3, vm0, $0xb8;
	[tilespmem:$0x1E200] =	vst v63  }
0x54: {  	v3 =	vld [tilespmem:$0x10];
	_ =	sdelay $0x4  }
0x55: {  	v61 =	vshll.u32 v3, $0x2  }
0x56: {  	v3 =	vand.u32 $0x7, v3;
	v4 =	vand.u32 $0xFFFFFFE0, v61  }
0x57: {  	v3 =	vor.u32 v3, v4  }
0x58: {  	v4 =	vperm.xlane v3, v0;
	_ =	sdelay $0x1  }
0x59: {  	v4 =	vadd.s32 v1, v4;
	_ =	sdelay $0x1  }
0x5a: {  	v3 =	vperm.xlane v3, v2;
	_ =	sdelay $0x1  }
0x5b: {  	s11 =	simm.s32 $0x2200;
	v3 =	vadd.s32 v1, v3  }
0x5c: {  	[tilespmem:s11], [sflag:$0x1] =	stream.indirect_vreg.gather [hbm4b:s3+s1], $0x80, v4, vm0, $0xb8;
	[tilespmem:$0x1E200] =	vst v63  }
0x5d: {  	s12 =	simm.s32 $0x2A00  }
0x5e: {  	[tilespmem:s12], [sflag:$0x1] =	stream.indirect_vreg.gather [hbm4b:s8+s1], $0x80, v4, vm0, $0xb8;
	[tilespmem:$0x1E200] =	vst v63  }
0x5f: {  	s13 =	simm.s32 $0x3200  }
0x60: {  	[tilespmem:s13], [sflag:$0x1] =	stream.indirect_vreg.gather [hbm4b:s3+s1], $0x80, v3, vm0, $0xb8;
	[tilespmem:$0x1E200] =	vst v63  }
0x61: {  	s15 =	simm.s32 $0x3A00  }
0x62: {  	[tilespmem:s15], [sflag:$0x1] =	stream.indirect_vreg.gather [hbm4b:s8+s1], $0x80, v3, vm0, $0xb8;
	[tilespmem:$0x1E200] =	vst v63  }
0x63: {  	v3 =	vld [tilespmem:$0x100];
	_ =	sdelay $0x4  }
0x64: {  	v62 =	vshll.u32 v3, $0x2  }
0x65: {  	v3 =	vand.u32 $0x7, v3;
	v4 =	vand.u32 $0xFFFFFFE0, v62  }
0x66: {  	v3 =	vor.u32 v3, v4  }
0x67: {  	v4 =	vperm.xlane v3, v0;
	_ =	sdelay $0x1  }
0x68: {  	v4 =	vadd.s32 v1, v4;
	_ =	sdelay $0x1  }
0x69: {  	v3 =	vperm.xlane v3, v2;
	_ =	sdelay $0x1  }
0x6a: {  	s16 =	simm.s32 $0xC200;
	v3 =	vadd.s32 v1, v3  }
0x6b: {  	[tilespmem:s16], [sflag:$0x2] =	stream.indirect_vreg.gather [hbm4b:s3+s1], $0x80, v4, vm0, $0xb8;
	[tilespmem:$0x1E200] =	vst v63  }
0x6c: {  	s17 =	simm.s32 $0xCA00  }
0x6d: {  	[tilespmem:s17], [sflag:$0x2] =	stream.indirect_vreg.gather [hbm4b:s8+s1], $0x80, v4, vm0, $0xb8;
	[tilespmem:$0x1E200] =	vst v63  }
0x6e: {  	s9 =	simm.s32 $0xD200  }
0x6f: {  	[tilespmem:s9], [sflag:$0x2] =	stream.indirect_vreg.gather [hbm4b:s3+s1], $0x80, v3, vm0, $0xb8;
	[tilespmem:$0x1E200] =	vst v63  }
0x70: {  	s10 =	simm.s32 $0xDA00  }
0x71: {  	[tilespmem:s10], [sflag:$0x2] =	stream.indirect_vreg.gather [hbm4b:s8+s1], $0x80, v3, vm0, $0xb8;
	[tilespmem:$0x1E200] =	vst v63  }
0x72: {  	v3 =	vld [tilespmem:$0x110];
	_ =	sdelay $0x4  }
0x73: {  	v63 =	vshll.u32 v3, $0x2  }
0x74: {  	v3 =	vand.u32 $0x7, v3;
	v4 =	vand.u32 $0xFFFFFFE0, v63  }
0x75: {  	v3 =	vor.u32 v3, v4  }
0x76: {  	v4 =	vperm.xlane v3, v0;
	_ =	sdelay $0x1  }
0x77: {  	v4 =	vadd.s32 v1, v4;
	_ =	sdelay $0x1  }
0x78: {  	v3 =	vperm.xlane v3, v2;
	_ =	sdelay $0x1  }
0x79: {  	s11 =	simm.s32 $0xE200;
	v3 =	vadd.s32 v1, v3  }
0x7a: {  	[tilespmem:s11], [sflag:$0x2] =	stream.indirect_vreg.gather [hbm4b:s3+s1], $0x80, v4, vm0, $0xb8;
	[tilespmem:$0x1E200] =	vst v63  }
0x7b: {  	s12 =	simm.s32 $0xEA00  }
0x7c: {  	[tilespmem:s12], [sflag:$0x2] =	stream.indirect_vreg.gather [hbm4b:s8+s1], $0x80, v4, vm0, $0xb8;
	[tilespmem:$0x1E200] =	vst v63  }
0x7d: {  	s13 =	simm.s32 $0xF200  }
0x7e: {  	[tilespmem:s13], [sflag:$0x2] =	stream.indirect_vreg.gather [hbm4b:s3+s1], $0x80, v3, vm0, $0xb8;
	[tilespmem:$0x1E200] =	vst v63  }
0x7f: {  	s15 =	simm.s32 $0xFA00  }
0x80: {  	[tilespmem:s15], [sflag:$0x2] =	stream.indirect_vreg.gather [hbm4b:s8+s1], $0x80, v3, vm0, $0xb8;
	[tilespmem:$0x1E200] =	vst v63  }
.Ltmp2:
0x81: {  	s28 =	simm.s32 $0x0;
	s16 =	simm.s32 $0x18200;
	(pc) =	sbr.rel .LBB2_2-.Ltmp2, $4  }
0x82: {  	s17 =	simm.s32 $0x1B200;
	s10 =	smov.u32 s0;
	s11 =	smov.u32 s31  }
0x83: {  	[tilespmem:s16], [sflag:$0x3] =	stream.indirect.gather [hbm4b:s4+s2], $0x80, s1, s2, $0xb8;
	[tilespmem:$0x1E200] =	vst v63  }
0x84: {  	s12 =	smov.u32 s30;
	s13 =	smov.u32 s29;
	s16 =	simm.s32 $0x0  }
0x85: {  	[tilespmem:s17], [sflag:$0x4] =	stream.indirect.gather [hbm4b:s5+s2], $0x80, s7, s2, $0xb8;
	[tilespmem:$0x1E200] =	vst v63  }
.LBB2_4:
0x86: {  	_ =	swait.ge [sflag:s18], $0x4000  }
0x87: {  	[sflag:s18] =	ssyncset.done $0x0  }
0x88: {  	s6 =	smul.u32 $0xAB, s16;
	[sflag:s18] =	ssyncadd.s32 $0xFFFFC000  }
0x89: {  	_ =	swait.ge [sflag:s19], $0x4000  }
0x8a: {  	s6 =	sshrl.u32 s6, $0x9;
	[sflag:s19] =	ssyncset.done $0x0  }
0x8b: {  	s6 =	sand.u32 $0x7F, s6;
	[sflag:s19] =	ssyncadd.s32 $0xFFFFC000  }
0x8c: {  	s6 =	smul.u32 $0x3, s6;
	_ =	swait.ge [sflag:s20], $0x1000  }
0x8d: {  	[sflag:s20] =	ssyncset.done $0x0  }
0x8e: {  	s6 =	ssub.s32 s16, s6;
	[sflag:s20] =	ssyncadd.s32 $0xFFFFF000  }
0x8f: {  	s6 =	sand.u32 $0xFF, s6;
	_ =	swait.ge [sflag:s21], $0x1000  }
0x90: {  	s7 =	sshll.u32 s6, $0xE;
	[sflag:s21] =	ssyncset.done $0x0  }
0x91: {  	s28 =	sadd.s32 $0x80, s28;
	s9 =	sor.u32 $0x200, s7;
	[sflag:s21] =	ssyncadd.s32 $0xFFFFF000  }
0x92: {  	[hbm4b:s12+s1] =	stream.linear.scatter [tilespmem:s9], [sflag:$0x5], $0x4000, $0x38;
	[tilespmem:$0x1E200] =	vst v63  }
0x93: {  	p0 =	sne.s32 s28, $0x400;
	s6 =	sshll.u32 s6, $0xC;
	s7 =	sadd.s32 $0xC200, s7  }
0x94: {  	[hbm4b:s13+s1] =	stream.linear.scatter [tilespmem:s7], [sflag:$0x6], $0x4000, $0x38;
	[tilespmem:$0x1E200] =	vst v63  }
.Ltmp3:
0x95: {  	s16 =	sor.u32 $0x18200, s6;
	(pc) =	sbr.rel @!p0 .LBB2_5-.Ltmp3, $4  }
0x96: {  	[hbm4b:s10+s1] =	stream.linear.scatter [tilespmem:s16], [sflag:$0x7], $0x1000, $0x38;
	[tilespmem:$0x1E200] =	vst v63  }
0x97: {  	s6 =	sadd.s32 $0x1B200, s6;
	s12 =	sadd.s32 $0x800, s12;
	s13 =	sadd.s32 $0x800, s13  }
0x98: {  	[hbm4b:s11+s1] =	stream.linear.scatter [tilespmem:s6], [sflag:$0x8], $0x1000, $0x38;
	[tilespmem:$0x1E200] =	vst v63  }
0x99: {  	s10 =	sadd.s32 $0x200, s10;
	s16 =	smov.u32 s17;
	s11 =	sadd.s32 $0x200, s11  }
.LBB2_2:
0x9a: {  	p0 =	seq.s32 s28, $0x380  }
.Ltmp4:
0x9b: {  	_ = 	snop;
	(pc) =	sbr.rel @p0 .LBB2_4-.Ltmp4, $2  }
0x9c: {  	_ =	sdelay $0x2  }
0x9d: {  	s17 =	sadd.s32 $0x1, s16  }
0x9e: {  	p0 =	slt.u32 s16, $0x2  }
0x9f: {  	s6 =	simm.s32 @!p0 $0x5  }
0xa0: {  	_ =	swait.ge @!p0 [sflag:s6], $0x4000  }
0xa1: {  	[sflag:s6] =	ssyncset.done @!p0 $0x0  }
0xa2: {  	[sflag:s6] =	ssyncadd.s32 @!p0 $0xFFFFC000;
	s6 =	simm.s32 @!p0 $0x6  }
0xa3: {  	_ =	swait.ge @!p0 [sflag:s6], $0x4000  }
0xa4: {  	[sflag:s6] =	ssyncset.done @!p0 $0x0  }
0xa5: {  	[sflag:s6] =	ssyncadd.s32 @!p0 $0xFFFFC000;
	s6 =	simm.s32 @!p0 $0x7  }
0xa6: {  	_ =	swait.ge @!p0 [sflag:s6], $0x1000  }
0xa7: {  	[sflag:s6] =	ssyncset.done @!p0 $0x0  }
0xa8: {  	[sflag:s6] =	ssyncadd.s32 @!p0 $0xFFFFF000;
	s6 =	simm.s32 @!p0 $0x8  }
0xa9: {  	_ =	swait.ge @!p0 [sflag:s6], $0x1000  }
0xaa: {  	[sflag:s6] =	ssyncset.done @!p0 $0x0  }
0xab: {  	[sflag:s6] =	ssyncadd.s32 @!p0 $0xFFFFF000;
	s6 =	sshra.s32 s28, $0x2  }
0xac: {  	v3 =	vld [tilespmem:s6+$0x20];
	_ =	sdelay $0x4  }
0xad: {  	s7 =	smul.u32 $0xAB, s17;
	v4 =	vshll.u32 v3, $0x2  }
0xae: {  	v3 =	vand.u32 $0x7, v3;
	v4 =	vand.u32 $0xFFFFFFE0, v4  }
0xaf: {  	s7 =	sshrl.u32 s7, $0x9;
	v3 =	vor.u32 v3, v4  }
0xb0: {  	s7 =	sand.u32 $0x7F, s7;
	v4 =	vperm.xlane v3, v0  }
0xb1: {  	s7 =	smul.u32 $0x3, s7  }
0xb2: {  	v4 =	vadd.s32 v1, v4  }
0xb3: {  	s7 =	ssub.s32 s17, s7  }
0xb4: {  	s7 =	sand.u32 $0xFF, s7;
	v3 =	vperm.xlane v3, v2  }
0xb5: {  	s9 =	sshll.u32 s7, $0xE  }
0xb6: {  	s15 =	sor.u32 $0x200, s9;
	v3 =	vadd.s32 v1, v3  }
0xb7: {  	[tilespmem:s15], [sflag:$0x1] =	stream.indirect_vreg.gather [hbm4b:s3+s1], $0x80, v4, vm0, $0xb8;
	[tilespmem:$0x1E200] =	vst v63  }
0xb8: {  	s15 =	sor.u32 $0xA00, s9  }
0xb9: {  	[tilespmem:s15], [sflag:$0x1] =	stream.indirect_vreg.gather [hbm4b:s8+s1], $0x80, v4, vm0, $0xb8;
	[tilespmem:$0x1E200] =	vst v63  }
0xba: {  	s15 =	sor.u32 $0x1200, s9  }
0xbb: {  	[tilespmem:s15], [sflag:$0x1] =	stream.indirect_vreg.gather [hbm4b:s3+s1], $0x80, v3, vm0, $0xb8;
	[tilespmem:$0x1E200] =	vst v63  }
0xbc: {  	s15 =	sor.u32 $0x1A00, s9  }
0xbd: {  	[tilespmem:s15], [sflag:$0x1] =	stream.indirect_vreg.gather [hbm4b:s8+s1], $0x80, v3, vm0, $0xb8;
	[tilespmem:$0x1E200] =	vst v63  }
0xbe: {  	v3 =	vld [tilespmem:s6+$0x30];
	_ =	sdelay $0x4  }
0xbf: {  	v61 =	vshll.u32 v3, $0x2  }
0xc0: {  	v3 =	vand.u32 $0x7, v3;
	v4 =	vand.u32 $0xFFFFFFE0, v61  }
0xc1: {  	v3 =	vor.u32 v3, v4  }
0xc2: {  	v4 =	vperm.xlane v3, v0;
	_ =	sdelay $0x1  }
0xc3: {  	v4 =	vadd.s32 v1, v4;
	_ =	sdelay $0x1  }
0xc4: {  	v3 =	vperm.xlane v3, v2;
	_ =	sdelay $0x1  }
0xc5: {  	s15 =	sor.u32 $0x2200, s9;
	v3 =	vadd.s32 v1, v3  }
0xc6: {  	[tilespmem:s15], [sflag:$0x1] =	stream.indirect_vreg.gather [hbm4b:s3+s1], $0x80, v4, vm0, $0xb8;
	[tilespmem:$0x1E200] =	vst v63  }
0xc7: {  	s15 =	sor.u32 $0x2A00, s9  }
0xc8: {  	[tilespmem:s15], [sflag:$0x1] =	stream.indirect_vreg.gather [hbm4b:s8+s1], $0x80, v4, vm0, $0xb8;
	[tilespmem:$0x1E200] =	vst v63  }
0xc9: {  	s15 =	sor.u32 $0x3200, s9  }
0xca: {  	[tilespmem:s15], [sflag:$0x1] =	stream.indirect_vreg.gather [hbm4b:s3+s1], $0x80, v3, vm0, $0xb8;
	[tilespmem:$0x1E200] =	vst v63  }
0xcb: {  	s15 =	sor.u32 $0x3A00, s9  }
0xcc: {  	[tilespmem:s15], [sflag:$0x1] =	stream.indirect_vreg.gather [hbm4b:s8+s1], $0x80, v3, vm0, $0xb8;
	[tilespmem:$0x1E200] =	vst v63  }
0xcd: {  	v3 =	vld [tilespmem:s6+$0x120];
	_ =	sdelay $0x4  }
0xce: {  	v62 =	vshll.u32 v3, $0x2  }
0xcf: {  	v3 =	vand.u32 $0x7, v3;
	v4 =	vand.u32 $0xFFFFFFE0, v62  }
0xd0: {  	v3 =	vor.u32 v3, v4  }
0xd1: {  	v4 =	vperm.xlane v3, v0;
	_ =	sdelay $0x1  }
0xd2: {  	v4 =	vadd.s32 v1, v4;
	_ =	sdelay $0x1  }
0xd3: {  	v3 =	vperm.xlane v3, v2;
	_ =	sdelay $0x1  }
0xd4: {  	s15 =	sadd.s32 $0xC200, s9;
	v3 =	vadd.s32 v1, v3  }
0xd5: {  	[tilespmem:s15], [sflag:$0x2] =	stream.indirect_vreg.gather [hbm4b:s3+s1], $0x80, v4, vm0, $0xb8;
	[tilespmem:$0x1E200] =	vst v63  }
0xd6: {  	s15 =	sadd.s32 $0xCA00, s9  }
0xd7: {  	[tilespmem:s15], [sflag:$0x2] =	stream.indirect_vreg.gather [hbm4b:s8+s1], $0x80, v4, vm0, $0xb8;
	[tilespmem:$0x1E200] =	vst v63  }
0xd8: {  	s15 =	sadd.s32 $0xD200, s9  }
0xd9: {  	[tilespmem:s15], [sflag:$0x2] =	stream.indirect_vreg.gather [hbm4b:s3+s1], $0x80, v3, vm0, $0xb8;
	[tilespmem:$0x1E200] =	vst v63  }
0xda: {  	s15 =	sadd.s32 $0xDA00, s9  }
0xdb: {  	[tilespmem:s15], [sflag:$0x2] =	stream.indirect_vreg.gather [hbm4b:s8+s1], $0x80, v3, vm0, $0xb8;
	[tilespmem:$0x1E200] =	vst v63  }
0xdc: {  	v3 =	vld [tilespmem:s6+$0x130];
	_ =	sdelay $0x4  }
0xdd: {  	v63 =	vshll.u32 v3, $0x2  }
0xde: {  	v3 =	vand.u32 $0x7, v3;
	v4 =	vand.u32 $0xFFFFFFE0, v63  }
0xdf: {  	v3 =	vor.u32 v3, v4  }
0xe0: {  	v4 =	vperm.xlane v3, v0;
	_ =	sdelay $0x1  }
0xe1: {  	v4 =	vadd.s32 v1, v4;
	_ =	sdelay $0x1  }
0xe2: {  	v3 =	vperm.xlane v3, v2;
	_ =	sdelay $0x1  }
0xe3: {  	s15 =	sadd.s32 $0xE200, s9;
	v3 =	vadd.s32 v1, v3  }
0xe4: {  	[tilespmem:s15], [sflag:$0x2] =	stream.indirect_vreg.gather [hbm4b:s3+s1], $0x80, v4, vm0, $0xb8;
	[tilespmem:$0x1E200] =	vst v63  }
0xe5: {  	s15 =	sadd.s32 $0xEA00, s9  }
0xe6: {  	[tilespmem:s15], [sflag:$0x2] =	stream.indirect_vreg.gather [hbm4b:s8+s1], $0x80, v4, vm0, $0xb8;
	[tilespmem:$0x1E200] =	vst v63  }
0xe7: {  	s15 =	sadd.s32 $0xF200, s9  }
0xe8: {  	[tilespmem:s15], [sflag:$0x2] =	stream.indirect_vreg.gather [hbm4b:s3+s1], $0x80, v3, vm0, $0xb8;
	[tilespmem:$0x1E200] =	vst v63  }
0xe9: {  	s9 =	sadd.s32 $0xFA00, s9  }
0xea: {  	[tilespmem:s9], [sflag:$0x2] =	stream.indirect_vreg.gather [hbm4b:s8+s1], $0x80, v3, vm0, $0xb8;
	[tilespmem:$0x1E200] =	vst v63  }
.Ltmp5:
0xeb: {  	s7 =	sshll.u32 s7, $0xC;
	(pc) =	sbr.rel .LBB2_4-.Ltmp5, $4  }
0xec: {  	s15 =	sor.u32 $0x18200, s7;
	s9 =	sadd.s32 $0x20, s6  }
0xed: {  	[tilespmem:s15], [sflag:$0x3] =	stream.indirect.gather [hbm4b:s4+s2], $0x80, s9, s2, $0xb8;
	[tilespmem:$0x1E200] =	vst v63  }
0xee: {  	s7 =	sadd.s32 $0x1B200, s7;
	s6 =	sadd.s32 $0x120, s6  }
0xef: {  	[tilespmem:s7], [sflag:$0x4] =	stream.indirect.gather [hbm4b:s5+s2], $0x80, s6, s2, $0xb8;
	[tilespmem:$0x1E200] =	vst v63  }
.LBB2_6:
0xf0: {  	_ =	sfence.sel $0x180000  }
0xf1: {  	[bflag:$0x0] =	sbarrier.arrive $0xFFFF  }
0xf2: {  	_ =	strace $0x90000047  }
0xf3: {  	s0 =	stileid.u32;
	[bflag:$0x2] =	sbarrier.arrive $0xFFFF  }
0xf4: {  	p0 =	sne.s32 s0, $0x0;
	s0 =	rddreg [dreg:$0x3]  }
0xf5: {  	s0 =	sadd.s32 @!p0 $0x100000, s0  }
0xf6: {  	[sflag:s0] =	ssyncadd.tile.s32 @!p0 $0x1;
	_ =	shalt  }
.Lfunc_end2:
_tile_overlayer_lowered:
.L_overlay_start_2:
0xf7: {  	(tag) =	ssettag $0x2  }
0xf8: {  	s0 =	rddreg [dreg:$0x0];
	s2 =	stileid.u32  }
0xf9: {  	s1 =	rddreg [dreg:$0x1];
	p0 =	sne.s32 s2, $0x0  }
0xfa: {  	s3 =	rddreg [dreg:$0x2];
	[bflag:$0x3] =	sbarrier.arrive $0xFFFF;
	s2 =	simm.s32 @!p0 $0x1C09  }
0xfb: {  	[timem:s3], [sflag:s2] =	dma.local @!p0 [hbm:s0], s1  }
0xfc: {  	s0 =	simm.s32 @!p0 $0x9  }
0xfd: {  	_ =	swait.ge @!p0 [sflag:s0], s1  }
0xfe: {  	s1 =	ssub.s32 @!p0 $0x0, s1;
	[sflag:s0] =	ssyncset.done @!p0 $0x0  }
0xff: {  	[sflag:s0] =	ssyncadd.s32 @!p0 s1  }
0x100: {  	[bflag:$0x3] =	sbarrier.arrive $0xFFFF  }
0x101: {  	_ =	shalt  }

// kernel: kernel.9.cloned.1.call-start
scs
__scs_entry_jumppad:
0x0: {  	(pc) =	sbr.rel $0x88, $3  }
0x1: {  	(tag) =	ssettag $0x0;
	lr =	simm.s32 $0x1  }
0x2: {  	[smem:$0x3F91] =	sst lr;
	_ =	strace $0xD0000000  }
0x3: {  	_ = 	snop  }
0x4: {  	_ = 	snop  }
0x5: {  	_ = 	snop  }
0x6: {  	_ = 	snop  }
0x7: {  	_ = 	snop  }
__scs_overlays_trampoline_lowered:
0x8: {  	[smem:$0x3FA0] =	sst s0  }
0x9: {  	[smem:$0x3FA1] =	sst s1  }
0xa: {  	[smem:$0x3FA2] =	sst s2  }
0xb: {  	[smem:$0x3FA3] =	sst s3  }
0xc: {  	[smem:$0x3FA4] =	sst s4  }
0xd: {  	[smem:$0x3FA5] =	sst s5  }
0xe: {  	[smem:$0x3FA6] =	sst s6  }
0xf: {  	[smem:$0x3FA7] =	sst s7  }
0x10: {  	[smem:$0x3FA8] =	sst s8  }
0x11: {  	[smem:$0x3FA9] =	sst s9;
	s0 =	simm.s32 @!p0 $0x0  }
0x12: {  	s1 =	sld [smem:$0x3F8F];
	s0 =	simm.s32 @p0 $0x1  }
0x13: {  	[smem:$0x3FAA] =	sst s0;
	s0 =	simm.s32 @!p1 $0x0  }
0x14: {  	s2 =	sld [smem:$0x3F8E];
	s0 =	simm.s32 @p1 $0x1  }
0x15: {  	[smem:$0x3FAB] =	sst s0;
	s0 =	simm.s32 @!p2 $0x0  }
0x16: {  	s3 =	sld [smem:$0x3FDB];
	s0 =	simm.s32 @p2 $0x1  }
0x17: {  	s4 =	simm.s32 $0x1BF5;
	[smem:$0x3FAD] =	sst s0  }
0x18: {  	s0 =	sld [smem:$0x3F90];
	_ =	swait.ge [sflag:s4], $0x0  }
0x19: {  	s7 =	sld [smem:$0x3F91]  }
0x1a: {  	s8 =	sadd.s32 $0xFFFFE003, lr  }
0x1b: {  	s9 =	sadd.s32 $0xFFFFFEF7, lr;
	s5 =	simm.s32 $0xFFFFFFFF;
	p2 =	slt.u32 s8, $0xFFFFF086  }
0x1c: {  	p1 =	slt.u32 s9, $0xF7A;
	s5 =	simm.s32 @!p2 $0x0  }
0x1d: {  	s5 =	simm.s32 @p1 $0x1;
	p0 =	seq.s32 s7, s2  }
0x1e: {  	s7 =	smul.u32 @!p0 $0xF7A, s2;
	p2 =	seq.s32 @!p0 s5, $0x0  }
0x1f: {  	s9 =	smul.u32 $0xF7A, s1;
	s8 =	simm.s32 @!p0 $0x1BF5;
	p2 =	por !p2, p0  }
0x20: {  	[sflag:s8] =	ssyncset.s32 @!p0 $0xFFFFF086;
	s6 =	sadd.s32 @!p0 s3, s7;
	s7 =	simm.s32 @!p0 $0x108  }
0x21: {  	s3 =	sadd.s32 s3, s9;
	s6 =	sadd.s32 @!p0 $0x88, s6;
	s7 =	simm.s32 @p2 $0x1082  }
0x22: {  	[simem:s7], [sflag:s8] =	dma.local @!p0 [hbm:s6], $0xF7A  }
0x23: {  	s9 =	sor.u32 $0xD0000000, s2;
	s6 =	simm.s32 $0x108;
	_ =	swait.ge @!p0 [sflag:s8], $0x0  }
0x24: {  	s3 =	sadd.s32 $0x88, s3;
	s6 =	simm.s32 @!p1 $0x1082;
	[sflag:s4] =	ssyncset.s32 $0xFFFFF086  }
0x25: {  	[simem:s6], [sflag:s4] =	dma.local [hbm:s3], $0xF7A  }
0x26: {  	[smem:$0x3F91] =	sst s1;
	(tag) =	ssettag s2;
	_ =	strace s9  }
0x27: {  	s1 =	sld [smem:$0x3FA1]  }
0x28: {  	s2 =	sld [smem:$0x3FA2]  }
0x29: {  	s4 =	sld [smem:$0x3FA4]  }
0x2a: {  	p0 =	seq.s32 s5, $0x0;
	s5 =	sld [smem:$0x3FA5]  }
0x2b: {  	s6 =	sld [smem:$0x3FA6]  }
0x2c: {  	s7 =	sld [smem:$0x3FA7]  }
0x2d: {  	s3 =	simm.s32 $0x108;
	s8 =	sld [smem:$0x3FA8]  }
0x2e: {  	s3 =	simm.s32 @!p0 $0x1082;
	s9 =	sld [smem:$0x3FA9]  }
0x2f: {  	lr =	sadd.s32 s0, s3;
	s0 =	sld [smem:$0x3FA0]  }
0x30: {  	s3 =	sld [smem:$0x3FA3]  }
0x31: {  	[smem:$0x3FAC] =	sst s10  }
0x32: {  	s10 =	sld [smem:$0x3FAA];
	_ =	sdelay $0x3  }
0x33: {  	p0 =	seq.s32 s10, $0x1;
	s10 =	sld [smem:$0x3FAC];
	_ =	sdelay $0x3  }
0x34: {  	[smem:$0x3FAC] =	sst s10  }
0x35: {  	s10 =	sld [smem:$0x3FAB];
	_ =	sdelay $0x3  }
0x36: {  	p1 =	seq.s32 s10, $0x1;
	s10 =	sld [smem:$0x3FAC];
	_ =	sdelay $0x3  }
0x37: {  	[smem:$0x3FAC] =	sst s10  }
0x38: {  	s10 =	sld [smem:$0x3FAD]  }
0x39: {  	_ = 	snop;
	(pc) =	sbr.ind lr, $3  }
0x3a: {  	_ = 	snop  }
0x3b: {  	_ = 	snop  }
0x3c: {  	p2 =	seq.s32 s10, $0x1;
	s10 =	sld [smem:$0x3FAC]  }
0x3d: {  	_ =	shalt  }
0x3e: {  	_ =	shalt  }
0x3f: {  	_ =	shalt  }
0x40: {  	_ =	shalt  }
0x41: {  	_ =	shalt  }
0x42: {  	_ =	shalt  }
0x43: {  	_ =	shalt  }
0x44: {  	_ =	shalt  }
0x45: {  	_ =	shalt  }
0x46: {  	_ =	shalt  }
0x47: {  	_ =	shalt  }
0x48: {  	_ =	shalt  }
0x49: {  	_ =	shalt  }
0x4a: {  	_ =	shalt  }
0x4b: {  	_ =	shalt  }
0x4c: {  	_ =	shalt  }
0x4d: {  	_ =	shalt  }
0x4e: {  	_ =	shalt  }
0x4f: {  	_ =	shalt  }
0x50: {  	_ =	shalt  }
0x51: {  	_ =	shalt  }
0x52: {  	_ =	shalt  }
0x53: {  	_ =	shalt  }
0x54: {  	_ =	shalt  }
0x55: {  	_ =	shalt  }
0x56: {  	_ =	shalt  }
0x57: {  	_ =	shalt  }
0x58: {  	_ =	shalt  }
0x59: {  	_ =	shalt  }
0x5a: {  	_ =	shalt  }
0x5b: {  	_ =	shalt  }
0x5c: {  	_ =	shalt  }
0x5d: {  	_ =	shalt  }
0x5e: {  	_ =	shalt  }
0x5f: {  	_ =	shalt  }
0x60: {  	_ =	shalt  }
0x61: {  	_ =	shalt  }
0x62: {  	_ =	shalt  }
0x63: {  	_ =	shalt  }
0x64: {  	_ =	shalt  }
0x65: {  	_ =	shalt  }
0x66: {  	_ =	shalt  }
0x67: {  	_ =	shalt  }
0x68: {  	_ =	shalt  }
0x69: {  	_ =	shalt  }
0x6a: {  	_ =	shalt  }
0x6b: {  	_ =	shalt  }
0x6c: {  	_ =	shalt  }
0x6d: {  	_ =	shalt  }
0x6e: {  	_ =	shalt  }
0x6f: {  	_ =	shalt  }
0x70: {  	_ =	shalt  }
0x71: {  	_ =	shalt  }
0x72: {  	_ =	shalt  }
0x73: {  	_ =	shalt  }
0x74: {  	_ =	shalt  }
0x75: {  	_ =	shalt  }
0x76: {  	_ =	shalt  }
0x77: {  	_ =	shalt  }
0x78: {  	_ =	shalt  }
0x79: {  	_ =	shalt  }
0x7a: {  	_ =	shalt  }
0x7b: {  	_ =	shalt  }
0x7c: {  	_ =	shalt  }
0x7d: {  	_ =	shalt  }
0x7e: {  	_ =	shalt  }
0x7f: {  	_ =	shalt  }
0x80: {  	_ =	shalt  }
0x81: {  	_ =	shalt  }
0x82: {  	_ =	shalt  }
0x83: {  	_ =	shalt  }
0x84: {  	_ =	shalt  }
0x85: {  	_ =	shalt  }
0x86: {  	_ =	shalt  }
0x87: {  	_ =	shalt  }
.Lfunc_end0:
.L_simem_size_0:
called_computation_lowered:
.L_overlay_start_0:
0x88: {  	s2 =	sld [smem:$0x3FD9]  }
0x89: {  	s3 =	sld [smem:$0x3FFE];
	_ =	sdelay $0x1  }
0x8a: {  	s1 =	srdreg.scid  }
0x8b: {  	s0 =	sand.u32 $0x1, s1  }
0x8c: {  	s17 =	sshll.u32 s0, $0xA;
	s2 =	sadd.s32 s3, s2  }
0x8d: {  	s2 =	sadd.s32 s2, s17  }
0x8e: {  	[smem:$0x3FB8] =	sst s2  }
0x8f: {  	_ = 	snop  }
0x90: {  	s18 =	sld [smem:$0x3FC7]  }
0x91: {  	s4 =	sld [smem:$0x3FC6];
	(tm) =	ssettm $0x1  }
0x92: {  	s19 =	sld [smem:$0x3FFB];
	_ =	sdelay $0x3  }
0x93: {  	_ =	strace s19  }
0x94: {  	s2 =	sld [smem:$0x3FFC];
	_ =	sdelay $0x3  }
0x95: {  	_ =	strace s2  }
0x96: {  	s2 =	sld [smem:$0x3FFD];
	_ =	sdelay $0x3  }
0x97: {  	_ =	strace s2  }
0x98: {  	_ =	strace $0x8FFFFFFF  }
0x99: {  	s20 =	sld [smem:$0x3FDB];
	_ =	sdelay $0x1  }
0x9a: {  	s5 =	simm.s32 $_scs_section_size  }
0x9b: {  	s6 =	simm.s32 $_size__tile_overlayer_lowered;
	s7 =	simm.s32 $_tile_overlayer_lowered  }
0x9c: {  	s8 =	simm.s32 $0x1BFF;
	s21 =	sshll.u32 s7, $0x1;
	s5 =	sadd.s32 s5, s20  }
0x9d: {  	s22 =	simm.s32 $0x0;
	s6 =	sshll.u32 s6, $0x1;
	s7 =	sadd.s32 s21, s5  }
0x9e: {  	[timem:s22], [sflag:s8] =	dma.local [hbm:s7], s6  }
0x9f: {  	_ =	swait.ge [sflag:s8], s6  }
0xa0: {  	s6 =	ssub.s32 $0x0, s6;
	[sflag:s8] =	ssyncset.done $0x0  }
0xa1: {  	[sflag:s8] =	ssyncadd.s32 s6;
	_ =	sdelay $0x1  }
0xa2: {  	s23 =	simm.s32 $0x1B8B  }
0xa3: {  	_ =	swait.ge [sflag:s23], $0x1  }
0xa4: {  	[sflag:s23] =	ssyncset.done $0x0  }
0xa5: {  	[sflag:s23] =	ssyncadd.s32 $0xFFFFFFFF  }
0xa6: {  	s6 =	sld [smem:$0x0]  }
0xa7: {  	s7 =	sand.u32 $0xFFFFFFFE, s1  }
0xa8: {  	p0 =	sne.s32 s1, s7  }
0xa9: {  	s7 =	sshll.u32 @p0 s7, $0xE  }
0xaa: {  	s7 =	sadd.s32 @p0 $0x11B8D, s7;
	s8 =	sshll.u32 @p0 s6, $0x11  }
0xab: {  	s7 =	sor.u32 @p0 s8, s7  }
0xac: {  	[sflag:s7] =	ssyncadd.remote.s32 @p0 $0x1;
	_ =	sdelay $0x1  }
0xad: {  	s7 =	simm.s32 @p0 $0x1B8D  }
0xae: {  	_ =	swait.eq @p0 [sflag:s7], $0x1  }
0xaf: {  	[sflag:s7] =	ssyncadd.s32 @p0 $0xFFFFFFFF  }
0xb0: {  	s8 =	sshll.u32 @!p0 s1, $0xE  }
0xb1: {  	s8 =	sor.u32 @!p0 $0x4000, s8;
	s7 =	simm.s32 @!p0 $0x1B8D  }
0xb2: {  	s6 =	sshll.u32 @!p0 s6, $0x11;
	s8 =	sadd.s32 @!p0 $0x11B8D, s8;
	_ =	swait.eq @!p0 [sflag:s7], $0x1  }
0xb3: {  	s6 =	sor.u32 @!p0 s6, s8;
	[sflag:s7] =	ssyncadd.s32 @!p0 $0xFFFFFFFF  }
0xb4: {  	s25 =	simm.s32 $0x1B8E;
	s24 =	sld [smem:$0x3FFE];
	[sflag:s6] =	ssyncadd.remote.s32 @!p0 $0x1  }
0xb5: {  	s26 =	simm.s32 $execute0_lowered;
	[smem:$0x3FD2] =	sst s25  }
0xb6: {  	s7 =	sshll.u32 s26, $0x1;
	_ =	strace $0x80000049;
	[dreg:$0x1] =	wrdreg $0xFFFFFFFF  }
0xb7: {  	s28 =	simm.s32 $_size_execute0_lowered;
	s5 =	sadd.s32 s5, s7;
	[dreg:$0x0] =	wrdreg $0x0  }
0xb8: {  	s7 =	sshll.u32 s28, $0x1;
	[dreg:$0x2] =	wrdreg s5  }
0xb9: {  	[dreg:$0x3] =	wrdreg s7  }
0xba: {  	[dreg:$0x4] =	wrdreg $0xC0  }
0xbb: {  	_ =	task [dreg:s22], $0x5FFFF  }
0xbc: {  	[dreg:$0x1] =	wrdreg $0xFFFFFFFF  }
0xbd: {  	[dreg:$0x0] =	wrdreg $0x60  }
0xbe: {  	[dreg:$0x2] =	wrdreg s24  }
0xbf: {  	[dreg:$0x3] =	wrdreg s18  }
0xc0: {  	[dreg:$0x4] =	wrdreg s4  }
0xc1: {  	[dreg:$0x5] =	wrdreg $0x9  }
0xc2: {  	_ =	task.clear_ibuf [dreg:s22], $0x6FFFF;
	_ =	strace $0x90000049  }
0xc3: {  	s29 =	simm.s32 $0x9;
	_ =	strace $0x8000004B  }
0xc4: {  	_ =	swait.ge [sflag:s29], $0x1  }
0xc5: {  	[sflag:s29] =	ssyncadd.s32 $0xFFFFFFFF  }
0xc6: {  	_ =	strace $0x9000004B  }
0xc7: {  	_ =	sfence  }
0xc8: {  	s30 =	sld [smem:$0x0];
	_ =	sdelay $0x2  }
0xc9: {  	s31 =	sshll.u32 s1, $0xD;
	s1 =	sshrl.u32 s1, $0x2  }
0xca: {  	s4 =	sand.u32 $0x4000, s31;
	s1 =	sadd.s32 s1, s30  }
0xcb: {  	s0 =	sor.u32 s4, s0;
	s1 =	sshll.u32 s1, $0x11  }
0xcc: {  	s0 =	sor.u32 s1, s0  }
0xcd: {  	s0 =	sadd.s32 $0x8F2B, s0  }
0xce: {  	[sflag:s0] =	ssyncadd.remote.s32 $0x1  }
0xcf: {  	_ =	sfence.sel $0xFFFF  }
0xd0: {  	[dreg:$0x0] =	wrdreg $0xFFFFFFFF;
	(pc) =	sbr.abs _section_cstart, $3  }
0xd1: {  	[dreg:$0x1] =	wrdreg $0xFFFFFFFF  }
0xd2: {  	_ =	task.clear_ibuf [dreg:s22], $0x2FFFF;
	_ =	strace $0x9FFFFFFF  }
0xd3: {  	(tm) =	ssettm $0x7FFFFFFF  }
tec
execute0_lowered:
.L_overlay_start_1:
0x0: {  	(tag) =	ssettag $0x1  }
0x1: {  	s0 =	rddreg [dreg:$0x0]  }
0x2: {  	s1 =	rddreg [dreg:$0x1]  }
0x3: {  	s6 =	rddreg [dreg:$0x2];
	s2 =	simm.s32 $0x0;
	s12 =	stileid.u32  }
0x4: {  	s8 =	srdreg.scid;
	s14 =	simm.s32 $0x9;
	[smem:$0x7FF] =	sst s2  }
0x5: {  	s3 =	sadd.s32 $0x4200, s0;
	s4 =	sadd.s32 $0x24200, s0;
	s7 =	sshll.u32 s12, $0xF  }
0x6: {  	s5 =	sadd.s32 $0x2C200, s0;
	s10 =	sand.u32 $0x1, s8;
	s19 =	sshll.u32 s12, $0x9  }
0x7: {  	s12 =	sshll.u32 s12, $0xD;
	_ =	strace $0x8000004A;
	s9 =	sadd.s32 s7, s0  }
0x8: {  	s18 =	ssub.s32 $0x2, s10;
	s11 =	sshll.u32 s10, $0x8;
	s20 =	sadd.s32 s12, s0  }
0x9: {  	s24 =	sshll.u32 s10, $0xC;
	s25 =	sshll.u32 s10, $0xE;
	s13 =	sshrl.u32 s18, $0x1  }
0xa: {  	s8 =	sor.u32 s11, s19;
	s26 =	sadd.s32 s25, s9;
	s19 =	simm.s32 $0x2  }
0xb: {  	s25 =	simm.s32 $0x8;
	s22 =	sshrl.u32 s8, $0x3;
	s8 =	sadd.s32 $0x4300, s0  }
0xc: {  	s21 =	ssub.s32 s18, s13;
	s30 =	sadd.s32 $0x1B4200, s26;
	s29 =	sadd.s32 $0x234200, s26  }
0xd: {  	s18 =	simm.s32 $0x1;
	s26 =	simm.s32 $0x0;
	s1 =	sadd.s32 s1, s22  }
.Ltmp0:
0xe: {  	s23 =	sadd.s32 s6, s22;
	[dreg:$0x4] =	wrdreg s1;
	(pc) =	sbr.rel .LBB2_1-.Ltmp0, $4  }
0xf: {  	s28 =	smax.u32 s21, $0x1;
	s21 =	simm.s32 $0x4;
	[dreg:$0x5] =	wrdreg s23  }
0x10: {  	v2 =	vlaneseq.u32;
	s22 =	simm.s32 $0x5;
	s1 =	sadd.s32 s24, s20;
	[dreg:$0x6] =	wrdreg s28  }
0x11: {  	vm0 =	vmmov $0xffff;
	v1 =	vshrl.u32 v2, $0x3;
	s20 =	simm.s32 $0x3;
	s23 =	simm.s32 $0x6;
	s24 =	simm.s32 $0x7  }
0x12: {  	v0 =	vand.u32 $0x7, v2;
	v2 =	vor.u32 $0x8, v2;
	v1 =	vmul.u32 $0x8, v1;
	s0 =	sadd.s32 $0x174200, s1;
	s31 =	sadd.s32 $0x194200, s1;
	s1 =	simm.s32 $0x20  }
.LBB2_5:
0x13: {  	_ =	swait.ge [sflag:s22], $0x4000  }
0x14: {  	[sflag:s22] =	ssyncset.done $0x0  }
0x15: {  	[sflag:s22] =	ssyncadd.s32 $0xFFFFC000  }
0x16: {  	_ =	swait.ge [sflag:s23], $0x4000  }
0x17: {  	[sflag:s23] =	ssyncset.done $0x0  }
0x18: {  	[sflag:s23] =	ssyncadd.s32 $0xFFFFC000  }
0x19: {  	_ =	swait.ge [sflag:s24], $0x1000  }
0x1a: {  	[sflag:s24] =	ssyncset.done $0x0  }
0x1b: {  	[sflag:s24] =	ssyncadd.s32 $0xFFFFF000  }
0x1c: {  	_ =	swait.ge [sflag:s25], $0x1000  }
0x1d: {  	[sflag:s25] =	ssyncset.done $0x0  }
0x1e: {  	[sflag:s25] =	ssyncadd.s32 $0xFFFFF000  }
0x1f: {  	_ =	swait.ge [sflag:s22], $0x4000  }
0x20: {  	[sflag:s22] =	ssyncset.done $0x0  }
0x21: {  	[sflag:s22] =	ssyncadd.s32 $0xFFFFC000  }
0x22: {  	_ =	swait.ge [sflag:s23], $0x4000  }
0x23: {  	[sflag:s23] =	ssyncset.done $0x0  }
0x24: {  	[sflag:s23] =	ssyncadd.s32 $0xFFFFC000  }
0x25: {  	_ =	swait.ge [sflag:s24], $0x1000  }
0x26: {  	[sflag:s24] =	ssyncset.done $0x0  }
0x27: {  	[sflag:s24] =	ssyncadd.s32 $0xFFFFF000  }
0x28: {  	_ =	swait.ge [sflag:s25], $0x1000  }
0x29: {  	[sflag:s25] =	ssyncset.done $0x0  }
0x2a: {  	[sflag:s25] =	ssyncadd.s32 $0xFFFFF000  }
0x2b: {  	_ =	swait.ge [sflag:s22], $0x4000  }
0x2c: {  	[sflag:s22] =	ssyncset.done $0x0  }
0x2d: {  	[sflag:s22] =	ssyncadd.s32 $0xFFFFC000  }
0x2e: {  	_ =	swait.ge [sflag:s23], $0x4000  }
0x2f: {  	[sflag:s23] =	ssyncset.done $0x0  }
0x30: {  	[sflag:s23] =	ssyncadd.s32 $0xFFFFC000  }
0x31: {  	_ =	swait.ge [sflag:s24], $0x1000  }
0x32: {  	[sflag:s24] =	ssyncset.done $0x0  }
0x33: {  	[sflag:s24] =	ssyncadd.s32 $0xFFFFF000  }
0x34: {  	_ =	swait.ge [sflag:s25], $0x1000  }
0x35: {  	s26 =	sadd.s32 $0x1, s26;
	s6 =	rddreg [dreg:$0x6]  }
0x36: {  	p0 =	sne.s32 s26, s6  }
.Ltmp1:
0x37: {  	_ = 	snop;
	(pc) =	sbr.rel @!p0 .LBB2_6-.Ltmp1, $3  }
0x38: {  	_ =	sdelay $0x1  }
0x39: {  	[sflag:s25] =	ssyncset.done $0x0  }
0x3a: {  	[sflag:s25] =	ssyncadd.s32 $0xFFFFF000  }
.LBB2_1:
0x3b: {  	s6 =	rddreg [dreg:$0x4]  }
0x3c: {  	[tilespmem:s2], [sflag:$0x9] =	stream.linear.gather [hbm4b:s6+s2], $0x100, $0x38;
	[tilespmem:$0x1E200] =	vst v63  }
0x3d: {  	_ =	swait.ge [sflag:s14], $0x100  }
0x3e: {  	[sflag:s14] =	ssyncset.done $0x0  }
0x3f: {  	s7 =	simm.s32 $0x100;
	s15 =	rddreg [dreg:$0x5];
	[sflag:s14] =	ssyncadd.s32 $0xFFFFFF00  }
0x40: {  	[tilespmem:s7], [sflag:$0x9] =	stream.linear.gather [hbm4b:s15+s2], $0x100, $0x38;
	[tilespmem:$0x1E200] =	vst v63  }
0x41: {  	_ =	swait.ge [sflag:s14], $0x100  }
0x42: {  	[sflag:s14] =	ssyncset.done $0x0  }
0x43: {  	[sflag:s14] =	ssyncadd.s32 $0xFFFFFF00  }
0x44: {  	v3 =	vld [tilespmem:$0x0];
	_ =	sdelay $0x4  }
0x45: {  	v4 =	vshll.u32 v3, $0x2  }
0x46: {  	v3 =	vand.u32 $0x7, v3;
	v4 =	vand.u32 $0xFFFFFFE0, v4  }
0x47: {  	v3 =	vor.u32 v3, v4  }
0x48: {  	v4 =	vperm.xlane v3, v0;
	_ =	sdelay $0x1  }
0x49: {  	v4 =	vadd.s32 v1, v4;
	_ =	sdelay $0x1  }
0x4a: {  	v3 =	vperm.xlane v3, v2;
	_ =	sdelay $0x1  }
0x4b: {  	s16 =	simm.s32 $0x200;
	v3 =	vadd.s32 v1, v3  }
0x4c: {  	[tilespmem:s16], [sflag:$0x1] =	stream.indirect_vreg.gather [hbm4b:s3+s2], $0x80, v4, vm0, $0xb8;
	[tilespmem:$0x1E200] =	vst v63  }
0x4d: {  	s17 =	simm.s32 $0xA00  }
0x4e: {  	[tilespmem:s17], [sflag:$0x1] =	stream.indirect_vreg.gather [hbm4b:s8+s2], $0x80, v4, vm0, $0xb8;
	[tilespmem:$0x1E200] =	vst v63  }
0x4f: {  	s9 =	simm.s32 $0x1200  }
0x50: {  	[tilespmem:s9], [sflag:$0x1] =	stream.indirect_vreg.gather [hbm4b:s3+s2], $0x80, v3, vm0, $0xb8;
	[tilespmem:$0x1E200] =	vst v63  }
0x51: {  	s10 =	simm.s32 $0x1A00  }
0x52: {  	[tilespmem:s10], [sflag:$0x1] =	stream.indirect_vreg.gather [hbm4b:s8+s2], $0x80, v3, vm0, $0xb8;
	[tilespmem:$0x1E200] =	vst v63  }
0x53: {  	v3 =	vld [tilespmem:$0x10];
	_ =	sdelay $0x4  }
0x54: {  	v61 =	vshll.u32 v3, $0x2  }
0x55: {  	v3 =	vand.u32 $0x7, v3;
	v4 =	vand.u32 $0xFFFFFFE0, v61  }
0x56: {  	v3 =	vor.u32 v3, v4  }
0x57: {  	v4 =	vperm.xlane v3, v0;
	_ =	sdelay $0x1  }
0x58: {  	v4 =	vadd.s32 v1, v4;
	_ =	sdelay $0x1  }
0x59: {  	v3 =	vperm.xlane v3, v2;
	_ =	sdelay $0x1  }
0x5a: {  	s11 =	simm.s32 $0x2200;
	v3 =	vadd.s32 v1, v3  }
0x5b: {  	[tilespmem:s11], [sflag:$0x1] =	stream.indirect_vreg.gather [hbm4b:s3+s2], $0x80, v4, vm0, $0xb8;
	[tilespmem:$0x1E200] =	vst v63  }
0x5c: {  	s12 =	simm.s32 $0x2A00  }
0x5d: {  	[tilespmem:s12], [sflag:$0x1] =	stream.indirect_vreg.gather [hbm4b:s8+s2], $0x80, v4, vm0, $0xb8;
	[tilespmem:$0x1E200] =	vst v63  }
0x5e: {  	s13 =	simm.s32 $0x3200  }
0x5f: {  	[tilespmem:s13], [sflag:$0x1] =	stream.indirect_vreg.gather [hbm4b:s3+s2], $0x80, v3, vm0, $0xb8;
	[tilespmem:$0x1E200] =	vst v63  }
0x60: {  	s15 =	simm.s32 $0x3A00  }
0x61: {  	[tilespmem:s15], [sflag:$0x1] =	stream.indirect_vreg.gather [hbm4b:s8+s2], $0x80, v3, vm0, $0xb8;
	[tilespmem:$0x1E200] =	vst v63  }
0x62: {  	v3 =	vld [tilespmem:$0x100];
	_ =	sdelay $0x4  }
0x63: {  	v62 =	vshll.u32 v3, $0x2  }
0x64: {  	v3 =	vand.u32 $0x7, v3;
	v4 =	vand.u32 $0xFFFFFFE0, v62  }
0x65: {  	v3 =	vor.u32 v3, v4  }
0x66: {  	v4 =	vperm.xlane v3, v0;
	_ =	sdelay $0x1  }
0x67: {  	v4 =	vadd.s32 v1, v4;
	_ =	sdelay $0x1  }
0x68: {  	v3 =	vperm.xlane v3, v2;
	_ =	sdelay $0x1  }
0x69: {  	s16 =	simm.s32 $0xC200;
	v3 =	vadd.s32 v1, v3  }
0x6a: {  	[tilespmem:s16], [sflag:$0x2] =	stream.indirect_vreg.gather [hbm4b:s3+s2], $0x80, v4, vm0, $0xb8;
	[tilespmem:$0x1E200] =	vst v63  }
0x6b: {  	s17 =	simm.s32 $0xCA00  }
0x6c: {  	[tilespmem:s17], [sflag:$0x2] =	stream.indirect_vreg.gather [hbm4b:s8+s2], $0x80, v4, vm0, $0xb8;
	[tilespmem:$0x1E200] =	vst v63  }
0x6d: {  	s9 =	simm.s32 $0xD200  }
0x6e: {  	[tilespmem:s9], [sflag:$0x2] =	stream.indirect_vreg.gather [hbm4b:s3+s2], $0x80, v3, vm0, $0xb8;
	[tilespmem:$0x1E200] =	vst v63  }
0x6f: {  	s10 =	simm.s32 $0xDA00  }
0x70: {  	[tilespmem:s10], [sflag:$0x2] =	stream.indirect_vreg.gather [hbm4b:s8+s2], $0x80, v3, vm0, $0xb8;
	[tilespmem:$0x1E200] =	vst v63  }
0x71: {  	v3 =	vld [tilespmem:$0x110];
	_ =	sdelay $0x4  }
0x72: {  	v63 =	vshll.u32 v3, $0x2  }
0x73: {  	v3 =	vand.u32 $0x7, v3;
	v4 =	vand.u32 $0xFFFFFFE0, v63  }
0x74: {  	v3 =	vor.u32 v3, v4  }
0x75: {  	v4 =	vperm.xlane v3, v0;
	_ =	sdelay $0x1  }
0x76: {  	v4 =	vadd.s32 v1, v4;
	_ =	sdelay $0x1  }
0x77: {  	v3 =	vperm.xlane v3, v2;
	_ =	sdelay $0x1  }
0x78: {  	s11 =	simm.s32 $0xE200;
	v3 =	vadd.s32 v1, v3  }
0x79: {  	[tilespmem:s11], [sflag:$0x2] =	stream.indirect_vreg.gather [hbm4b:s3+s2], $0x80, v4, vm0, $0xb8;
	[tilespmem:$0x1E200] =	vst v63  }
0x7a: {  	s12 =	simm.s32 $0xEA00  }
0x7b: {  	[tilespmem:s12], [sflag:$0x2] =	stream.indirect_vreg.gather [hbm4b:s8+s2], $0x80, v4, vm0, $0xb8;
	[tilespmem:$0x1E200] =	vst v63  }
0x7c: {  	s13 =	simm.s32 $0xF200  }
0x7d: {  	[tilespmem:s13], [sflag:$0x2] =	stream.indirect_vreg.gather [hbm4b:s3+s2], $0x80, v3, vm0, $0xb8;
	[tilespmem:$0x1E200] =	vst v63  }
0x7e: {  	s15 =	simm.s32 $0xFA00  }
0x7f: {  	[tilespmem:s15], [sflag:$0x2] =	stream.indirect_vreg.gather [hbm4b:s8+s2], $0x80, v3, vm0, $0xb8;
	[tilespmem:$0x1E200] =	vst v63  }
.Ltmp2:
0x80: {  	s28 =	simm.s32 $0x0;
	s16 =	simm.s32 $0x18200;
	(pc) =	sbr.rel .LBB2_2-.Ltmp2, $4  }
0x81: {  	s17 =	simm.s32 $0x1B200;
	s9 =	smov.u32 s0;
	s10 =	smov.u32 s31  }
0x82: {  	[tilespmem:s16], [sflag:$0x3] =	stream.indirect.gather [hbm4b:s4+s1], $0x80, s2, s1, $0xb8;
	[tilespmem:$0x1E200] =	vst v63  }
0x83: {  	s12 =	smov.u32 s30;
	s13 =	smov.u32 s29;
	s16 =	simm.s32 $0x0  }
0x84: {  	[tilespmem:s17], [sflag:$0x4] =	stream.indirect.gather [hbm4b:s5+s1], $0x80, s7, s1, $0xb8;
	[tilespmem:$0x1E200] =	vst v63  }
.LBB2_4:
0x85: {  	_ =	swait.ge [sflag:s18], $0x4000  }
0x86: {  	[sflag:s18] =	ssyncset.done $0x0  }
0x87: {  	s6 =	smul.u32 $0xAB, s16;
	[sflag:s18] =	ssyncadd.s32 $0xFFFFC000  }
0x88: {  	_ =	swait.ge [sflag:s19], $0x4000  }
0x89: {  	s6 =	sshrl.u32 s6, $0x9;
	[sflag:s19] =	ssyncset.done $0x0  }
0x8a: {  	s6 =	sand.u32 $0x7F, s6;
	[sflag:s19] =	ssyncadd.s32 $0xFFFFC000  }
0x8b: {  	s6 =	smul.u32 $0x3, s6;
	_ =	swait.ge [sflag:s20], $0x1000  }
0x8c: {  	[sflag:s20] =	ssyncset.done $0x0  }
0x8d: {  	s6 =	ssub.s32 s16, s6;
	[sflag:s20] =	ssyncadd.s32 $0xFFFFF000  }
0x8e: {  	s6 =	sand.u32 $0xFF, s6;
	_ =	swait.ge [sflag:s21], $0x1000  }
0x8f: {  	s7 =	sshll.u32 s6, $0xE;
	[sflag:s21] =	ssyncset.done $0x0  }
0x90: {  	s28 =	sadd.s32 $0x80, s28;
	s11 =	sor.u32 $0x200, s7;
	[sflag:s21] =	ssyncadd.s32 $0xFFFFF000  }
0x91: {  	[hbm4b:s12+s2] =	stream.linear.scatter [tilespmem:s11], [sflag:$0x5], $0x4000, $0x38;
	[tilespmem:$0x1E200] =	vst v63  }
0x92: {  	p0 =	sne.s32 s28, $0x400;
	s6 =	sshll.u32 s6, $0xC;
	s7 =	sadd.s32 $0xC200, s7  }
0x93: {  	[hbm4b:s13+s2] =	stream.linear.scatter [tilespmem:s7], [sflag:$0x6], $0x4000, $0x38;
	[tilespmem:$0x1E200] =	vst v63  }
.Ltmp3:
0x94: {  	s16 =	sor.u32 $0x18200, s6;
	(pc) =	sbr.rel @!p0 .LBB2_5-.Ltmp3, $4  }
0x95: {  	[hbm4b:s9+s2] =	stream.linear.scatter [tilespmem:s16], [sflag:$0x7], $0x1000, $0x38;
	[tilespmem:$0x1E200] =	vst v63  }
0x96: {  	s6 =	sadd.s32 $0x1B200, s6;
	s12 =	sadd.s32 $0x800, s12;
	s13 =	sadd.s32 $0x800, s13  }
0x97: {  	[hbm4b:s10+s2] =	stream.linear.scatter [tilespmem:s6], [sflag:$0x8], $0x1000, $0x38;
	[tilespmem:$0x1E200] =	vst v63  }
0x98: {  	s9 =	sadd.s32 $0x200, s9;
	s16 =	smov.u32 s17;
	s10 =	sadd.s32 $0x200, s10  }
.LBB2_2:
0x99: {  	p0 =	seq.s32 s28, $0x380  }
.Ltmp4:
0x9a: {  	_ = 	snop;
	(pc) =	sbr.rel @p0 .LBB2_4-.Ltmp4, $2  }
0x9b: {  	_ =	sdelay $0x2  }
0x9c: {  	s17 =	sadd.s32 $0x1, s16  }
0x9d: {  	p0 =	slt.u32 s16, $0x2  }
0x9e: {  	s6 =	simm.s32 @!p0 $0x5  }
0x9f: {  	_ =	swait.ge @!p0 [sflag:s6], $0x4000  }
0xa0: {  	[sflag:s6] =	ssyncset.done @!p0 $0x0  }
0xa1: {  	[sflag:s6] =	ssyncadd.s32 @!p0 $0xFFFFC000;
	s6 =	simm.s32 @!p0 $0x6  }
0xa2: {  	_ =	swait.ge @!p0 [sflag:s6], $0x4000  }
0xa3: {  	[sflag:s6] =	ssyncset.done @!p0 $0x0  }
0xa4: {  	[sflag:s6] =	ssyncadd.s32 @!p0 $0xFFFFC000;
	s6 =	simm.s32 @!p0 $0x7  }
0xa5: {  	_ =	swait.ge @!p0 [sflag:s6], $0x1000  }
0xa6: {  	[sflag:s6] =	ssyncset.done @!p0 $0x0  }
0xa7: {  	[sflag:s6] =	ssyncadd.s32 @!p0 $0xFFFFF000;
	s6 =	simm.s32 @!p0 $0x8  }
0xa8: {  	_ =	swait.ge @!p0 [sflag:s6], $0x1000  }
0xa9: {  	[sflag:s6] =	ssyncset.done @!p0 $0x0  }
0xaa: {  	[sflag:s6] =	ssyncadd.s32 @!p0 $0xFFFFF000;
	s6 =	sshra.s32 s28, $0x2  }
0xab: {  	v3 =	vld [tilespmem:s6+$0x20];
	_ =	sdelay $0x4  }
0xac: {  	s7 =	smul.u32 $0xAB, s17;
	v4 =	vshll.u32 v3, $0x2  }
0xad: {  	v3 =	vand.u32 $0x7, v3;
	v4 =	vand.u32 $0xFFFFFFE0, v4  }
0xae: {  	s7 =	sshrl.u32 s7, $0x9;
	v3 =	vor.u32 v3, v4  }
0xaf: {  	s7 =	sand.u32 $0x7F, s7;
	v4 =	vperm.xlane v3, v0  }
0xb0: {  	s7 =	smul.u32 $0x3, s7  }
0xb1: {  	v4 =	vadd.s32 v1, v4  }
0xb2: {  	s7 =	ssub.s32 s17, s7  }
0xb3: {  	s7 =	sand.u32 $0xFF, s7;
	v3 =	vperm.xlane v3, v2  }
0xb4: {  	s15 =	sshll.u32 s7, $0xE  }
0xb5: {  	s11 =	sor.u32 $0x200, s15;
	v3 =	vadd.s32 v1, v3  }
0xb6: {  	[tilespmem:s11], [sflag:$0x1] =	stream.indirect_vreg.gather [hbm4b:s3+s2], $0x80, v4, vm0, $0xb8;
	[tilespmem:$0x1E200] =	vst v63  }
0xb7: {  	s11 =	sor.u32 $0xA00, s15  }
0xb8: {  	[tilespmem:s11], [sflag:$0x1] =	stream.indirect_vreg.gather [hbm4b:s8+s2], $0x80, v4, vm0, $0xb8;
	[tilespmem:$0x1E200] =	vst v63  }
0xb9: {  	s11 =	sor.u32 $0x1200, s15  }
0xba: {  	[tilespmem:s11], [sflag:$0x1] =	stream.indirect_vreg.gather [hbm4b:s3+s2], $0x80, v3, vm0, $0xb8;
	[tilespmem:$0x1E200] =	vst v63  }
0xbb: {  	s11 =	sor.u32 $0x1A00, s15  }
0xbc: {  	[tilespmem:s11], [sflag:$0x1] =	stream.indirect_vreg.gather [hbm4b:s8+s2], $0x80, v3, vm0, $0xb8;
	[tilespmem:$0x1E200] =	vst v63  }
0xbd: {  	v3 =	vld [tilespmem:s6+$0x30];
	_ =	sdelay $0x4  }
0xbe: {  	v61 =	vshll.u32 v3, $0x2  }
0xbf: {  	v3 =	vand.u32 $0x7, v3;
	v4 =	vand.u32 $0xFFFFFFE0, v61  }
0xc0: {  	v3 =	vor.u32 v3, v4  }
0xc1: {  	v4 =	vperm.xlane v3, v0;
	_ =	sdelay $0x1  }
0xc2: {  	v4 =	vadd.s32 v1, v4;
	_ =	sdelay $0x1  }
0xc3: {  	v3 =	vperm.xlane v3, v2;
	_ =	sdelay $0x1  }
0xc4: {  	s11 =	sor.u32 $0x2200, s15;
	v3 =	vadd.s32 v1, v3  }
0xc5: {  	[tilespmem:s11], [sflag:$0x1] =	stream.indirect_vreg.gather [hbm4b:s3+s2], $0x80, v4, vm0, $0xb8;
	[tilespmem:$0x1E200] =	vst v63  }
0xc6: {  	s11 =	sor.u32 $0x2A00, s15  }
0xc7: {  	[tilespmem:s11], [sflag:$0x1] =	stream.indirect_vreg.gather [hbm4b:s8+s2], $0x80, v4, vm0, $0xb8;
	[tilespmem:$0x1E200] =	vst v63  }
0xc8: {  	s11 =	sor.u32 $0x3200, s15  }
0xc9: {  	[tilespmem:s11], [sflag:$0x1] =	stream.indirect_vreg.gather [hbm4b:s3+s2], $0x80, v3, vm0, $0xb8;
	[tilespmem:$0x1E200] =	vst v63  }
0xca: {  	s11 =	sor.u32 $0x3A00, s15  }
0xcb: {  	[tilespmem:s11], [sflag:$0x1] =	stream.indirect_vreg.gather [hbm4b:s8+s2], $0x80, v3, vm0, $0xb8;
	[tilespmem:$0x1E200] =	vst v63  }
0xcc: {  	v3 =	vld [tilespmem:s6+$0x120];
	_ =	sdelay $0x4  }
0xcd: {  	v62 =	vshll.u32 v3, $0x2  }
0xce: {  	v3 =	vand.u32 $0x7, v3;
	v4 =	vand.u32 $0xFFFFFFE0, v62  }
0xcf: {  	v3 =	vor.u32 v3, v4  }
0xd0: {  	v4 =	vperm.xlane v3, v0;
	_ =	sdelay $0x1  }
0xd1: {  	v4 =	vadd.s32 v1, v4;
	_ =	sdelay $0x1  }
0xd2: {  	v3 =	vperm.xlane v3, v2;
	_ =	sdelay $0x1  }
0xd3: {  	s11 =	sadd.s32 $0xC200, s15;
	v3 =	vadd.s32 v1, v3  }
0xd4: {  	[tilespmem:s11], [sflag:$0x2] =	stream.indirect_vreg.gather [hbm4b:s3+s2], $0x80, v4, vm0, $0xb8;
	[tilespmem:$0x1E200] =	vst v63  }
0xd5: {  	s11 =	sadd.s32 $0xCA00, s15  }
0xd6: {  	[tilespmem:s11], [sflag:$0x2] =	stream.indirect_vreg.gather [hbm4b:s8+s2], $0x80, v4, vm0, $0xb8;
	[tilespmem:$0x1E200] =	vst v63  }
0xd7: {  	s11 =	sadd.s32 $0xD200, s15  }
0xd8: {  	[tilespmem:s11], [sflag:$0x2] =	stream.indirect_vreg.gather [hbm4b:s3+s2], $0x80, v3, vm0, $0xb8;
	[tilespmem:$0x1E200] =	vst v63  }
0xd9: {  	s11 =	sadd.s32 $0xDA00, s15  }
0xda: {  	[tilespmem:s11], [sflag:$0x2] =	stream.indirect_vreg.gather [hbm4b:s8+s2], $0x80, v3, vm0, $0xb8;
	[tilespmem:$0x1E200] =	vst v63  }
0xdb: {  	v3 =	vld [tilespmem:s6+$0x130];
	_ =	sdelay $0x4  }
0xdc: {  	v63 =	vshll.u32 v3, $0x2  }
0xdd: {  	v3 =	vand.u32 $0x7, v3;
	v4 =	vand.u32 $0xFFFFFFE0, v63  }
0xde: {  	v3 =	vor.u32 v3, v4  }
0xdf: {  	v4 =	vperm.xlane v3, v0;
	_ =	sdelay $0x1  }
0xe0: {  	v4 =	vadd.s32 v1, v4;
	_ =	sdelay $0x1  }
0xe1: {  	v3 =	vperm.xlane v3, v2;
	_ =	sdelay $0x1  }
0xe2: {  	s11 =	sadd.s32 $0xE200, s15;
	v3 =	vadd.s32 v1, v3  }
0xe3: {  	[tilespmem:s11], [sflag:$0x2] =	stream.indirect_vreg.gather [hbm4b:s3+s2], $0x80, v4, vm0, $0xb8;
	[tilespmem:$0x1E200] =	vst v63  }
0xe4: {  	s11 =	sadd.s32 $0xEA00, s15  }
0xe5: {  	[tilespmem:s11], [sflag:$0x2] =	stream.indirect_vreg.gather [hbm4b:s8+s2], $0x80, v4, vm0, $0xb8;
	[tilespmem:$0x1E200] =	vst v63  }
0xe6: {  	s11 =	sadd.s32 $0xF200, s15  }
0xe7: {  	[tilespmem:s11], [sflag:$0x2] =	stream.indirect_vreg.gather [hbm4b:s3+s2], $0x80, v3, vm0, $0xb8;
	[tilespmem:$0x1E200] =	vst v63  }
0xe8: {  	s15 =	sadd.s32 $0xFA00, s15  }
0xe9: {  	[tilespmem:s15], [sflag:$0x2] =	stream.indirect_vreg.gather [hbm4b:s8+s2], $0x80, v3, vm0, $0xb8;
	[tilespmem:$0x1E200] =	vst v63  }
.Ltmp5:
0xea: {  	s7 =	sshll.u32 s7, $0xC;
	(pc) =	sbr.rel .LBB2_4-.Ltmp5, $4  }
0xeb: {  	s11 =	sadd.s32 $0x20, s6;
	s15 =	sor.u32 $0x18200, s7  }
0xec: {  	[tilespmem:s15], [sflag:$0x3] =	stream.indirect.gather [hbm4b:s4+s1], $0x80, s11, s1, $0xb8;
	[tilespmem:$0x1E200] =	vst v63  }
0xed: {  	s6 =	sadd.s32 $0x120, s6;
	s7 =	sadd.s32 $0x1B200, s7  }
0xee: {  	[tilespmem:s7], [sflag:$0x4] =	stream.indirect.gather [hbm4b:s5+s1], $0x80, s6, s1, $0xb8;
	[tilespmem:$0x1E200] =	vst v63  }
.LBB2_6:
0xef: {  	_ =	sfence.sel $0x180000  }
0xf0: {  	[bflag:$0x0] =	sbarrier.arrive $0xFFFF  }
0xf1: {  	_ =	strace $0x9000004A  }
0xf2: {  	s0 =	stileid.u32;
	[bflag:$0x2] =	sbarrier.arrive $0xFFFF  }
0xf3: {  	p0 =	sne.s32 s0, $0x0;
	s0 =	rddreg [dreg:$0x3]  }
0xf4: {  	s0 =	sadd.s32 @!p0 $0x100000, s0  }
0xf5: {  	[sflag:s0] =	ssyncadd.tile.s32 @!p0 $0x1;
	_ =	shalt  }
.Lfunc_end2:
_tile_overlayer_lowered:
.L_overlay_start_2:
0xf6: {  	(tag) =	ssettag $0x2  }
0xf7: {  	s0 =	rddreg [dreg:$0x0];
	s2 =	stileid.u32  }
0xf8: {  	s1 =	rddreg [dreg:$0x1];
	p0 =	sne.s32 s2, $0x0  }
0xf9: {  	s3 =	rddreg [dreg:$0x2];
	[bflag:$0x3] =	sbarrier.arrive $0xFFFF;
	s2 =	simm.s32 @!p0 $0x1C09  }
0xfa: {  	[timem:s3], [sflag:s2] =	dma.local @!p0 [hbm:s0], s1  }
0xfb: {  	s0 =	simm.s32 @!p0 $0x9  }
0xfc: {  	_ =	swait.ge @!p0 [sflag:s0], s1  }
0xfd: {  	s1 =	ssub.s32 @!p0 $0x0, s1;
	[sflag:s0] =	ssyncset.done @!p0 $0x0  }
0xfe: {  	[sflag:s0] =	ssyncadd.s32 @!p0 s1  }
0xff: {  	[bflag:$0x3] =	sbarrier.arrive $0xFFFF  }
0x100: {  	_ =	shalt  }

</sc_bundles>
